<compile_context>
chip_gen: v7x
topology: tpu7x:2x2x1
jax: 0.10.2.dev20260603
libtpu: 0.0.44.dev20260713+nightly
codegen_flags: <defaults>
</compile_context>

<pallas_src>
import functools

import jax
import jax.numpy as jnp
from jax import lax
from jax.experimental import pallas as pl
from jax.experimental.pallas import tpu as pltpu
from jax.experimental.pallas import tpu_sc as plsc

HIDDEN = 128
EPS = 1e-12

_A_ROWS = 13
_R_ROWS = 4
_C_PAD = 64

_NC, _NS, _L = 2, 16, 16
_NW = _NC * _NS
_CHUNK = 128


def _lane_sum(v):
    s = v[0]
    for i in range(1, _L):
        s = s + v[i]
    return s


def _rsqrt(x):
    bits = lax.bitcast_convert_type(x, jnp.int32)
    y = lax.bitcast_convert_type(
        jnp.int32(0x5F3759DF) - lax.shift_right_logical(bits, 1), jnp.float32)
    for _ in range(3):
        y = y * (1.5 - 0.5 * x * y * y)
    return y


def _gather_body(n_rows_w, a_hbm, r_hbm, g_hbm, b_hbm, i_hbm, out_hbm,
                 tab_s, a_v, r_v, g_v, b_v, row_v, idx_v, rows_v, gsem, osem):
    sid = lax.axis_index("s")
    wid = sid * _NC + lax.axis_index("c")
    base = wid * n_rows_w

    pltpu.make_async_copy(i_hbm.at[pl.ds(base, n_rows_w)], idx_v, osem).start()

    @pl.when(sid < _A_ROWS)
    def _():
        pltpu.make_async_copy(a_hbm.at[sid], a_v, gsem).start()
        pltpu.make_async_copy(r_hbm, r_v, gsem).start()
        pltpu.make_async_copy(g_hbm, g_v, gsem).start()
        pltpu.make_async_copy(b_hbm, b_v, gsem).start()
        pltpu.make_async_copy(a_hbm.at[sid], a_v, gsem).wait()
        pltpu.make_async_copy(r_hbm, r_v, gsem).wait()
        pltpu.make_async_copy(g_hbm, g_v, gsem).wait()
        pltpu.make_async_copy(b_hbm, b_v, gsem).wait()
        nv = HIDDEN // _L
        for r in range(_R_ROWS):
            xs = [a_v[pl.ds(j * _L, _L)] + r_v[r, pl.ds(j * _L, _L)]
                  for j in range(nv)]
            s1 = xs[0]
            for j in range(1, nv):
                s1 = s1 + xs[j]
            mean = _lane_sum(s1) * (1.0 / HIDDEN)
            ds = [x - mean for x in xs]
            s2 = ds[0] * ds[0]
            for j in range(1, nv):
                s2 = s2 + ds[j] * ds[j]
            var = _lane_sum(s2) * (1.0 / HIDDEN)
            inv = _rsqrt(var + EPS)
            for j in range(nv):
                sl = pl.ds(j * _L, _L)
                row_v[r, sl] = ds[j] * inv * g_v[sl] + b_v[sl]
        pltpu.sync_copy(row_v, tab_s.at[pl.ds(sid * _R_ROWS, _R_ROWS)])

    pltpu.make_async_copy(i_hbm.at[pl.ds(base, n_rows_w)], idx_v, osem).wait()
    plsc.subcore_barrier()

    nbuf, grows = rows_v.shape[0], rows_v.shape[1]
    g = grows // _CHUNK
    n_groups = n_rows_w // g
    n_outer = n_groups // nbuf

    def gather_copy(chunk, b, h):
        return pltpu.make_async_copy(
            tab_s.at[idx_v.at[chunk]],
            rows_v.at[b, pl.ds(h * _CHUNK, _CHUNK)], gsem)

    def out_copy(grp, b):
        return pltpu.make_async_copy(
            rows_v.at[b],
            out_hbm.at[pl.ds((base + grp * g) * _CHUNK, grows)], osem)

    for b in range(nbuf):
        for h in range(g):
            gather_copy(b * g + h, b, h).start()

    def outer(o, _):
        for b in range(nbuf):
            grp = o * nbuf + b
            for h in range(g):
                gather_copy(grp * g + h, b, h).wait()
            out_copy(grp, b).start()

        @pl.when(o + 1 < n_outer)
        def _():
            for b in range(nbuf):
                grp = o * nbuf + b
                out_copy(grp, b).wait()
                for h in range(g):
                    gather_copy((grp + nbuf) * g + h, b, h).start()
        return 0

    lax.fori_loop(0, n_outer, outer, 0)

    for b in range(nbuf):
        out_copy((n_outer - 1) * nbuf + b, b).wait()


def _gather(angle_table, rotation_table, ln_gamma, ln_beta, idx_flat, n):
    n_rows = n // _CHUNK
    n_rows_w = n_rows // _NW
    nbuf, g = 5, 1
    mesh = plsc.VectorSubcoreMesh(core_axis_name="c", subcore_axis_name="s")
    return pl.kernel(
        functools.partial(_gather_body, n_rows_w),
        out_type=jax.ShapeDtypeStruct((n, HIDDEN), jnp.float32),
        mesh=mesh,
        scratch_types=[
            pltpu.VMEM_SHARED((_C_PAD, HIDDEN), jnp.float32),
            pltpu.VMEM((HIDDEN,), jnp.float32),
            pltpu.VMEM((_R_ROWS, HIDDEN), jnp.float32),
            pltpu.VMEM((HIDDEN,), jnp.float32),
            pltpu.VMEM((HIDDEN,), jnp.float32),
            pltpu.VMEM((_R_ROWS, HIDDEN), jnp.float32),
            pltpu.VMEM((n_rows_w, _CHUNK), jnp.int32),
            pltpu.VMEM((nbuf, g * _CHUNK, HIDDEN), jnp.float32),
            pltpu.SemaphoreType.DMA,
            pltpu.SemaphoreType.DMA,
        ],
    )(angle_table, rotation_table, ln_gamma, ln_beta,
      idx_flat.reshape(n_rows, _CHUNK))


def kernel(input_angle, input_rotation, angle_table, rotation_table,
           ln_gamma, ln_beta):
    b, t = input_angle.shape
    n = input_angle.size
    idx_flat = (input_angle.astype(jnp.int32) * _R_ROWS
                + input_rotation.astype(jnp.int32)).T.reshape(-1)
    out = _gather(angle_table, rotation_table, ln_gamma, ln_beta, idx_flat, n)
    return out.reshape(t, b, HIDDEN).transpose(1, 0, 2)

# --- scband reference (transcript-rebuilt; emitter-appended) ---
"""Pipeline reference for scband-panoramic-embeddings-5875515261575 (READ-ONLY COPY).

The authoritative reference and input builder live on the scoring server;
editing this copy changes nothing except your own understanding.
"""

import jax, jax.numpy as jnp
import numpy as np

HIDDEN = 128
EPS = 1e-12


def setup_inputs(seed: int = 0) -> dict:
    key = jax.random.key(seed)
    k1, k2, k3, k4, k5, k6 = jax.random.split(key, 6)
    input_angle = jax.random.randint(k1, (16384, 20), 0, 13).astype(jnp.int64)
    input_rotation = jax.random.randint(k2, (16384, 20), 0, 4).astype(jnp.int64)
    angle_table = jax.random.normal(k3, (13, HIDDEN), dtype=jnp.float32) * 0.02
    rotation_table = jax.random.normal(k4, (4, HIDDEN), dtype=jnp.float32) * 0.02
    ln_gamma = jnp.ones((HIDDEN,), dtype=jnp.float32)
    ln_beta = jnp.zeros((HIDDEN,), dtype=jnp.float32)
    return {
        "input_angle": input_angle,
        "input_rotation": input_rotation,
        "angle_table": angle_table,
        "rotation_table": rotation_table,
        "ln_gamma": ln_gamma,
        "ln_beta": ln_beta,
    }


def _layer_norm(x, gamma, beta, eps):
    mean = jnp.mean(x, axis=-1, keepdims=True)
    var = jnp.mean(jnp.square(x - mean), axis=-1, keepdims=True)
    xn = (x - mean) / jnp.sqrt(var + eps)
    return xn * gamma + beta


def reference(input_angle, input_rotation, angle_table, rotation_table, ln_gamma, ln_beta):
    # embedding lookups (gather rows)
    emb = jnp.take(angle_table, input_angle, axis=0) + jnp.take(rotation_table, input_rotation, axis=0)
    # LayerNorm over hidden dim
    emb = _layer_norm(emb, ln_gamma, ln_beta, EPS)
    # dropout is identity in eval mode
    return emb

if __name__ == "__main__":
    import jax
    _d = setup_inputs()
    print(jax.jit(kernel)(*tuple(_d.values())))

</pallas_src>

<mosaic_0001>
#map = affine_map<(d0, d1) -> (0, 0)>
#map1 = affine_map<(d0, d1) -> (0)>
module attributes {stable_mosaic.version = 14 : i64} {
  func.func @_gather_body(%arg0: i32, %arg1: i32, %arg2: memref<13x128xf32, #tpu.memory_space<hbm>>, %arg3: memref<4x128xf32, #tpu.memory_space<hbm>>, %arg4: memref<128xf32, #tpu.memory_space<hbm>>, %arg5: memref<128xf32, #tpu.memory_space<hbm>>, %arg6: memref<2560x128xi32, #tpu.memory_space<hbm>>, %arg7: memref<327680x128xf32, #tpu.memory_space<hbm>>, %arg8: memref<64x128xf32, #tpu.memory_space<vmem_shared>>, %arg9: memref<128xf32, #tpu.memory_space<vmem>>, %arg10: memref<4x128xf32, #tpu.memory_space<vmem>>, %arg11: memref<128xf32, #tpu.memory_space<vmem>>, %arg12: memref<128xf32, #tpu.memory_space<vmem>>, %arg13: memref<4x128xf32, #tpu.memory_space<vmem>>, %arg14: memref<80x128xi32, #tpu.memory_space<vmem>>, %arg15: memref<5x128x128xf32, #tpu.memory_space<vmem>>, %arg16: memref<!tpu.dma_semaphore, #tpu.memory_space<semaphore_mem>>, %arg17: memref<!tpu.dma_semaphore, #tpu.memory_space<semaphore_mem>>) attributes {dimension_semantics = [#tpu.dimension_semantics<core_parallel>, #tpu.dimension_semantics<subcore_parallel>], iteration_bounds = array<i64: 2, 16>, scalar_prefetch = 0 : i64, scratch_operands = 10 : i64, tpu.core_type = #tpu.core_type<sc_vector_subcore>, window_params = [{transform_indices = #map}, {transform_indices = #map}, {transform_indices = #map1}, {transform_indices = #map1}, {transform_indices = #map}, {transform_indices = #map}]} {
    %mul3A = arith.constant 2 : i32
    %mul3A_0 = arith.muli %arg1, %mul3A : i32
    %add3A = arith.addi %mul3A_0, %arg0 : i32
    %mul3A_1 = arith.constant 80 : i32
    %mul3A_2 = arith.muli %add3A, %mul3A_1 : i32
    %dma_start3A = arith.constant 0 : i32
    %dma_start3A_3 = tpu.memref_slice %arg6[%mul3A_2, %dma_start3A] : memref<2560x128xi32, #tpu.memory_space<hbm>> -> memref<80x128xi32, #tpu.memory_space<hbm>>
    %dma_start3A_4 = arith.constant 0 : i32
    %dma_start3A_5 = tpu.memref_slice %arg6[%mul3A_2, %dma_start3A_4] : memref<2560x128xi32, #tpu.memory_space<hbm>> -> memref<80x128xi32, #tpu.memory_space<hbm>>
    tpu.enqueue_dma source(%dma_start3A_5 : memref<80x128xi32, #tpu.memory_space<hbm>>) target(%arg14 : memref<80x128xi32, #tpu.memory_space<vmem>>) target_semaphore(%arg17 : memref<!tpu.dma_semaphore, #tpu.memory_space<semaphore_mem>>)
    %lt3A = arith.constant 13 : i32
    %lt3A_6 = arith.cmpi slt, %arg1, %lt3A : i32
    %convert_element_type3A = arith.extui %lt3A_6 : i1 to i32
    %cond3A = arith.constant 0 : i32
    %cond3A_7 = arith.cmpi ne, %convert_element_type3A, %cond3A : i32
    scf.if %cond3A_7 {
      %dma_start3A_162 = arith.constant 0 : i32
      %dma_start3A_163 = tpu.memref_slice %arg2[%arg1, %dma_start3A_162] : memref<13x128xf32, #tpu.memory_space<hbm>> -> memref<1x128xf32, #tpu.memory_space<hbm>>
      %dma_start3A_164 = tpu.memref_squeeze %dma_start3A_163 : memref<1x128xf32, #tpu.memory_space<hbm>> -> memref<128xf32, #tpu.memory_space<hbm>>
      %dma_start3A_165 = arith.constant 0 : i32
      %dma_start3A_166 = tpu.memref_slice %arg2[%arg1, %dma_start3A_165] : memref<13x128xf32, #tpu.memory_space<hbm>> -> memref<1x128xf32, #tpu.memory_space<hbm>>
      %dma_start3A_167 = tpu.memref_squeeze %dma_start3A_166 : memref<1x128xf32, #tpu.memory_space<hbm>> -> memref<128xf32, #tpu.memory_space<hbm>>
      tpu.enqueue_dma source(%dma_start3A_167 : memref<128xf32, #tpu.memory_space<hbm>>) target(%arg9 : memref<128xf32, #tpu.memory_space<vmem>>) target_semaphore(%arg16 : memref<!tpu.dma_semaphore, #tpu.memory_space<semaphore_mem>>)
      tpu.enqueue_dma source(%arg3 : memref<4x128xf32, #tpu.memory_space<hbm>>) target(%arg10 : memref<4x128xf32, #tpu.memory_space<vmem>>) target_semaphore(%arg16 : memref<!tpu.dma_semaphore, #tpu.memory_space<semaphore_mem>>)
      tpu.enqueue_dma source(%arg4 : memref<128xf32, #tpu.memory_space<hbm>>) target(%arg11 : memref<128xf32, #tpu.memory_space<vmem>>) target_semaphore(%arg16 : memref<!tpu.dma_semaphore, #tpu.memory_space<semaphore_mem>>)
      tpu.enqueue_dma source(%arg5 : memref<128xf32, #tpu.memory_space<hbm>>) target(%arg12 : memref<128xf32, #tpu.memory_space<vmem>>) target_semaphore(%arg16 : memref<!tpu.dma_semaphore, #tpu.memory_space<semaphore_mem>>)
      %dma_wait3A_168 = arith.constant 0 : i32
      %dma_wait3A_169 = tpu.memref_slice %arg2[%arg1, %dma_wait3A_168] : memref<13x128xf32, #tpu.memory_space<hbm>> -> memref<1x128xf32, #tpu.memory_space<hbm>>
      %dma_wait3A_170 = tpu.memref_squeeze %dma_wait3A_169 : memref<1x128xf32, #tpu.memory_space<hbm>> -> memref<128xf32, #tpu.memory_space<hbm>>
      %dma_wait3A_171 = arith.constant 0 : i32
      %dma_wait3A_172 = tpu.memref_slice %arg2[%arg1, %dma_wait3A_171] : memref<13x128xf32, #tpu.memory_space<hbm>> -> memref<1x128xf32, #tpu.memory_space<hbm>>
      %dma_wait3A_173 = tpu.memref_squeeze %dma_wait3A_172 : memref<1x128xf32, #tpu.memory_space<hbm>> -> memref<128xf32, #tpu.memory_space<hbm>>
      tpu.wait_dma2 semaphore(%arg16 : memref<!tpu.dma_semaphore, #tpu.memory_space<semaphore_mem>>) src(%dma_wait3A_173 : memref<128xf32, #tpu.memory_space<hbm>>) dst(%arg9 : memref<128xf32, #tpu.memory_space<vmem>>)
      tpu.wait_dma2 semaphore(%arg16 : memref<!tpu.dma_semaphore, #tpu.memory_space<semaphore_mem>>) src(%arg3 : memref<4x128xf32, #tpu.memory_space<hbm>>) dst(%arg10 : memref<4x128xf32, #tpu.memory_space<vmem>>)
      tpu.wait_dma2 semaphore(%arg16 : memref<!tpu.dma_semaphore, #tpu.memory_space<semaphore_mem>>) src(%arg4 : memref<128xf32, #tpu.memory_space<hbm>>) dst(%arg11 : memref<128xf32, #tpu.memory_space<vmem>>)
      tpu.wait_dma2 semaphore(%arg16 : memref<!tpu.dma_semaphore, #tpu.memory_space<semaphore_mem>>) src(%arg5 : memref<128xf32, #tpu.memory_space<hbm>>) dst(%arg12 : memref<128xf32, #tpu.memory_space<vmem>>)
      %get3A = arith.constant 0 : index
      %get3A_174 = tpu.vector_load %arg9[%get3A] {strides = array<i32>} : memref<128xf32, #tpu.memory_space<vmem>>, vector<16xf32>,
      %get3A_175 = vector.shape_cast %get3A_174 : vector<16xf32> to vector<16xf32>
      %get3A_176 = arith.constant 0 : i32
      %get3A_177 = arith.index_cast %get3A_176 : i32 to index
      %get3A_178 = arith.constant 0 : index
      %get3A_179 = tpu.vector_load %arg10[%get3A_177, %get3A_178] {strides = array<i32>} : memref<4x128xf32, #tpu.memory_space<vmem>>, vector<1x16xf32>,
      %get3A_180 = vector.shape_cast %get3A_179 : vector<1x16xf32> to vector<16xf32>
      %add3A_181 = arith.addf %get3A_175, %get3A_180 : vector<16xf32>
      %get3A_182 = arith.constant 16 : index
      %get3A_183 = tpu.vector_load %arg9[%get3A_182] {strides = array<i32>} : memref<128xf32, #tpu.memory_space<vmem>>, vector<16xf32>,
      %get3A_184 = vector.shape_cast %get3A_183 : vector<16xf32> to vector<16xf32>
      %get3A_185 = arith.constant 0 : i32
      %get3A_186 = arith.index_cast %get3A_185 : i32 to index
      %get3A_187 = arith.constant 16 : index
      %get3A_188 = tpu.vector_load %arg10[%get3A_186, %get3A_187] {strides = array<i32>} : memref<4x128xf32, #tpu.memory_space<vmem>>, vector<1x16xf32>,
      %get3A_189 = vector.shape_cast %get3A_188 : vector<1x16xf32> to vector<16xf32>
      %add3A_190 = arith.addf %get3A_184, %get3A_189 : vector<16xf32>
      %get3A_191 = arith.constant 32 : index
      %get3A_192 = tpu.vector_load %arg9[%get3A_191] {strides = array<i32>} : memref<128xf32, #tpu.memory_space<vmem>>, vector<16xf32>,
      %get3A_193 = vector.shape_cast %get3A_192 : vector<16xf32> to vector<16xf32>
      %get3A_194 = arith.constant 0 : i32
      %get3A_195 = arith.index_cast %get3A_194 : i32 to index
      %get3A_196 = arith.constant 32 : index
      %get3A_197 = tpu.vector_load %arg10[%get3A_195, %get3A_196] {strides = array<i32>} : memref<4x128xf32, #tpu.memory_space<vmem>>, vector<1x16xf32>,
      %get3A_198 = vector.shape_cast %get3A_197 : vector<1x16xf32> to vector<16xf32>
      %add3A_199 = arith.addf %get3A_193, %get3A_198 : vector<16xf32>
      %get3A_200 = arith.constant 48 : index
      %get3A_201 = tpu.vector_load %arg9[%get3A_200] {strides = array<i32>} : memref<128xf32, #tpu.memory_space<vmem>>, vector<16xf32>,
      %get3A_202 = vector.shape_cast %get3A_201 : vector<16xf32> to vector<16xf32>
      %get3A_203 = arith.constant 0 : i32
      %get3A_204 = arith.index_cast %get3A_203 : i32 to index
      %get3A_205 = arith.constant 48 : index
      %get3A_206 = tpu.vector_load %arg10[%get3A_204, %get3A_205] {strides = array<i32>} : memref<4x128xf32, #tpu.memory_space<vmem>>, vector<1x16xf32>,
      %get3A_207 = vector.shape_cast %get3A_206 : vector<1x16xf32> to vector<16xf32>
      %add3A_208 = arith.addf %get3A_202, %get3A_207 : vector<16xf32>
      %get3A_209 = arith.constant 64 : index
      %get3A_210 = tpu.vector_load %arg9[%get3A_209] {strides = array<i32>} : memref<128xf32, #tpu.memory_space<vmem>>, vector<16xf32>,
      %get3A_211 = vector.shape_cast %get3A_210 : vector<16xf32> to vector<16xf32>
      %get3A_212 = arith.constant 0 : i32
      %get3A_213 = arith.index_cast %get3A_212 : i32 to index
      %get3A_214 = arith.constant 64 : index
      %get3A_215 = tpu.vector_load %arg10[%get3A_213, %get3A_214] {strides = array<i32>} : memref<4x128xf32, #tpu.memory_space<vmem>>, vector<1x16xf32>,
      %get3A_216 = vector.shape_cast %get3A_215 : vector<1x16xf32> to vector<16xf32>
      %add3A_217 = arith.addf %get3A_211, %get3A_216 : vector<16xf32>
      %get3A_218 = arith.constant 80 : index
      %get3A_219 = tpu.vector_load %arg9[%get3A_218] {strides = array<i32>} : memref<128xf32, #tpu.memory_space<vmem>>, vector<16xf32>,
      %get3A_220 = vector.shape_cast %get3A_219 : vector<16xf32> to vector<16xf32>
      %get3A_221 = arith.constant 0 : i32
      %get3A_222 = arith.index_cast %get3A_221 : i32 to index
      %get3A_223 = arith.constant 80 : index
      %get3A_224 = tpu.vector_load %arg10[%get3A_222, %get3A_223] {strides = array<i32>} : memref<4x128xf32, #tpu.memory_space<vmem>>, vector<1x16xf32>,
      %get3A_225 = vector.shape_cast %get3A_224 : vector<1x16xf32> to vector<16xf32>
      %add3A_226 = arith.addf %get3A_220, %get3A_225 : vector<16xf32>
      %get3A_227 = arith.constant 96 : index
      %get3A_228 = tpu.vector_load %arg9[%get3A_227] {strides = array<i32>} : memref<128xf32, #tpu.memory_space<vmem>>, vector<16xf32>,
      %get3A_229 = vector.shape_cast %get3A_228 : vector<16xf32> to vector<16xf32>
      %get3A_230 = arith.constant 0 : i32
      %get3A_231 = arith.index_cast %get3A_230 : i32 to index
      %get3A_232 = arith.constant 96 : index
      %get3A_233 = tpu.vector_load %arg10[%get3A_231, %get3A_232] {strides = array<i32>} : memref<4x128xf32, #tpu.memory_space<vmem>>, vector<1x16xf32>,
      %get3A_234 = vector.shape_cast %get3A_233 : vector<1x16xf32> to vector<16xf32>
      %add3A_235 = arith.addf %get3A_229, %get3A_234 : vector<16xf32>
      %get3A_236 = arith.constant 112 : index
      %get3A_237 = tpu.vector_load %arg9[%get3A_236] {strides = array<i32>} : memref<128xf32, #tpu.memory_space<vmem>>, vector<16xf32>,
      %get3A_238 = vector.shape_cast %get3A_237 : vector<16xf32> to vector<16xf32>
      %get3A_239 = arith.constant 0 : i32
      %get3A_240 = arith.index_cast %get3A_239 : i32 to index
      %get3A_241 = arith.constant 112 : index
      %get3A_242 = tpu.vector_load %arg10[%get3A_240, %get3A_241] {strides = array<i32>} : memref<4x128xf32, #tpu.memory_space<vmem>>, vector<1x16xf32>,
      %get3A_243 = vector.shape_cast %get3A_242 : vector<1x16xf32> to vector<16xf32>
      %add3A_244 = arith.addf %get3A_238, %get3A_243 : vector<16xf32>
      %add3A_245 = arith.addf %add3A_181, %add3A_190 : vector<16xf32>
      %add3A_246 = arith.addf %add3A_245, %add3A_199 : vector<16xf32>
      %add3A_247 = arith.addf %add3A_246, %add3A_208 : vector<16xf32>
      %add3A_248 = arith.addf %add3A_247, %add3A_217 : vector<16xf32>
      %add3A_249 = arith.addf %add3A_248, %add3A_226 : vector<16xf32>
      %add3A_250 = arith.addf %add3A_249, %add3A_235 : vector<16xf32>
      %add3A_251 = arith.addf %add3A_250, %add3A_244 : vector<16xf32>
      %slice3A = vector.extract_strided_slice %add3A_251 {offsets = [0], sizes = [1], strides = [1]} : vector<16xf32> to vector<1xf32>
      %squeeze3A = vector.extract %slice3A[0] : f32 from vector<1xf32>
      %slice3A_252 = vector.extract_strided_slice %add3A_251 {offsets = [1], sizes = [1], strides = [1]} : vector<16xf32> to vector<1xf32>
      %squeeze3A_253 = vector.extract %slice3A_252[0] : f32 from vector<1xf32>
      %add3A_254 = arith.addf %squeeze3A, %squeeze3A_253 : f32
      %slice3A_255 = vector.extract_strided_slice %add3A_251 {offsets = [2], sizes = [1], strides = [1]} : vector<16xf32> to vector<1xf32>
      %squeeze3A_256 = vector.extract %slice3A_255[0] : f32 from vector<1xf32>
      %add3A_257 = arith.addf %add3A_254, %squeeze3A_256 : f32
      %slice3A_258 = vector.extract_strided_slice %add3A_251 {offsets = [3], sizes = [1], strides = [1]} : vector<16xf32> to vector<1xf32>
      %squeeze3A_259 = vector.extract %slice3A_258[0] : f32 from vector<1xf32>
      %add3A_260 = arith.addf %add3A_257, %squeeze3A_259 : f32
      %slice3A_261 = vector.extract_strided_slice %add3A_251 {offsets = [4], sizes = [1], strides = [1]} : vector<16xf32> to vector<1xf32>
      %squeeze3A_262 = vector.extract %slice3A_261[0] : f32 from vector<1xf32>
      %add3A_263 = arith.addf %add3A_260, %squeeze3A_262 : f32
      %slice3A_264 = vector.extract_strided_slice %add3A_251 {offsets = [5], sizes = [1], strides = [1]} : vector<16xf32> to vector<1xf32>
      %squeeze3A_265 = vector.extract %slice3A_264[0] : f32 from vector<1xf32>
      %add3A_266 = arith.addf %add3A_263, %squeeze3A_265 : f32
      %slice3A_267 = vector.extract_strided_slice %add3A_251 {offsets = [6], sizes = [1], strides = [1]} : vector<16xf32> to vector<1xf32>
      %squeeze3A_268 = vector.extract %slice3A_267[0] : f32 from vector<1xf32>
      %add3A_269 = arith.addf %add3A_266, %squeeze3A_268 : f32
      %slice3A_270 = vector.extract_strided_slice %add3A_251 {offsets = [7], sizes = [1], strides = [1]} : vector<16xf32> to vector<1xf32>
      %squeeze3A_271 = vector.extract %slice3A_270[0] : f32 from vector<1xf32>
      %add3A_272 = arith.addf %add3A_269, %squeeze3A_271 : f32
      %slice3A_273 = vector.extract_strided_slice %add3A_251 {offsets = [8], sizes = [1], strides = [1]} : vector<16xf32> to vector<1xf32>
      %squeeze3A_274 = vector.extract %slice3A_273[0] : f32 from vector<1xf32>
      %add3A_275 = arith.addf %add3A_272, %squeeze3A_274 : f32
      %slice3A_276 = vector.extract_strided_slice %add3A_251 {offsets = [9], sizes = [1], strides = [1]} : vector<16xf32> to vector<1xf32>
      %squeeze3A_277 = vector.extract %slice3A_276[0] : f32 from vector<1xf32>
      %add3A_278 = arith.addf %add3A_275, %squeeze3A_277 : f32
      %slice3A_279 = vector.extract_strided_slice %add3A_251 {offsets = [10], sizes = [1], strides = [1]} : vector<16xf32> to vector<1xf32>
      %squeeze3A_280 = vector.extract %slice3A_279[0] : f32 from vector<1xf32>
      %add3A_281 = arith.addf %add3A_278, %squeeze3A_280 : f32
      %slice3A_282 = vector.extract_strided_slice %add3A_251 {offsets = [11], sizes = [1], strides = [1]} : vector<16xf32> to vector<1xf32>
      %squeeze3A_283 = vector.extract %slice3A_282[0] : f32 from vector<1xf32>
      %add3A_284 = arith.addf %add3A_281, %squeeze3A_283 : f32
      %slice3A_285 = vector.extract_strided_slice %add3A_251 {offsets = [12], sizes = [1], strides = [1]} : vector<16xf32> to vector<1xf32>
      %squeeze3A_286 = vector.extract %slice3A_285[0] : f32 from vector<1xf32>
      %add3A_287 = arith.addf %add3A_284, %squeeze3A_286 : f32
      %slice3A_288 = vector.extract_strided_slice %add3A_251 {offsets = [13], sizes = [1], strides = [1]} : vector<16xf32> to vector<1xf32>
      %squeeze3A_289 = vector.extract %slice3A_288[0] : f32 from vector<1xf32>
      %add3A_290 = arith.addf %add3A_287, %squeeze3A_289 : f32
      %slice3A_291 = vector.extract_strided_slice %add3A_251 {offsets = [14], sizes = [1], strides = [1]} : vector<16xf32> to vector<1xf32>
      %squeeze3A_292 = vector.extract %slice3A_291[0] : f32 from vector<1xf32>
      %add3A_293 = arith.addf %add3A_290, %squeeze3A_292 : f32
      %slice3A_294 = vector.extract_strided_slice %add3A_251 {offsets = [15], sizes = [1], strides = [1]} : vector<16xf32> to vector<1xf32>
      %squeeze3A_295 = vector.extract %slice3A_294[0] : f32 from vector<1xf32>
      %add3A_296 = arith.addf %add3A_293, %squeeze3A_295 : f32
      %mul3A_297 = arith.constant 7.812500e-03 : f32
      %mul3A_298 = arith.mulf %add3A_296, %mul3A_297 : f32
      %sub3A = vector.broadcast %mul3A_298 : f32 to vector<16xf32>
      %sub3A_299 = arith.subf %add3A_181, %sub3A : vector<16xf32>
      %sub3A_300 = vector.broadcast %mul3A_298 : f32 to vector<16xf32>
      %sub3A_301 = arith.subf %add3A_190, %sub3A_300 : vector<16xf32>
      %sub3A_302 = vector.broadcast %mul3A_298 : f32 to vector<16xf32>
      %sub3A_303 = arith.subf %add3A_199, %sub3A_302 : vector<16xf32>
      %sub3A_304 = vector.broadcast %mul3A_298 : f32 to vector<16xf32>
      %sub3A_305 = arith.subf %add3A_208, %sub3A_304 : vector<16xf32>
      %sub3A_306 = vector.broadcast %mul3A_298 : f32 to vector<16xf32>
      %sub3A_307 = arith.subf %add3A_217, %sub3A_306 : vector<16xf32>
      %sub3A_308 = vector.broadcast %mul3A_298 : f32 to vector<16xf32>
      %sub3A_309 = arith.subf %add3A_226, %sub3A_308 : vector<16xf32>
      %sub3A_310 = vector.broadcast %mul3A_298 : f32 to vector<16xf32>
      %sub3A_311 = arith.subf %add3A_235, %sub3A_310 : vector<16xf32>
      %sub3A_312 = vector.broadcast %mul3A_298 : f32 to vector<16xf32>
      %sub3A_313 = arith.subf %add3A_244, %sub3A_312 : vector<16xf32>
      %mul3A_314 = arith.mulf %sub3A_299, %sub3A_299 : vector<16xf32>
      %mul3A_315 = arith.mulf %sub3A_301, %sub3A_301 : vector<16xf32>
      %add3A_316 = arith.addf %mul3A_314, %mul3A_315 : vector<16xf32>
      %mul3A_317 = arith.mulf %sub3A_303, %sub3A_303 : vector<16xf32>
      %add3A_318 = arith.addf %add3A_316, %mul3A_317 : vector<16xf32>
      %mul3A_319 = arith.mulf %sub3A_305, %sub3A_305 : vector<16xf32>
      %add3A_320 = arith.addf %add3A_318, %mul3A_319 : vector<16xf32>
      %mul3A_321 = arith.mulf %sub3A_307, %sub3A_307 : vector<16xf32>
      %add3A_322 = arith.addf %add3A_320, %mul3A_321 : vector<16xf32>
      %mul3A_323 = arith.mulf %sub3A_309, %sub3A_309 : vector<16xf32>
      %add3A_324 = arith.addf %add3A_322, %mul3A_323 : vector<16xf32>
      %mul3A_325 = arith.mulf %sub3A_311, %sub3A_311 : vector<16xf32>
      %add3A_326 = arith.addf %add3A_324, %mul3A_325 : vector<16xf32>
      %mul3A_327 = arith.mulf %sub3A_313, %sub3A_313 : vector<16xf32>
      %add3A_328 = arith.addf %add3A_326, %mul3A_327 : vector<16xf32>
      %slice3A_329 = vector.extract_strided_slice %add3A_328 {offsets = [0], sizes = [1], strides = [1]} : vector<16xf32> to vector<1xf32>
      %squeeze3A_330 = vector.extract %slice3A_329[0] : f32 from vector<1xf32>
      %slice3A_331 = vector.extract_strided_slice %add3A_328 {offsets = [1], sizes = [1], strides = [1]} : vector<16xf32> to vector<1xf32>
      %squeeze3A_332 = vector.extract %slice3A_331[0] : f32 from vector<1xf32>
      %add3A_333 = arith.addf %squeeze3A_330, %squeeze3A_332 : f32
      %slice3A_334 = vector.extract_strided_slice %add3A_328 {offsets = [2], sizes = [1], strides = [1]} : vector<16xf32> to vector<1xf32>
      %squeeze3A_335 = vector.extract %slice3A_334[0] : f32 from vector<1xf32>
      %add3A_336 = arith.addf %add3A_333, %squeeze3A_335 : f32
      %slice3A_337 = vector.extract_strided_slice %add3A_328 {offsets = [3], sizes = [1], strides = [1]} : vector<16xf32> to vector<1xf32>
      %squeeze3A_338 = vector.extract %slice3A_337[0] : f32 from vector<1xf32>
      %add3A_339 = arith.addf %add3A_336, %squeeze3A_338 : f32
      %slice3A_340 = vector.extract_strided_slice %add3A_328 {offsets = [4], sizes = [1], strides = [1]} : vector<16xf32> to vector<1xf32>
      %squeeze3A_341 = vector.extract %slice3A_340[0] : f32 from vector<1xf32>
      %add3A_342 = arith.addf %add3A_339, %squeeze3A_341 : f32
      %slice3A_343 = vector.extract_strided_slice %add3A_328 {offsets = [5], sizes = [1], strides = [1]} : vector<16xf32> to vector<1xf32>
      %squeeze3A_344 = vector.extract %slice3A_343[0] : f32 from vector<1xf32>
      %add3A_345 = arith.addf %add3A_342, %squeeze3A_344 : f32
      %slice3A_346 = vector.extract_strided_slice %add3A_328 {offsets = [6], sizes = [1], strides = [1]} : vector<16xf32> to vector<1xf32>
      %squeeze3A_347 = vector.extract %slice3A_346[0] : f32 from vector<1xf32>
      %add3A_348 = arith.addf %add3A_345, %squeeze3A_347 : f32
      %slice3A_349 = vector.extract_strided_slice %add3A_328 {offsets = [7], sizes = [1], strides = [1]} : vector<16xf32> to vector<1xf32>
      %squeeze3A_350 = vector.extract %slice3A_349[0] : f32 from vector<1xf32>
      %add3A_351 = arith.addf %add3A_348, %squeeze3A_350 : f32
      %slice3A_352 = vector.extract_strided_slice %add3A_328 {offsets = [8], sizes = [1], strides = [1]} : vector<16xf32> to vector<1xf32>
      %squeeze3A_353 = vector.extract %slice3A_352[0] : f32 from vector<1xf32>
      %add3A_354 = arith.addf %add3A_351, %squeeze3A_353 : f32
      %slice3A_355 = vector.extract_strided_slice %add3A_328 {offsets = [9], sizes = [1], strides = [1]} : vector<16xf32> to vector<1xf32>
      %squeeze3A_356 = vector.extract %slice3A_355[0] : f32 from vector<1xf32>
      %add3A_357 = arith.addf %add3A_354, %squeeze3A_356 : f32
      %slice3A_358 = vector.extract_strided_slice %add3A_328 {offsets = [10], sizes = [1], strides = [1]} : vector<16xf32> to vector<1xf32>
      %squeeze3A_359 = vector.extract %slice3A_358[0] : f32 from vector<1xf32>
      %add3A_360 = arith.addf %add3A_357, %squeeze3A_359 : f32
      %slice3A_361 = vector.extract_strided_slice %add3A_328 {offsets = [11], sizes = [1], strides = [1]} : vector<16xf32> to vector<1xf32>
      %squeeze3A_362 = vector.extract %slice3A_361[0] : f32 from vector<1xf32>
      %add3A_363 = arith.addf %add3A_360, %squeeze3A_362 : f32
      %slice3A_364 = vector.extract_strided_slice %add3A_328 {offsets = [12], sizes = [1], strides = [1]} : vector<16xf32> to vector<1xf32>
      %squeeze3A_365 = vector.extract %slice3A_364[0] : f32 from vector<1xf32>
      %add3A_366 = arith.addf %add3A_363, %squeeze3A_365 : f32
      %slice3A_367 = vector.extract_strided_slice %add3A_328 {offsets = [13], sizes = [1], strides = [1]} : vector<16xf32> to vector<1xf32>
      %squeeze3A_368 = vector.extract %slice3A_367[0] : f32 from vector<1xf32>
      %add3A_369 = arith.addf %add3A_366, %squeeze3A_368 : f32
      %slice3A_370 = vector.extract_strided_slice %add3A_328 {offsets = [14], sizes = [1], strides = [1]} : vector<16xf32> to vector<1xf32>
      %squeeze3A_371 = vector.extract %slice3A_370[0] : f32 from vector<1xf32>
      %add3A_372 = arith.addf %add3A_369, %squeeze3A_371 : f32
      %slice3A_373 = vector.extract_strided_slice %add3A_328 {offsets = [15], sizes = [1], strides = [1]} : vector<16xf32> to vector<1xf32>
      %squeeze3A_374 = vector.extract %slice3A_373[0] : f32 from vector<1xf32>
      %add3A_375 = arith.addf %add3A_372, %squeeze3A_374 : f32
      %mul3A_376 = arith.constant 7.812500e-03 : f32
      %mul3A_377 = arith.mulf %add3A_375, %mul3A_376 : f32
      %add3A_378 = arith.constant 9.99999996E-13 : f32
      %add3A_379 = arith.addf %mul3A_377, %add3A_378 : f32
      %bitcast_convert_type3A = arith.bitcast %add3A_379 : f32 to i32
      %shift_right_logical3A = arith.constant 1 : i32
      %shift_right_logical3A_380 = arith.shrui %bitcast_convert_type3A, %shift_right_logical3A : i32
      %sub3A_381 = arith.constant 1597463007 : i32
      %sub3A_382 = arith.subi %sub3A_381, %shift_right_logical3A_380 : i32
      %bitcast_convert_type3A_383 = arith.bitcast %sub3A_382 : i32 to f32
      %mul3A_384 = arith.constant 5.000000e-01 : f32
      %mul3A_385 = arith.mulf %mul3A_384, %add3A_379 : f32
      %mul3A_386 = arith.mulf %mul3A_385, %bitcast_convert_type3A_383 : f32
      %mul3A_387 = arith.mulf %mul3A_386, %bitcast_convert_type3A_383 : f32
      %sub3A_388 = arith.constant 1.500000e+00 : f32
      %sub3A_389 = arith.subf %sub3A_388, %mul3A_387 : f32
      %mul3A_390 = arith.mulf %bitcast_convert_type3A_383, %sub3A_389 : f32
      %mul3A_391 = arith.constant 5.000000e-01 : f32
      %mul3A_392 = arith.mulf %mul3A_391, %add3A_379 : f32
      %mul3A_393 = arith.mulf %mul3A_392, %mul3A_390 : f32
      %mul3A_394 = arith.mulf %mul3A_393, %mul3A_390 : f32
      %sub3A_395 = arith.constant 1.500000e+00 : f32
      %sub3A_396 = arith.subf %sub3A_395, %mul3A_394 : f32
      %mul3A_397 = arith.mulf %mul3A_390, %sub3A_396 : f32
      %mul3A_398 = arith.constant 5.000000e-01 : f32
      %mul3A_399 = arith.mulf %mul3A_398, %add3A_379 : f32
      %mul3A_400 = arith.mulf %mul3A_399, %mul3A_397 : f32
      %mul3A_401 = arith.mulf %mul3A_400, %mul3A_397 : f32
      %sub3A_402 = arith.constant 1.500000e+00 : f32
      %sub3A_403 = arith.subf %sub3A_402, %mul3A_401 : f32
      %mul3A_404 = arith.mulf %mul3A_397, %sub3A_403 : f32
      %mul3A_405 = vector.broadcast %mul3A_404 : f32 to vector<16xf32>
      %mul3A_406 = arith.mulf %sub3A_299, %mul3A_405 : vector<16xf32>
      %get3A_407 = arith.constant 0 : index
      %get3A_408 = tpu.vector_load %arg11[%get3A_407] {strides = array<i32>} : memref<128xf32, #tpu.memory_space<vmem>>, vector<16xf32>,
      %get3A_409 = vector.shape_cast %get3A_408 : vector<16xf32> to vector<16xf32>
      %mul3A_410 = arith.mulf %mul3A_406, %get3A_409 : vector<16xf32>
      %get3A_411 = arith.constant 0 : index
      %get3A_412 = tpu.vector_load %arg12[%get3A_411] {strides = array<i32>} : memref<128xf32, #tpu.memory_space<vmem>>, vector<16xf32>,
      %get3A_413 = vector.shape_cast %get3A_412 : vector<16xf32> to vector<16xf32>
      %add3A_414 = arith.addf %mul3A_410, %get3A_413 : vector<16xf32>
      %swap3A = arith.constant 0 : i32
      %swap3A_415 = arith.index_cast %swap3A : i32 to index
      %swap3A_416 = arith.constant 0 : index
      %swap3A_417 = tpu.vector_load %arg13[%swap3A_415, %swap3A_416] {strides = array<i32>} : memref<4x128xf32, #tpu.memory_space<vmem>>, vector<1x16xf32>,
      %swap3A_418 = vector.shape_cast %swap3A_417 : vector<1x16xf32> to vector<16xf32>
      %swap3A_419 = vector.shape_cast %add3A_414 : vector<16xf32> to vector<1x16xf32>
      tpu.vector_store %arg13[%swap3A_415, %swap3A_416], %swap3A_419 {strides = array<i32>} : memref<4x128xf32, #tpu.memory_space<vmem>>, vector<1x16xf32>,
      %mul3A_420 = vector.broadcast %mul3A_404 : f32 to vector<16xf32>
      %mul3A_421 = arith.mulf %sub3A_301, %mul3A_420 : vector<16xf32>
      %get3A_422 = arith.constant 16 : index
      %get3A_423 = tpu.vector_load %arg11[%get3A_422] {strides = array<i32>} : memref<128xf32, #tpu.memory_space<vmem>>, vector<16xf32>,
      %get3A_424 = vector.shape_cast %get3A_423 : vector<16xf32> to vector<16xf32>
      %mul3A_425 = arith.mulf %mul3A_421, %get3A_424 : vector<16xf32>
      %get3A_426 = arith.constant 16 : index
      %get3A_427 = tpu.vector_load %arg12[%get3A_426] {strides = array<i32>} : memref<128xf32, #tpu.memory_space<vmem>>, vector<16xf32>,
      %get3A_428 = vector.shape_cast %get3A_427 : vector<16xf32> to vector<16xf32>
      %add3A_429 = arith.addf %mul3A_425, %get3A_428 : vector<16xf32>
      %swap3A_430 = arith.constant 0 : i32
      %swap3A_431 = arith.index_cast %swap3A_430 : i32 to index
      %swap3A_432 = arith.constant 16 : index
      %swap3A_433 = tpu.vector_load %arg13[%swap3A_431, %swap3A_432] {strides = array<i32>} : memref<4x128xf32, #tpu.memory_space<vmem>>, vector<1x16xf32>,
      %swap3A_434 = vector.shape_cast %swap3A_433 : vector<1x16xf32> to vector<16xf32>
      %swap3A_435 = vector.shape_cast %add3A_429 : vector<16xf32> to vector<1x16xf32>
      tpu.vector_store %arg13[%swap3A_431, %swap3A_432], %swap3A_435 {strides = array<i32>} : memref<4x128xf32, #tpu.memory_space<vmem>>, vector<1x16xf32>,
      %mul3A_436 = vector.broadcast %mul3A_404 : f32 to vector<16xf32>
      %mul3A_437 = arith.mulf %sub3A_303, %mul3A_436 : vector<16xf32>
      %get3A_438 = arith.constant 32 : index
      %get3A_439 = tpu.vector_load %arg11[%get3A_438] {strides = array<i32>} : memref<128xf32, #tpu.memory_space<vmem>>, vector<16xf32>,
      %get3A_440 = vector.shape_cast %get3A_439 : vector<16xf32> to vector<16xf32>
      %mul3A_441 = arith.mulf %mul3A_437, %get3A_440 : vector<16xf32>
      %get3A_442 = arith.constant 32 : index
      %get3A_443 = tpu.vector_load %arg12[%get3A_442] {strides = array<i32>} : memref<128xf32, #tpu.memory_space<vmem>>, vector<16xf32>,
      %get3A_444 = vector.shape_cast %get3A_443 : vector<16xf32> to vector<16xf32>
      %add3A_445 = arith.addf %mul3A_441, %get3A_444 : vector<16xf32>
      %swap3A_446 = arith.constant 0 : i32
      %swap3A_447 = arith.index_cast %swap3A_446 : i32 to index
      %swap3A_448 = arith.constant 32 : index
      %swap3A_449 = tpu.vector_load %arg13[%swap3A_447, %swap3A_448] {strides = array<i32>} : memref<4x128xf32, #tpu.memory_space<vmem>>, vector<1x16xf32>,
      %swap3A_450 = vector.shape_cast %swap3A_449 : vector<1x16xf32> to vector<16xf32>
      %swap3A_451 = vector.shape_cast %add3A_445 : vector<16xf32> to vector<1x16xf32>
      tpu.vector_store %arg13[%swap3A_447, %swap3A_448], %swap3A_451 {strides = array<i32>} : memref<4x128xf32, #tpu.memory_space<vmem>>, vector<1x16xf32>,
      %mul3A_452 = vector.broadcast %mul3A_404 : f32 to vector<16xf32>
      %mul3A_453 = arith.mulf %sub3A_305, %mul3A_452 : vector<16xf32>
      %get3A_454 = arith.constant 48 : index
      %get3A_455 = tpu.vector_load %arg11[%get3A_454] {strides = array<i32>} : memref<128xf32, #tpu.memory_space<vmem>>, vector<16xf32>,
      %get3A_456 = vector.shape_cast %get3A_455 : vector<16xf32> to vector<16xf32>
      %mul3A_457 = arith.mulf %mul3A_453, %get3A_456 : vector<16xf32>
      %get3A_458 = arith.constant 48 : index
      %get3A_459 = tpu.vector_load %arg12[%get3A_458] {strides = array<i32>} : memref<128xf32, #tpu.memory_space<vmem>>, vector<16xf32>,
      %get3A_460 = vector.shape_cast %get3A_459 : vector<16xf32> to vector<16xf32>
      %add3A_461 = arith.addf %mul3A_457, %get3A_460 : vector<16xf32>
      %swap3A_462 = arith.constant 0 : i32
      %swap3A_463 = arith.index_cast %swap3A_462 : i32 to index
      %swap3A_464 = arith.constant 48 : index
      %swap3A_465 = tpu.vector_load %arg13[%swap3A_463, %swap3A_464] {strides = array<i32>} : memref<4x128xf32, #tpu.memory_space<vmem>>, vector<1x16xf32>,
      %swap3A_466 = vector.shape_cast %swap3A_465 : vector<1x16xf32> to vector<16xf32>
      %swap3A_467 = vector.shape_cast %add3A_461 : vector<16xf32> to vector<1x16xf32>
      tpu.vector_store %arg13[%swap3A_463, %swap3A_464], %swap3A_467 {strides = array<i32>} : memref<4x128xf32, #tpu.memory_space<vmem>>, vector<1x16xf32>,
      %mul3A_468 = vector.broadcast %mul3A_404 : f32 to vector<16xf32>
      %mul3A_469 = arith.mulf %sub3A_307, %mul3A_468 : vector<16xf32>
      %get3A_470 = arith.constant 64 : index
      %get3A_471 = tpu.vector_load %arg11[%get3A_470] {strides = array<i32>} : memref<128xf32, #tpu.memory_space<vmem>>, vector<16xf32>,
      %get3A_472 = vector.shape_cast %get3A_471 : vector<16xf32> to vector<16xf32>
      %mul3A_473 = arith.mulf %mul3A_469, %get3A_472 : vector<16xf32>
      %get3A_474 = arith.constant 64 : index
      %get3A_475 = tpu.vector_load %arg12[%get3A_474] {strides = array<i32>} : memref<128xf32, #tpu.memory_space<vmem>>, vector<16xf32>,
      %get3A_476 = vector.shape_cast %get3A_475 : vector<16xf32> to vector<16xf32>
      %add3A_477 = arith.addf %mul3A_473, %get3A_476 : vector<16xf32>
      %swap3A_478 = arith.constant 0 : i32
      %swap3A_479 = arith.index_cast %swap3A_478 : i32 to index
      %swap3A_480 = arith.constant 64 : index
      %swap3A_481 = tpu.vector_load %arg13[%swap3A_479, %swap3A_480] {strides = array<i32>} : memref<4x128xf32, #tpu.memory_space<vmem>>, vector<1x16xf32>,
      %swap3A_482 = vector.shape_cast %swap3A_481 : vector<1x16xf32> to vector<16xf32>
      %swap3A_483 = vector.shape_cast %add3A_477 : vector<16xf32> to vector<1x16xf32>
      tpu.vector_store %arg13[%swap3A_479, %swap3A_480], %swap3A_483 {strides = array<i32>} : memref<4x128xf32, #tpu.memory_space<vmem>>, vector<1x16xf32>,
      %mul3A_484 = vector.broadcast %mul3A_404 : f32 to vector<16xf32>
      %mul3A_485 = arith.mulf %sub3A_309, %mul3A_484 : vector<16xf32>
      %get3A_486 = arith.constant 80 : index
      %get3A_487 = tpu.vector_load %arg11[%get3A_486] {strides = array<i32>} : memref<128xf32, #tpu.memory_space<vmem>>, vector<16xf32>,
      %get3A_488 = vector.shape_cast %get3A_487 : vector<16xf32> to vector<16xf32>
      %mul3A_489 = arith.mulf %mul3A_485, %get3A_488 : vector<16xf32>
      %get3A_490 = arith.constant 80 : index
      %get3A_491 = tpu.vector_load %arg12[%get3A_490] {strides = array<i32>} : memref<128xf32, #tpu.memory_space<vmem>>, vector<16xf32>,
      %get3A_492 = vector.shape_cast %get3A_491 : vector<16xf32> to vector<16xf32>
      %add3A_493 = arith.addf %mul3A_489, %get3A_492 : vector<16xf32>
      %swap3A_494 = arith.constant 0 : i32
      %swap3A_495 = arith.index_cast %swap3A_494 : i32 to index
      %swap3A_496 = arith.constant 80 : index
      %swap3A_497 = tpu.vector_load %arg13[%swap3A_495, %swap3A_496] {strides = array<i32>} : memref<4x128xf32, #tpu.memory_space<vmem>>, vector<1x16xf32>,
      %swap3A_498 = vector.shape_cast %swap3A_497 : vector<1x16xf32> to vector<16xf32>
      %swap3A_499 = vector.shape_cast %add3A_493 : vector<16xf32> to vector<1x16xf32>
      tpu.vector_store %arg13[%swap3A_495, %swap3A_496], %swap3A_499 {strides = array<i32>} : memref<4x128xf32, #tpu.memory_space<vmem>>, vector<1x16xf32>,
      %mul3A_500 = vector.broadcast %mul3A_404 : f32 to vector<16xf32>
      %mul3A_501 = arith.mulf %sub3A_311, %mul3A_500 : vector<16xf32>
      %get3A_502 = arith.constant 96 : index
      %get3A_503 = tpu.vector_load %arg11[%get3A_502] {strides = array<i32>} : memref<128xf32, #tpu.memory_space<vmem>>, vector<16xf32>,
      %get3A_504 = vector.shape_cast %get3A_503 : vector<16xf32> to vector<16xf32>
      %mul3A_505 = arith.mulf %mul3A_501, %get3A_504 : vector<16xf32>
      %get3A_506 = arith.constant 96 : index
      %get3A_507 = tpu.vector_load %arg12[%get3A_506] {strides = array<i32>} : memref<128xf32, #tpu.memory_space<vmem>>, vector<16xf32>,
      %get3A_508 = vector.shape_cast %get3A_507 : vector<16xf32> to vector<16xf32>
      %add3A_509 = arith.addf %mul3A_505, %get3A_508 : vector<16xf32>
      %swap3A_510 = arith.constant 0 : i32
      %swap3A_511 = arith.index_cast %swap3A_510 : i32 to index
      %swap3A_512 = arith.constant 96 : index
      %swap3A_513 = tpu.vector_load %arg13[%swap3A_511, %swap3A_512] {strides = array<i32>} : memref<4x128xf32, #tpu.memory_space<vmem>>, vector<1x16xf32>,
      %swap3A_514 = vector.shape_cast %swap3A_513 : vector<1x16xf32> to vector<16xf32>
      %swap3A_515 = vector.shape_cast %add3A_509 : vector<16xf32> to vector<1x16xf32>
      tpu.vector_store %arg13[%swap3A_511, %swap3A_512], %swap3A_515 {strides = array<i32>} : memref<4x128xf32, #tpu.memory_space<vmem>>, vector<1x16xf32>,
      %mul3A_516 = vector.broadcast %mul3A_404 : f32 to vector<16xf32>
      %mul3A_517 = arith.mulf %sub3A_313, %mul3A_516 : vector<16xf32>
      %get3A_518 = arith.constant 112 : index
      %get3A_519 = tpu.vector_load %arg11[%get3A_518] {strides = array<i32>} : memref<128xf32, #tpu.memory_space<vmem>>, vector<16xf32>,
      %get3A_520 = vector.shape_cast %get3A_519 : vector<16xf32> to vector<16xf32>
      %mul3A_521 = arith.mulf %mul3A_517, %get3A_520 : vector<16xf32>
      %get3A_522 = arith.constant 112 : index
      %get3A_523 = tpu.vector_load %arg12[%get3A_522] {strides = array<i32>} : memref<128xf32, #tpu.memory_space<vmem>>, vector<16xf32>,
      %get3A_524 = vector.shape_cast %get3A_523 : vector<16xf32> to vector<16xf32>
      %add3A_525 = arith.addf %mul3A_521, %get3A_524 : vector<16xf32>
      %swap3A_526 = arith.constant 0 : i32
      %swap3A_527 = arith.index_cast %swap3A_526 : i32 to index
      %swap3A_528 = arith.constant 112 : index
      %swap3A_529 = tpu.vector_load %arg13[%swap3A_527, %swap3A_528] {strides = array<i32>} : memref<4x128xf32, #tpu.memory_space<vmem>>, vector<1x16xf32>,
      %swap3A_530 = vector.shape_cast %swap3A_529 : vector<1x16xf32> to vector<16xf32>
      %swap3A_531 = vector.shape_cast %add3A_525 : vector<16xf32> to vector<1x16xf32>
      tpu.vector_store %arg13[%swap3A_527, %swap3A_528], %swap3A_531 {strides = array<i32>} : memref<4x128xf32, #tpu.memory_space<vmem>>, vector<1x16xf32>,
      %get3A_532 = arith.constant 0 : index
      %get3A_533 = tpu.vector_load %arg9[%get3A_532] {strides = array<i32>} : memref<128xf32, #tpu.memory_space<vmem>>, vector<16xf32>,
      %get3A_534 = vector.shape_cast %get3A_533 : vector<16xf32> to vector<16xf32>
      %get3A_535 = arith.constant 1 : i32
      %get3A_536 = arith.index_cast %get3A_535 : i32 to index
      %get3A_537 = arith.constant 0 : index
      %get3A_538 = tpu.vector_load %arg10[%get3A_536, %get3A_537] {strides = array<i32>} : memref<4x128xf32, #tpu.memory_space<vmem>>, vector<1x16xf32>,
      %get3A_539 = vector.shape_cast %get3A_538 : vector<1x16xf32> to vector<16xf32>
      %add3A_540 = arith.addf %get3A_534, %get3A_539 : vector<16xf32>
      %get3A_541 = arith.constant 16 : index
      %get3A_542 = tpu.vector_load %arg9[%get3A_541] {strides = array<i32>} : memref<128xf32, #tpu.memory_space<vmem>>, vector<16xf32>,
      %get3A_543 = vector.shape_cast %get3A_542 : vector<16xf32> to vector<16xf32>
      %get3A_544 = arith.constant 1 : i32
      %get3A_545 = arith.index_cast %get3A_544 : i32 to index
      %get3A_546 = arith.constant 16 : index
      %get3A_547 = tpu.vector_load %arg10[%get3A_545, %get3A_546] {strides = array<i32>} : memref<4x128xf32, #tpu.memory_space<vmem>>, vector<1x16xf32>,
      %get3A_548 = vector.shape_cast %get3A_547 : vector<1x16xf32> to vector<16xf32>
      %add3A_549 = arith.addf %get3A_543, %get3A_548 : vector<16xf32>
      %get3A_550 = arith.constant 32 : index
      %get3A_551 = tpu.vector_load %arg9[%get3A_550] {strides = array<i32>} : memref<128xf32, #tpu.memory_space<vmem>>, vector<16xf32>,
      %get3A_552 = vector.shape_cast %get3A_551 : vector<16xf32> to vector<16xf32>
      %get3A_553 = arith.constant 1 : i32
      %get3A_554 = arith.index_cast %get3A_553 : i32 to index
      %get3A_555 = arith.constant 32 : index
      %get3A_556 = tpu.vector_load %arg10[%get3A_554, %get3A_555] {strides = array<i32>} : memref<4x128xf32, #tpu.memory_space<vmem>>, vector<1x16xf32>,
      %get3A_557 = vector.shape_cast %get3A_556 : vector<1x16xf32> to vector<16xf32>
      %add3A_558 = arith.addf %get3A_552, %get3A_557 : vector<16xf32>
      %get3A_559 = arith.constant 48 : index
      %get3A_560 = tpu.vector_load %arg9[%get3A_559] {strides = array<i32>} : memref<128xf32, #tpu.memory_space<vmem>>, vector<16xf32>,
      %get3A_561 = vector.shape_cast %get3A_560 : vector<16xf32> to vector<16xf32>
      %get3A_562 = arith.constant 1 : i32
      %get3A_563 = arith.index_cast %get3A_562 : i32 to index
      %get3A_564 = arith.constant 48 : index
      %get3A_565 = tpu.vector_load %arg10[%get3A_563, %get3A_564] {strides = array<i32>} : memref<4x128xf32, #tpu.memory_space<vmem>>, vector<1x16xf32>,
      %get3A_566 = vector.shape_cast %get3A_565 : vector<1x16xf32> to vector<16xf32>
      %add3A_567 = arith.addf %get3A_561, %get3A_566 : vector<16xf32>
      %get3A_568 = arith.constant 64 : index
      %get3A_569 = tpu.vector_load %arg9[%get3A_568] {strides = array<i32>} : memref<128xf32, #tpu.memory_space<vmem>>, vector<16xf32>,
      %get3A_570 = vector.shape_cast %get3A_569 : vector<16xf32> to vector<16xf32>
      %get3A_571 = arith.constant 1 : i32
      %get3A_572 = arith.index_cast %get3A_571 : i32 to index
      %get3A_573 = arith.constant 64 : index
      %get3A_574 = tpu.vector_load %arg10[%get3A_572, %get3A_573] {strides = array<i32>} : memref<4x128xf32, #tpu.memory_space<vmem>>, vector<1x16xf32>,
      %get3A_575 = vector.shape_cast %get3A_574 : vector<1x16xf32> to vector<16xf32>
      %add3A_576 = arith.addf %get3A_570, %get3A_575 : vector<16xf32>
      %get3A_577 = arith.constant 80 : index
      %get3A_578 = tpu.vector_load %arg9[%get3A_577] {strides = array<i32>} : memref<128xf32, #tpu.memory_space<vmem>>, vector<16xf32>,
      %get3A_579 = vector.shape_cast %get3A_578 : vector<16xf32> to vector<16xf32>
      %get3A_580 = arith.constant 1 : i32
      %get3A_581 = arith.index_cast %get3A_580 : i32 to index
      %get3A_582 = arith.constant 80 : index
      %get3A_583 = tpu.vector_load %arg10[%get3A_581, %get3A_582] {strides = array<i32>} : memref<4x128xf32, #tpu.memory_space<vmem>>, vector<1x16xf32>,
      %get3A_584 = vector.shape_cast %get3A_583 : vector<1x16xf32> to vector<16xf32>
      %add3A_585 = arith.addf %get3A_579, %get3A_584 : vector<16xf32>
      %get3A_586 = arith.constant 96 : index
      %get3A_587 = tpu.vector_load %arg9[%get3A_586] {strides = array<i32>} : memref<128xf32, #tpu.memory_space<vmem>>, vector<16xf32>,
      %get3A_588 = vector.shape_cast %get3A_587 : vector<16xf32> to vector<16xf32>
      %get3A_589 = arith.constant 1 : i32
      %get3A_590 = arith.index_cast %get3A_589 : i32 to index
      %get3A_591 = arith.constant 96 : index
      %get3A_592 = tpu.vector_load %arg10[%get3A_590, %get3A_591] {strides = array<i32>} : memref<4x128xf32, #tpu.memory_space<vmem>>, vector<1x16xf32>,
      %get3A_593 = vector.shape_cast %get3A_592 : vector<1x16xf32> to vector<16xf32>
      %add3A_594 = arith.addf %get3A_588, %get3A_593 : vector<16xf32>
      %get3A_595 = arith.constant 112 : index
      %get3A_596 = tpu.vector_load %arg9[%get3A_595] {strides = array<i32>} : memref<128xf32, #tpu.memory_space<vmem>>, vector<16xf32>,
      %get3A_597 = vector.shape_cast %get3A_596 : vector<16xf32> to vector<16xf32>
      %get3A_598 = arith.constant 1 : i32
      %get3A_599 = arith.index_cast %get3A_598 : i32 to index
      %get3A_600 = arith.constant 112 : index
      %get3A_601 = tpu.vector_load %arg10[%get3A_599, %get3A_600] {strides = array<i32>} : memref<4x128xf32, #tpu.memory_space<vmem>>, vector<1x16xf32>,
      %get3A_602 = vector.shape_cast %get3A_601 : vector<1x16xf32> to vector<16xf32>
      %add3A_603 = arith.addf %get3A_597, %get3A_602 : vector<16xf32>
      %add3A_604 = arith.addf %add3A_540, %add3A_549 : vector<16xf32>
      %add3A_605 = arith.addf %add3A_604, %add3A_558 : vector<16xf32>
      %add3A_606 = arith.addf %add3A_605, %add3A_567 : vector<16xf32>
      %add3A_607 = arith.addf %add3A_606, %add3A_576 : vector<16xf32>
      %add3A_608 = arith.addf %add3A_607, %add3A_585 : vector<16xf32>
      %add3A_609 = arith.addf %add3A_608, %add3A_594 : vector<16xf32>
      %add3A_610 = arith.addf %add3A_609, %add3A_603 : vector<16xf32>
      %slice3A_611 = vector.extract_strided_slice %add3A_610 {offsets = [0], sizes = [1], strides = [1]} : vector<16xf32> to vector<1xf32>
      %squeeze3A_612 = vector.extract %slice3A_611[0] : f32 from vector<1xf32>
      %slice3A_613 = vector.extract_strided_slice %add3A_610 {offsets = [1], sizes = [1], strides = [1]} : vector<16xf32> to vector<1xf32>
      %squeeze3A_614 = vector.extract %slice3A_613[0] : f32 from vector<1xf32>
      %add3A_615 = arith.addf %squeeze3A_612, %squeeze3A_614 : f32
      %slice3A_616 = vector.extract_strided_slice %add3A_610 {offsets = [2], sizes = [1], strides = [1]} : vector<16xf32> to vector<1xf32>
      %squeeze3A_617 = vector.extract %slice3A_616[0] : f32 from vector<1xf32>
      %add3A_618 = arith.addf %add3A_615, %squeeze3A_617 : f32
      %slice3A_619 = vector.extract_strided_slice %add3A_610 {offsets = [3], sizes = [1], strides = [1]} : vector<16xf32> to vector<1xf32>
      %squeeze3A_620 = vector.extract %slice3A_619[0] : f32 from vector<1xf32>
      %add3A_621 = arith.addf %add3A_618, %squeeze3A_620 : f32
      %slice3A_622 = vector.extract_strided_slice %add3A_610 {offsets = [4], sizes = [1], strides = [1]} : vector<16xf32> to vector<1xf32>
      %squeeze3A_623 = vector.extract %slice3A_622[0] : f32 from vector<1xf32>
      %add3A_624 = arith.addf %add3A_621, %squeeze3A_623 : f32
      %slice3A_625 = vector.extract_strided_slice %add3A_610 {offsets = [5], sizes = [1], strides = [1]} : vector<16xf32> to vector<1xf32>
      %squeeze3A_626 = vector.extract %slice3A_625[0] : f32 from vector<1xf32>
      %add3A_627 = arith.addf %add3A_624, %squeeze3A_626 : f32
      %slice3A_628 = vector.extract_strided_slice %add3A_610 {offsets = [6], sizes = [1], strides = [1]} : vector<16xf32> to vector<1xf32>
      %squeeze3A_629 = vector.extract %slice3A_628[0] : f32 from vector<1xf32>
      %add3A_630 = arith.addf %add3A_627, %squeeze3A_629 : f32
      %slice3A_631 = vector.extract_strided_slice %add3A_610 {offsets = [7], sizes = [1], strides = [1]} : vector<16xf32> to vector<1xf32>
      %squeeze3A_632 = vector.extract %slice3A_631[0] : f32 from vector<1xf32>
      %add3A_633 = arith.addf %add3A_630, %squeeze3A_632 : f32
      %slice3A_634 = vector.extract_strided_slice %add3A_610 {offsets = [8], sizes = [1], strides = [1]} : vector<16xf32> to vector<1xf32>
      %squeeze3A_635 = vector.extract %slice3A_634[0] : f32 from vector<1xf32>
      %add3A_636 = arith.addf %add3A_633, %squeeze3A_635 : f32
      %slice3A_637 = vector.extract_strided_slice %add3A_610 {offsets = [9], sizes = [1], strides = [1]} : vector<16xf32> to vector<1xf32>
      %squeeze3A_638 = vector.extract %slice3A_637[0] : f32 from vector<1xf32>
      %add3A_639 = arith.addf %add3A_636, %squeeze3A_638 : f32
      %slice3A_640 = vector.extract_strided_slice %add3A_610 {offsets = [10], sizes = [1], strides = [1]} : vector<16xf32> to vector<1xf32>
      %squeeze3A_641 = vector.extract %slice3A_640[0] : f32 from vector<1xf32>
      %add3A_642 = arith.addf %add3A_639, %squeeze3A_641 : f32
      %slice3A_643 = vector.extract_strided_slice %add3A_610 {offsets = [11], sizes = [1], strides = [1]} : vector<16xf32> to vector<1xf32>
      %squeeze3A_644 = vector.extract %slice3A_643[0] : f32 from vector<1xf32>
      %add3A_645 = arith.addf %add3A_642, %squeeze3A_644 : f32
      %slice3A_646 = vector.extract_strided_slice %add3A_610 {offsets = [12], sizes = [1], strides = [1]} : vector<16xf32> to vector<1xf32>
      %squeeze3A_647 = vector.extract %slice3A_646[0] : f32 from vector<1xf32>
      %add3A_648 = arith.addf %add3A_645, %squeeze3A_647 : f32
      %slice3A_649 = vector.extract_strided_slice %add3A_610 {offsets = [13], sizes = [1], strides = [1]} : vector<16xf32> to vector<1xf32>
      %squeeze3A_650 = vector.extract %slice3A_649[0] : f32 from vector<1xf32>
      %add3A_651 = arith.addf %add3A_648, %squeeze3A_650 : f32
      %slice3A_652 = vector.extract_strided_slice %add3A_610 {offsets = [14], sizes = [1], strides = [1]} : vector<16xf32> to vector<1xf32>
      %squeeze3A_653 = vector.extract %slice3A_652[0] : f32 from vector<1xf32>
      %add3A_654 = arith.addf %add3A_651, %squeeze3A_653 : f32
      %slice3A_655 = vector.extract_strided_slice %add3A_610 {offsets = [15], sizes = [1], strides = [1]} : vector<16xf32> to vector<1xf32>
      %squeeze3A_656 = vector.extract %slice3A_655[0] : f32 from vector<1xf32>
      %add3A_657 = arith.addf %add3A_654, %squeeze3A_656 : f32
      %mul3A_658 = arith.constant 7.812500e-03 : f32
      %mul3A_659 = arith.mulf %add3A_657, %mul3A_658 : f32
      %sub3A_660 = vector.broadcast %mul3A_659 : f32 to vector<16xf32>
      %sub3A_661 = arith.subf %add3A_540, %sub3A_660 : vector<16xf32>
      %sub3A_662 = vector.broadcast %mul3A_659 : f32 to vector<16xf32>
      %sub3A_663 = arith.subf %add3A_549, %sub3A_662 : vector<16xf32>
      %sub3A_664 = vector.broadcast %mul3A_659 : f32 to vector<16xf32>
      %sub3A_665 = arith.subf %add3A_558, %sub3A_664 : vector<16xf32>
      %sub3A_666 = vector.broadcast %mul3A_659 : f32 to vector<16xf32>
      %sub3A_667 = arith.subf %add3A_567, %sub3A_666 : vector<16xf32>
      %sub3A_668 = vector.broadcast %mul3A_659 : f32 to vector<16xf32>
      %sub3A_669 = arith.subf %add3A_576, %sub3A_668 : vector<16xf32>
      %sub3A_670 = vector.broadcast %mul3A_659 : f32 to vector<16xf32>
      %sub3A_671 = arith.subf %add3A_585, %sub3A_670 : vector<16xf32>
      %sub3A_672 = vector.broadcast %mul3A_659 : f32 to vector<16xf32>
      %sub3A_673 = arith.subf %add3A_594, %sub3A_672 : vector<16xf32>
      %sub3A_674 = vector.broadcast %mul3A_659 : f32 to vector<16xf32>
      %sub3A_675 = arith.subf %add3A_603, %sub3A_674 : vector<16xf32>
      %mul3A_676 = arith.mulf %sub3A_661, %sub3A_661 : vector<16xf32>
      %mul3A_677 = arith.mulf %sub3A_663, %sub3A_663 : vector<16xf32>
      %add3A_678 = arith.addf %mul3A_676, %mul3A_677 : vector<16xf32>
      %mul3A_679 = arith.mulf %sub3A_665, %sub3A_665 : vector<16xf32>
      %add3A_680 = arith.addf %add3A_678, %mul3A_679 : vector<16xf32>
      %mul3A_681 = arith.mulf %sub3A_667, %sub3A_667 : vector<16xf32>
      %add3A_682 = arith.addf %add3A_680, %mul3A_681 : vector<16xf32>
      %mul3A_683 = arith.mulf %sub3A_669, %sub3A_669 : vector<16xf32>
      %add3A_684 = arith.addf %add3A_682, %mul3A_683 : vector<16xf32>
      %mul3A_685 = arith.mulf %sub3A_671, %sub3A_671 : vector<16xf32>
      %add3A_686 = arith.addf %add3A_684, %mul3A_685 : vector<16xf32>
      %mul3A_687 = arith.mulf %sub3A_673, %sub3A_673 : vector<16xf32>
      %add3A_688 = arith.addf %add3A_686, %mul3A_687 : vector<16xf32>
      %mul3A_689 = arith.mulf %sub3A_675, %sub3A_675 : vector<16xf32>
      %add3A_690 = arith.addf %add3A_688, %mul3A_689 : vector<16xf32>
      %slice3A_691 = vector.extract_strided_slice %add3A_690 {offsets = [0], sizes = [1], strides = [1]} : vector<16xf32> to vector<1xf32>
      %squeeze3A_692 = vector.extract %slice3A_691[0] : f32 from vector<1xf32>
      %slice3A_693 = vector.extract_strided_slice %add3A_690 {offsets = [1], sizes = [1], strides = [1]} : vector<16xf32> to vector<1xf32>
      %squeeze3A_694 = vector.extract %slice3A_693[0] : f32 from vector<1xf32>
      %add3A_695 = arith.addf %squeeze3A_692, %squeeze3A_694 : f32
      %slice3A_696 = vector.extract_strided_slice %add3A_690 {offsets = [2], sizes = [1], strides = [1]} : vector<16xf32> to vector<1xf32>
      %squeeze3A_697 = vector.extract %slice3A_696[0] : f32 from vector<1xf32>
      %add3A_698 = arith.addf %add3A_695, %squeeze3A_697 : f32
      %slice3A_699 = vector.extract_strided_slice %add3A_690 {offsets = [3], sizes = [1], strides = [1]} : vector<16xf32> to vector<1xf32>
      %squeeze3A_700 = vector.extract %slice3A_699[0] : f32 from vector<1xf32>
      %add3A_701 = arith.addf %add3A_698, %squeeze3A_700 : f32
      %slice3A_702 = vector.extract_strided_slice %add3A_690 {offsets = [4], sizes = [1], strides = [1]} : vector<16xf32> to vector<1xf32>
      %squeeze3A_703 = vector.extract %slice3A_702[0] : f32 from vector<1xf32>
      %add3A_704 = arith.addf %add3A_701, %squeeze3A_703 : f32
      %slice3A_705 = vector.extract_strided_slice %add3A_690 {offsets = [5], sizes = [1], strides = [1]} : vector<16xf32> to vector<1xf32>
      %squeeze3A_706 = vector.extract %slice3A_705[0] : f32 from vector<1xf32>
      %add3A_707 = arith.addf %add3A_704, %squeeze3A_706 : f32
      %slice3A_708 = vector.extract_strided_slice %add3A_690 {offsets = [6], sizes = [1], strides = [1]} : vector<16xf32> to vector<1xf32>
      %squeeze3A_709 = vector.extract %slice3A_708[0] : f32 from vector<1xf32>
      %add3A_710 = arith.addf %add3A_707, %squeeze3A_709 : f32
      %slice3A_711 = vector.extract_strided_slice %add3A_690 {offsets = [7], sizes = [1], strides = [1]} : vector<16xf32> to vector<1xf32>
      %squeeze3A_712 = vector.extract %slice3A_711[0] : f32 from vector<1xf32>
      %add3A_713 = arith.addf %add3A_710, %squeeze3A_712 : f32
      %slice3A_714 = vector.extract_strided_slice %add3A_690 {offsets = [8], sizes = [1], strides = [1]} : vector<16xf32> to vector<1xf32>
      %squeeze3A_715 = vector.extract %slice3A_714[0] : f32 from vector<1xf32>
      %add3A_716 = arith.addf %add3A_713, %squeeze3A_715 : f32
      %slice3A_717 = vector.extract_strided_slice %add3A_690 {offsets = [9], sizes = [1], strides = [1]} : vector<16xf32> to vector<1xf32>
      %squeeze3A_718 = vector.extract %slice3A_717[0] : f32 from vector<1xf32>
      %add3A_719 = arith.addf %add3A_716, %squeeze3A_718 : f32
      %slice3A_720 = vector.extract_strided_slice %add3A_690 {offsets = [10], sizes = [1], strides = [1]} : vector<16xf32> to vector<1xf32>
      %squeeze3A_721 = vector.extract %slice3A_720[0] : f32 from vector<1xf32>
      %add3A_722 = arith.addf %add3A_719, %squeeze3A_721 : f32
      %slice3A_723 = vector.extract_strided_slice %add3A_690 {offsets = [11], sizes = [1], strides = [1]} : vector<16xf32> to vector<1xf32>
      %squeeze3A_724 = vector.extract %slice3A_723[0] : f32 from vector<1xf32>
      %add3A_725 = arith.addf %add3A_722, %squeeze3A_724 : f32
      %slice3A_726 = vector.extract_strided_slice %add3A_690 {offsets = [12], sizes = [1], strides = [1]} : vector<16xf32> to vector<1xf32>
      %squeeze3A_727 = vector.extract %slice3A_726[0] : f32 from vector<1xf32>
      %add3A_728 = arith.addf %add3A_725, %squeeze3A_727 : f32
      %slice3A_729 = vector.extract_strided_slice %add3A_690 {offsets = [13], sizes = [1], strides = [1]} : vector<16xf32> to vector<1xf32>
      %squeeze3A_730 = vector.extract %slice3A_729[0] : f32 from vector<1xf32>
      %add3A_731 = arith.addf %add3A_728, %squeeze3A_730 : f32
      %slice3A_732 = vector.extract_strided_slice %add3A_690 {offsets = [14], sizes = [1], strides = [1]} : vector<16xf32> to vector<1xf32>
      %squeeze3A_733 = vector.extract %slice3A_732[0] : f32 from vector<1xf32>
      %add3A_734 = arith.addf %add3A_731, %squeeze3A_733 : f32
      %slice3A_735 = vector.extract_strided_slice %add3A_690 {offsets = [15], sizes = [1], strides = [1]} : vector<16xf32> to vector<1xf32>
      %squeeze3A_736 = vector.extract %slice3A_735[0] : f32 from vector<1xf32>
      %add3A_737 = arith.addf %add3A_734, %squeeze3A_736 : f32
      %mul3A_738 = arith.constant 7.812500e-03 : f32
      %mul3A_739 = arith.mulf %add3A_737, %mul3A_738 : f32
      %add3A_740 = arith.constant 9.99999996E-13 : f32
      %add3A_741 = arith.addf %mul3A_739, %add3A_740 : f32
      %bitcast_convert_type3A_742 = arith.bitcast %add3A_741 : f32 to i32
      %shift_right_logical3A_743 = arith.constant 1 : i32
      %shift_right_logical3A_744 = arith.shrui %bitcast_convert_type3A_742, %shift_right_logical3A_743 : i32
      %sub3A_745 = arith.constant 1597463007 : i32
      %sub3A_746 = arith.subi %sub3A_745, %shift_right_logical3A_744 : i32
      %bitcast_convert_type3A_747 = arith.bitcast %sub3A_746 : i32 to f32
      %mul3A_748 = arith.constant 5.000000e-01 : f32
      %mul3A_749 = arith.mulf %mul3A_748, %add3A_741 : f32
      %mul3A_750 = arith.mulf %mul3A_749, %bitcast_convert_type3A_747 : f32
      %mul3A_751 = arith.mulf %mul3A_750, %bitcast_convert_type3A_747 : f32
      %sub3A_752 = arith.constant 1.500000e+00 : f32
      %sub3A_753 = arith.subf %sub3A_752, %mul3A_751 : f32
      %mul3A_754 = arith.mulf %bitcast_convert_type3A_747, %sub3A_753 : f32
      %mul3A_755 = arith.constant 5.000000e-01 : f32
      %mul3A_756 = arith.mulf %mul3A_755, %add3A_741 : f32
      %mul3A_757 = arith.mulf %mul3A_756, %mul3A_754 : f32
      %mul3A_758 = arith.mulf %mul3A_757, %mul3A_754 : f32
      %sub3A_759 = arith.constant 1.500000e+00 : f32
      %sub3A_760 = arith.subf %sub3A_759, %mul3A_758 : f32
      %mul3A_761 = arith.mulf %mul3A_754, %sub3A_760 : f32
      %mul3A_762 = arith.constant 5.000000e-01 : f32
      %mul3A_763 = arith.mulf %mul3A_762, %add3A_741 : f32
      %mul3A_764 = arith.mulf %mul3A_763, %mul3A_761 : f32
      %mul3A_765 = arith.mulf %mul3A_764, %mul3A_761 : f32
      %sub3A_766 = arith.constant 1.500000e+00 : f32
      %sub3A_767 = arith.subf %sub3A_766, %mul3A_765 : f32
      %mul3A_768 = arith.mulf %mul3A_761, %sub3A_767 : f32
      %mul3A_769 = vector.broadcast %mul3A_768 : f32 to vector<16xf32>
      %mul3A_770 = arith.mulf %sub3A_661, %mul3A_769 : vector<16xf32>
      %get3A_771 = arith.constant 0 : index
      %get3A_772 = tpu.vector_load %arg11[%get3A_771] {strides = array<i32>} : memref<128xf32, #tpu.memory_space<vmem>>, vector<16xf32>,
      %get3A_773 = vector.shape_cast %get3A_772 : vector<16xf32> to vector<16xf32>
      %mul3A_774 = arith.mulf %mul3A_770, %get3A_773 : vector<16xf32>
      %get3A_775 = arith.constant 0 : index
      %get3A_776 = tpu.vector_load %arg12[%get3A_775] {strides = array<i32>} : memref<128xf32, #tpu.memory_space<vmem>>, vector<16xf32>,
      %get3A_777 = vector.shape_cast %get3A_776 : vector<16xf32> to vector<16xf32>
      %add3A_778 = arith.addf %mul3A_774, %get3A_777 : vector<16xf32>
      %swap3A_779 = arith.constant 1 : i32
      %swap3A_780 = arith.index_cast %swap3A_779 : i32 to index
      %swap3A_781 = arith.constant 0 : index
      %swap3A_782 = tpu.vector_load %arg13[%swap3A_780, %swap3A_781] {strides = array<i32>} : memref<4x128xf32, #tpu.memory_space<vmem>>, vector<1x16xf32>,
      %swap3A_783 = vector.shape_cast %swap3A_782 : vector<1x16xf32> to vector<16xf32>
      %swap3A_784 = vector.shape_cast %add3A_778 : vector<16xf32> to vector<1x16xf32>
      tpu.vector_store %arg13[%swap3A_780, %swap3A_781], %swap3A_784 {strides = array<i32>} : memref<4x128xf32, #tpu.memory_space<vmem>>, vector<1x16xf32>,
      %mul3A_785 = vector.broadcast %mul3A_768 : f32 to vector<16xf32>
      %mul3A_786 = arith.mulf %sub3A_663, %mul3A_785 : vector<16xf32>
      %get3A_787 = arith.constant 16 : index
      %get3A_788 = tpu.vector_load %arg11[%get3A_787] {strides = array<i32>} : memref<128xf32, #tpu.memory_space<vmem>>, vector<16xf32>,
      %get3A_789 = vector.shape_cast %get3A_788 : vector<16xf32> to vector<16xf32>
      %mul3A_790 = arith.mulf %mul3A_786, %get3A_789 : vector<16xf32>
      %get3A_791 = arith.constant 16 : index
      %get3A_792 = tpu.vector_load %arg12[%get3A_791] {strides = array<i32>} : memref<128xf32, #tpu.memory_space<vmem>>, vector<16xf32>,
      %get3A_793 = vector.shape_cast %get3A_792 : vector<16xf32> to vector<16xf32>
      %add3A_794 = arith.addf %mul3A_790, %get3A_793 : vector<16xf32>
      %swap3A_795 = arith.constant 1 : i32
      %swap3A_796 = arith.index_cast %swap3A_795 : i32 to index
      %swap3A_797 = arith.constant 16 : index
      %swap3A_798 = tpu.vector_load %arg13[%swap3A_796, %swap3A_797] {strides = array<i32>} : memref<4x128xf32, #tpu.memory_space<vmem>>, vector<1x16xf32>,
      %swap3A_799 = vector.shape_cast %swap3A_798 : vector<1x16xf32> to vector<16xf32>
      %swap3A_800 = vector.shape_cast %add3A_794 : vector<16xf32> to vector<1x16xf32>
      tpu.vector_store %arg13[%swap3A_796, %swap3A_797], %swap3A_800 {strides = array<i32>} : memref<4x128xf32, #tpu.memory_space<vmem>>, vector<1x16xf32>,
      %mul3A_801 = vector.broadcast %mul3A_768 : f32 to vector<16xf32>
      %mul3A_802 = arith.mulf %sub3A_665, %mul3A_801 : vector<16xf32>
      %get3A_803 = arith.constant 32 : index
      %get3A_804 = tpu.vector_load %arg11[%get3A_803] {strides = array<i32>} : memref<128xf32, #tpu.memory_space<vmem>>, vector<16xf32>,
      %get3A_805 = vector.shape_cast %get3A_804 : vector<16xf32> to vector<16xf32>
      %mul3A_806 = arith.mulf %mul3A_802, %get3A_805 : vector<16xf32>
      %get3A_807 = arith.constant 32 : index
      %get3A_808 = tpu.vector_load %arg12[%get3A_807] {strides = array<i32>} : memref<128xf32, #tpu.memory_space<vmem>>, vector<16xf32>,
      %get3A_809 = vector.shape_cast %get3A_808 : vector<16xf32> to vector<16xf32>
      %add3A_810 = arith.addf %mul3A_806, %get3A_809 : vector<16xf32>
      %swap3A_811 = arith.constant 1 : i32
      %swap3A_812 = arith.index_cast %swap3A_811 : i32 to index
      %swap3A_813 = arith.constant 32 : index
      %swap3A_814 = tpu.vector_load %arg13[%swap3A_812, %swap3A_813] {strides = array<i32>} : memref<4x128xf32, #tpu.memory_space<vmem>>, vector<1x16xf32>,
      %swap3A_815 = vector.shape_cast %swap3A_814 : vector<1x16xf32> to vector<16xf32>
      %swap3A_816 = vector.shape_cast %add3A_810 : vector<16xf32> to vector<1x16xf32>
      tpu.vector_store %arg13[%swap3A_812, %swap3A_813], %swap3A_816 {strides = array<i32>} : memref<4x128xf32, #tpu.memory_space<vmem>>, vector<1x16xf32>,
      %mul3A_817 = vector.broadcast %mul3A_768 : f32 to vector<16xf32>
      %mul3A_818 = arith.mulf %sub3A_667, %mul3A_817 : vector<16xf32>
      %get3A_819 = arith.constant 48 : index
      %get3A_820 = tpu.vector_load %arg11[%get3A_819] {strides = array<i32>} : memref<128xf32, #tpu.memory_space<vmem>>, vector<16xf32>,
      %get3A_821 = vector.shape_cast %get3A_820 : vector<16xf32> to vector<16xf32>
      %mul3A_822 = arith.mulf %mul3A_818, %get3A_821 : vector<16xf32>
      %get3A_823 = arith.constant 48 : index
      %get3A_824 = tpu.vector_load %arg12[%get3A_823] {strides = array<i32>} : memref<128xf32, #tpu.memory_space<vmem>>, vector<16xf32>,
      %get3A_825 = vector.shape_cast %get3A_824 : vector<16xf32> to vector<16xf32>
      %add3A_826 = arith.addf %mul3A_822, %get3A_825 : vector<16xf32>
      %swap3A_827 = arith.constant 1 : i32
      %swap3A_828 = arith.index_cast %swap3A_827 : i32 to index
      %swap3A_829 = arith.constant 48 : index
      %swap3A_830 = tpu.vector_load %arg13[%swap3A_828, %swap3A_829] {strides = array<i32>} : memref<4x128xf32, #tpu.memory_space<vmem>>, vector<1x16xf32>,
      %swap3A_831 = vector.shape_cast %swap3A_830 : vector<1x16xf32> to vector<16xf32>
      %swap3A_832 = vector.shape_cast %add3A_826 : vector<16xf32> to vector<1x16xf32>
      tpu.vector_store %arg13[%swap3A_828, %swap3A_829], %swap3A_832 {strides = array<i32>} : memref<4x128xf32, #tpu.memory_space<vmem>>, vector<1x16xf32>,
      %mul3A_833 = vector.broadcast %mul3A_768 : f32 to vector<16xf32>
      %mul3A_834 = arith.mulf %sub3A_669, %mul3A_833 : vector<16xf32>
      %get3A_835 = arith.constant 64 : index
      %get3A_836 = tpu.vector_load %arg11[%get3A_835] {strides = array<i32>} : memref<128xf32, #tpu.memory_space<vmem>>, vector<16xf32>,
      %get3A_837 = vector.shape_cast %get3A_836 : vector<16xf32> to vector<16xf32>
      %mul3A_838 = arith.mulf %mul3A_834, %get3A_837 : vector<16xf32>
      %get3A_839 = arith.constant 64 : index
      %get3A_840 = tpu.vector_load %arg12[%get3A_839] {strides = array<i32>} : memref<128xf32, #tpu.memory_space<vmem>>, vector<16xf32>,
      %get3A_841 = vector.shape_cast %get3A_840 : vector<16xf32> to vector<16xf32>
      %add3A_842 = arith.addf %mul3A_838, %get3A_841 : vector<16xf32>
      %swap3A_843 = arith.constant 1 : i32
      %swap3A_844 = arith.index_cast %swap3A_843 : i32 to index
      %swap3A_845 = arith.constant 64 : index
      %swap3A_846 = tpu.vector_load %arg13[%swap3A_844, %swap3A_845] {strides = array<i32>} : memref<4x128xf32, #tpu.memory_space<vmem>>, vector<1x16xf32>,
      %swap3A_847 = vector.shape_cast %swap3A_846 : vector<1x16xf32> to vector<16xf32>
      %swap3A_848 = vector.shape_cast %add3A_842 : vector<16xf32> to vector<1x16xf32>
      tpu.vector_store %arg13[%swap3A_844, %swap3A_845], %swap3A_848 {strides = array<i32>} : memref<4x128xf32, #tpu.memory_space<vmem>>, vector<1x16xf32>,
      %mul3A_849 = vector.broadcast %mul3A_768 : f32 to vector<16xf32>
      %mul3A_850 = arith.mulf %sub3A_671, %mul3A_849 : vector<16xf32>
      %get3A_851 = arith.constant 80 : index
      %get3A_852 = tpu.vector_load %arg11[%get3A_851] {strides = array<i32>} : memref<128xf32, #tpu.memory_space<vmem>>, vector<16xf32>,
      %get3A_853 = vector.shape_cast %get3A_852 : vector<16xf32> to vector<16xf32>
      %mul3A_854 = arith.mulf %mul3A_850, %get3A_853 : vector<16xf32>
      %get3A_855 = arith.constant 80 : index
      %get3A_856 = tpu.vector_load %arg12[%get3A_855] {strides = array<i32>} : memref<128xf32, #tpu.memory_space<vmem>>, vector<16xf32>,
      %get3A_857 = vector.shape_cast %get3A_856 : vector<16xf32> to vector<16xf32>
      %add3A_858 = arith.addf %mul3A_854, %get3A_857 : vector<16xf32>
      %swap3A_859 = arith.constant 1 : i32
      %swap3A_860 = arith.index_cast %swap3A_859 : i32 to index
      %swap3A_861 = arith.constant 80 : index
      %swap3A_862 = tpu.vector_load %arg13[%swap3A_860, %swap3A_861] {strides = array<i32>} : memref<4x128xf32, #tpu.memory_space<vmem>>, vector<1x16xf32>,
      %swap3A_863 = vector.shape_cast %swap3A_862 : vector<1x16xf32> to vector<16xf32>
      %swap3A_864 = vector.shape_cast %add3A_858 : vector<16xf32> to vector<1x16xf32>
      tpu.vector_store %arg13[%swap3A_860, %swap3A_861], %swap3A_864 {strides = array<i32>} : memref<4x128xf32, #tpu.memory_space<vmem>>, vector<1x16xf32>,
      %mul3A_865 = vector.broadcast %mul3A_768 : f32 to vector<16xf32>
      %mul3A_866 = arith.mulf %sub3A_673, %mul3A_865 : vector<16xf32>
      %get3A_867 = arith.constant 96 : index
      %get3A_868 = tpu.vector_load %arg11[%get3A_867] {strides = array<i32>} : memref<128xf32, #tpu.memory_space<vmem>>, vector<16xf32>,
      %get3A_869 = vector.shape_cast %get3A_868 : vector<16xf32> to vector<16xf32>
      %mul3A_870 = arith.mulf %mul3A_866, %get3A_869 : vector<16xf32>
      %get3A_871 = arith.constant 96 : index
      %get3A_872 = tpu.vector_load %arg12[%get3A_871] {strides = array<i32>} : memref<128xf32, #tpu.memory_space<vmem>>, vector<16xf32>,
      %get3A_873 = vector.shape_cast %get3A_872 : vector<16xf32> to vector<16xf32>
      %add3A_874 = arith.addf %mul3A_870, %get3A_873 : vector<16xf32>
      %swap3A_875 = arith.constant 1 : i32
      %swap3A_876 = arith.index_cast %swap3A_875 : i32 to index
      %swap3A_877 = arith.constant 96 : index
      %swap3A_878 = tpu.vector_load %arg13[%swap3A_876, %swap3A_877] {strides = array<i32>} : memref<4x128xf32, #tpu.memory_space<vmem>>, vector<1x16xf32>,
      %swap3A_879 = vector.shape_cast %swap3A_878 : vector<1x16xf32> to vector<16xf32>
      %swap3A_880 = vector.shape_cast %add3A_874 : vector<16xf32> to vector<1x16xf32>
      tpu.vector_store %arg13[%swap3A_876, %swap3A_877], %swap3A_880 {strides = array<i32>} : memref<4x128xf32, #tpu.memory_space<vmem>>, vector<1x16xf32>,
      %mul3A_881 = vector.broadcast %mul3A_768 : f32 to vector<16xf32>
      %mul3A_882 = arith.mulf %sub3A_675, %mul3A_881 : vector<16xf32>
      %get3A_883 = arith.constant 112 : index
      %get3A_884 = tpu.vector_load %arg11[%get3A_883] {strides = array<i32>} : memref<128xf32, #tpu.memory_space<vmem>>, vector<16xf32>,
      %get3A_885 = vector.shape_cast %get3A_884 : vector<16xf32> to vector<16xf32>
      %mul3A_886 = arith.mulf %mul3A_882, %get3A_885 : vector<16xf32>
      %get3A_887 = arith.constant 112 : index
      %get3A_888 = tpu.vector_load %arg12[%get3A_887] {strides = array<i32>} : memref<128xf32, #tpu.memory_space<vmem>>, vector<16xf32>,
      %get3A_889 = vector.shape_cast %get3A_888 : vector<16xf32> to vector<16xf32>
      %add3A_890 = arith.addf %mul3A_886, %get3A_889 : vector<16xf32>
      %swap3A_891 = arith.constant 1 : i32
      %swap3A_892 = arith.index_cast %swap3A_891 : i32 to index
      %swap3A_893 = arith.constant 112 : index
      %swap3A_894 = tpu.vector_load %arg13[%swap3A_892, %swap3A_893] {strides = array<i32>} : memref<4x128xf32, #tpu.memory_space<vmem>>, vector<1x16xf32>,
      %swap3A_895 = vector.shape_cast %swap3A_894 : vector<1x16xf32> to vector<16xf32>
      %swap3A_896 = vector.shape_cast %add3A_890 : vector<16xf32> to vector<1x16xf32>
      tpu.vector_store %arg13[%swap3A_892, %swap3A_893], %swap3A_896 {strides = array<i32>} : memref<4x128xf32, #tpu.memory_space<vmem>>, vector<1x16xf32>,
      %get3A_897 = arith.constant 0 : index
      %get3A_898 = tpu.vector_load %arg9[%get3A_897] {strides = array<i32>} : memref<128xf32, #tpu.memory_space<vmem>>, vector<16xf32>,
      %get3A_899 = vector.shape_cast %get3A_898 : vector<16xf32> to vector<16xf32>
      %get3A_900 = arith.constant 2 : i32
      %get3A_901 = arith.index_cast %get3A_900 : i32 to index
      %get3A_902 = arith.constant 0 : index
      %get3A_903 = tpu.vector_load %arg10[%get3A_901, %get3A_902] {strides = array<i32>} : memref<4x128xf32, #tpu.memory_space<vmem>>, vector<1x16xf32>,
      %get3A_904 = vector.shape_cast %get3A_903 : vector<1x16xf32> to vector<16xf32>
      %add3A_905 = arith.addf %get3A_899, %get3A_904 : vector<16xf32>
      %get3A_906 = arith.constant 16 : index
      %get3A_907 = tpu.vector_load %arg9[%get3A_906] {strides = array<i32>} : memref<128xf32, #tpu.memory_space<vmem>>, vector<16xf32>,
      %get3A_908 = vector.shape_cast %get3A_907 : vector<16xf32> to vector<16xf32>
      %get3A_909 = arith.constant 2 : i32
      %get3A_910 = arith.index_cast %get3A_909 : i32 to index
      %get3A_911 = arith.constant 16 : index
      %get3A_912 = tpu.vector_load %arg10[%get3A_910, %get3A_911] {strides = array<i32>} : memref<4x128xf32, #tpu.memory_space<vmem>>, vector<1x16xf32>,
      %get3A_913 = vector.shape_cast %get3A_912 : vector<1x16xf32> to vector<16xf32>
      %add3A_914 = arith.addf %get3A_908, %get3A_913 : vector<16xf32>
      %get3A_915 = arith.constant 32 : index
      %get3A_916 = tpu.vector_load %arg9[%get3A_915] {strides = array<i32>} : memref<128xf32, #tpu.memory_space<vmem>>, vector<16xf32>,
      %get3A_917 = vector.shape_cast %get3A_916 : vector<16xf32> to vector<16xf32>
      %get3A_918 = arith.constant 2 : i32
      %get3A_919 = arith.index_cast %get3A_918 : i32 to index
      %get3A_920 = arith.constant 32 : index
      %get3A_921 = tpu.vector_load %arg10[%get3A_919, %get3A_920] {strides = array<i32>} : memref<4x128xf32, #tpu.memory_space<vmem>>, vector<1x16xf32>,
      %get3A_922 = vector.shape_cast %get3A_921 : vector<1x16xf32> to vector<16xf32>
      %add3A_923 = arith.addf %get3A_917, %get3A_922 : vector<16xf32>
      %get3A_924 = arith.constant 48 : index
      %get3A_925 = tpu.vector_load %arg9[%get3A_924] {strides = array<i32>} : memref<128xf32, #tpu.memory_space<vmem>>, vector<16xf32>,
      %get3A_926 = vector.shape_cast %get3A_925 : vector<16xf32> to vector<16xf32>
      %get3A_927 = arith.constant 2 : i32
      %get3A_928 = arith.index_cast %get3A_927 : i32 to index
      %get3A_929 = arith.constant 48 : index
      %get3A_930 = tpu.vector_load %arg10[%get3A_928, %get3A_929] {strides = array<i32>} : memref<4x128xf32, #tpu.memory_space<vmem>>, vector<1x16xf32>,
      %get3A_931 = vector.shape_cast %get3A_930 : vector<1x16xf32> to vector<16xf32>
      %add3A_932 = arith.addf %get3A_926, %get3A_931 : vector<16xf32>
      %get3A_933 = arith.constant 64 : index
      %get3A_934 = tpu.vector_load %arg9[%get3A_933] {strides = array<i32>} : memref<128xf32, #tpu.memory_space<vmem>>, vector<16xf32>,
      %get3A_935 = vector.shape_cast %get3A_934 : vector<16xf32> to vector<16xf32>
      %get3A_936 = arith.constant 2 : i32
      %get3A_937 = arith.index_cast %get3A_936 : i32 to index
      %get3A_938 = arith.constant 64 : index
      %get3A_939 = tpu.vector_load %arg10[%get3A_937, %get3A_938] {strides = array<i32>} : memref<4x128xf32, #tpu.memory_space<vmem>>, vector<1x16xf32>,
      %get3A_940 = vector.shape_cast %get3A_939 : vector<1x16xf32> to vector<16xf32>
      %add3A_941 = arith.addf %get3A_935, %get3A_940 : vector<16xf32>
      %get3A_942 = arith.constant 80 : index
      %get3A_943 = tpu.vector_load %arg9[%get3A_942] {strides = array<i32>} : memref<128xf32, #tpu.memory_space<vmem>>, vector<16xf32>,
      %get3A_944 = vector.shape_cast %get3A_943 : vector<16xf32> to vector<16xf32>
      %get3A_945 = arith.constant 2 : i32
      %get3A_946 = arith.index_cast %get3A_945 : i32 to index
      %get3A_947 = arith.constant 80 : index
      %get3A_948 = tpu.vector_load %arg10[%get3A_946, %get3A_947] {strides = array<i32>} : memref<4x128xf32, #tpu.memory_space<vmem>>, vector<1x16xf32>,
      %get3A_949 = vector.shape_cast %get3A_948 : vector<1x16xf32> to vector<16xf32>
      %add3A_950 = arith.addf %get3A_944, %get3A_949 : vector<16xf32>
      %get3A_951 = arith.constant 96 : index
      %get3A_952 = tpu.vector_load %arg9[%get3A_951] {strides = array<i32>} : memref<128xf32, #tpu.memory_space<vmem>>, vector<16xf32>,
      %get3A_953 = vector.shape_cast %get3A_952 : vector<16xf32> to vector<16xf32>
      %get3A_954 = arith.constant 2 : i32
      %get3A_955 = arith.index_cast %get3A_954 : i32 to index
      %get3A_956 = arith.constant 96 : index
      %get3A_957 = tpu.vector_load %arg10[%get3A_955, %get3A_956] {strides = array<i32>} : memref<4x128xf32, #tpu.memory_space<vmem>>, vector<1x16xf32>,
      %get3A_958 = vector.shape_cast %get3A_957 : vector<1x16xf32> to vector<16xf32>
      %add3A_959 = arith.addf %get3A_953, %get3A_958 : vector<16xf32>
      %get3A_960 = arith.constant 112 : index
      %get3A_961 = tpu.vector_load %arg9[%get3A_960] {strides = array<i32>} : memref<128xf32, #tpu.memory_space<vmem>>, vector<16xf32>,
      %get3A_962 = vector.shape_cast %get3A_961 : vector<16xf32> to vector<16xf32>
      %get3A_963 = arith.constant 2 : i32
      %get3A_964 = arith.index_cast %get3A_963 : i32 to index
      %get3A_965 = arith.constant 112 : index
      %get3A_966 = tpu.vector_load %arg10[%get3A_964, %get3A_965] {strides = array<i32>} : memref<4x128xf32, #tpu.memory_space<vmem>>, vector<1x16xf32>,
      %get3A_967 = vector.shape_cast %get3A_966 : vector<1x16xf32> to vector<16xf32>
      %add3A_968 = arith.addf %get3A_962, %get3A_967 : vector<16xf32>
      %add3A_969 = arith.addf %add3A_905, %add3A_914 : vector<16xf32>
      %add3A_970 = arith.addf %add3A_969, %add3A_923 : vector<16xf32>
      %add3A_971 = arith.addf %add3A_970, %add3A_932 : vector<16xf32>
      %add3A_972 = arith.addf %add3A_971, %add3A_941 : vector<16xf32>
      %add3A_973 = arith.addf %add3A_972, %add3A_950 : vector<16xf32>
      %add3A_974 = arith.addf %add3A_973, %add3A_959 : vector<16xf32>
      %add3A_975 = arith.addf %add3A_974, %add3A_968 : vector<16xf32>
      %slice3A_976 = vector.extract_strided_slice %add3A_975 {offsets = [0], sizes = [1], strides = [1]} : vector<16xf32> to vector<1xf32>
      %squeeze3A_977 = vector.extract %slice3A_976[0] : f32 from vector<1xf32>
      %slice3A_978 = vector.extract_strided_slice %add3A_975 {offsets = [1], sizes = [1], strides = [1]} : vector<16xf32> to vector<1xf32>
      %squeeze3A_979 = vector.extract %slice3A_978[0] : f32 from vector<1xf32>
      %add3A_980 = arith.addf %squeeze3A_977, %squeeze3A_979 : f32
      %slice3A_981 = vector.extract_strided_slice %add3A_975 {offsets = [2], sizes = [1], strides = [1]} : vector<16xf32> to vector<1xf32>
      %squeeze3A_982 = vector.extract %slice3A_981[0] : f32 from vector<1xf32>
      %add3A_983 = arith.addf %add3A_980, %squeeze3A_982 : f32
      %slice3A_984 = vector.extract_strided_slice %add3A_975 {offsets = [3], sizes = [1], strides = [1]} : vector<16xf32> to vector<1xf32>
      %squeeze3A_985 = vector.extract %slice3A_984[0] : f32 from vector<1xf32>
      %add3A_986 = arith.addf %add3A_983, %squeeze3A_985 : f32
      %slice3A_987 = vector.extract_strided_slice %add3A_975 {offsets = [4], sizes = [1], strides = [1]} : vector<16xf32> to vector<1xf32>
      %squeeze3A_988 = vector.extract %slice3A_987[0] : f32 from vector<1xf32>
      %add3A_989 = arith.addf %add3A_986, %squeeze3A_988 : f32
      %slice3A_990 = vector.extract_strided_slice %add3A_975 {offsets = [5], sizes = [1], strides = [1]} : vector<16xf32> to vector<1xf32>
      %squeeze3A_991 = vector.extract %slice3A_990[0] : f32 from vector<1xf32>
      %add3A_992 = arith.addf %add3A_989, %squeeze3A_991 : f32
      %slice3A_993 = vector.extract_strided_slice %add3A_975 {offsets = [6], sizes = [1], strides = [1]} : vector<16xf32> to vector<1xf32>
      %squeeze3A_994 = vector.extract %slice3A_993[0] : f32 from vector<1xf32>
      %add3A_995 = arith.addf %add3A_992, %squeeze3A_994 : f32
      %slice3A_996 = vector.extract_strided_slice %add3A_975 {offsets = [7], sizes = [1], strides = [1]} : vector<16xf32> to vector<1xf32>
      %squeeze3A_997 = vector.extract %slice3A_996[0] : f32 from vector<1xf32>
      %add3A_998 = arith.addf %add3A_995, %squeeze3A_997 : f32
      %slice3A_999 = vector.extract_strided_slice %add3A_975 {offsets = [8], sizes = [1], strides = [1]} : vector<16xf32> to vector<1xf32>
      %squeeze3A_1000 = vector.extract %slice3A_999[0] : f32 from vector<1xf32>
      %add3A_1001 = arith.addf %add3A_998, %squeeze3A_1000 : f32
      %slice3A_1002 = vector.extract_strided_slice %add3A_975 {offsets = [9], sizes = [1], strides = [1]} : vector<16xf32> to vector<1xf32>
      %squeeze3A_1003 = vector.extract %slice3A_1002[0] : f32 from vector<1xf32>
      %add3A_1004 = arith.addf %add3A_1001, %squeeze3A_1003 : f32
      %slice3A_1005 = vector.extract_strided_slice %add3A_975 {offsets = [10], sizes = [1], strides = [1]} : vector<16xf32> to vector<1xf32>
      %squeeze3A_1006 = vector.extract %slice3A_1005[0] : f32 from vector<1xf32>
      %add3A_1007 = arith.addf %add3A_1004, %squeeze3A_1006 : f32
      %slice3A_1008 = vector.extract_strided_slice %add3A_975 {offsets = [11], sizes = [1], strides = [1]} : vector<16xf32> to vector<1xf32>
      %squeeze3A_1009 = vector.extract %slice3A_1008[0] : f32 from vector<1xf32>
      %add3A_1010 = arith.addf %add3A_1007, %squeeze3A_1009 : f32
      %slice3A_1011 = vector.extract_strided_slice %add3A_975 {offsets = [12], sizes = [1], strides = [1]} : vector<16xf32> to vector<1xf32>
      %squeeze3A_1012 = vector.extract %slice3A_1011[0] : f32 from vector<1xf32>
      %add3A_1013 = arith.addf %add3A_1010, %squeeze3A_1012 : f32
      %slice3A_1014 = vector.extract_strided_slice %add3A_975 {offsets = [13], sizes = [1], strides = [1]} : vector<16xf32> to vector<1xf32>
      %squeeze3A_1015 = vector.extract %slice3A_1014[0] : f32 from vector<1xf32>
      %add3A_1016 = arith.addf %add3A_1013, %squeeze3A_1015 : f32
      %slice3A_1017 = vector.extract_strided_slice %add3A_975 {offsets = [14], sizes = [1], strides = [1]} : vector<16xf32> to vector<1xf32>
      %squeeze3A_1018 = vector.extract %slice3A_1017[0] : f32 from vector<1xf32>
      %add3A_1019 = arith.addf %add3A_1016, %squeeze3A_1018 : f32
      %slice3A_1020 = vector.extract_strided_slice %add3A_975 {offsets = [15], sizes = [1], strides = [1]} : vector<16xf32> to vector<1xf32>
      %squeeze3A_1021 = vector.extract %slice3A_1020[0] : f32 from vector<1xf32>
      %add3A_1022 = arith.addf %add3A_1019, %squeeze3A_1021 : f32
      %mul3A_1023 = arith.constant 7.812500e-03 : f32
      %mul3A_1024 = arith.mulf %add3A_1022, %mul3A_1023 : f32
      %sub3A_1025 = vector.broadcast %mul3A_1024 : f32 to vector<16xf32>
      %sub3A_1026 = arith.subf %add3A_905, %sub3A_1025 : vector<16xf32>
      %sub3A_1027 = vector.broadcast %mul3A_1024 : f32 to vector<16xf32>
      %sub3A_1028 = arith.subf %add3A_914, %sub3A_1027 : vector<16xf32>
      %sub3A_1029 = vector.broadcast %mul3A_1024 : f32 to vector<16xf32>
      %sub3A_1030 = arith.subf %add3A_923, %sub3A_1029 : vector<16xf32>
      %sub3A_1031 = vector.broadcast %mul3A_1024 : f32 to vector<16xf32>
      %sub3A_1032 = arith.subf %add3A_932, %sub3A_1031 : vector<16xf32>
      %sub3A_1033 = vector.broadcast %mul3A_1024 : f32 to vector<16xf32>
      %sub3A_1034 = arith.subf %add3A_941, %sub3A_1033 : vector<16xf32>
      %sub3A_1035 = vector.broadcast %mul3A_1024 : f32 to vector<16xf32>
      %sub3A_1036 = arith.subf %add3A_950, %sub3A_1035 : vector<16xf32>
      %sub3A_1037 = vector.broadcast %mul3A_1024 : f32 to vector<16xf32>
      %sub3A_1038 = arith.subf %add3A_959, %sub3A_1037 : vector<16xf32>
      %sub3A_1039 = vector.broadcast %mul3A_1024 : f32 to vector<16xf32>
      %sub3A_1040 = arith.subf %add3A_968, %sub3A_1039 : vector<16xf32>
      %mul3A_1041 = arith.mulf %sub3A_1026, %sub3A_1026 : vector<16xf32>
      %mul3A_1042 = arith.mulf %sub3A_1028, %sub3A_1028 : vector<16xf32>
      %add3A_1043 = arith.addf %mul3A_1041, %mul3A_1042 : vector<16xf32>
      %mul3A_1044 = arith.mulf %sub3A_1030, %sub3A_1030 : vector<16xf32>
      %add3A_1045 = arith.addf %add3A_1043, %mul3A_1044 : vector<16xf32>
      %mul3A_1046 = arith.mulf %sub3A_1032, %sub3A_1032 : vector<16xf32>
      %add3A_1047 = arith.addf %add3A_1045, %mul3A_1046 : vector<16xf32>
      %mul3A_1048 = arith.mulf %sub3A_1034, %sub3A_1034 : vector<16xf32>
      %add3A_1049 = arith.addf %add3A_1047, %mul3A_1048 : vector<16xf32>
      %mul3A_1050 = arith.mulf %sub3A_1036, %sub3A_1036 : vector<16xf32>
      %add3A_1051 = arith.addf %add3A_1049, %mul3A_1050 : vector<16xf32>
      %mul3A_1052 = arith.mulf %sub3A_1038, %sub3A_1038 : vector<16xf32>
      %add3A_1053 = arith.addf %add3A_1051, %mul3A_1052 : vector<16xf32>
      %mul3A_1054 = arith.mulf %sub3A_1040, %sub3A_1040 : vector<16xf32>
      %add3A_1055 = arith.addf %add3A_1053, %mul3A_1054 : vector<16xf32>
      %slice3A_1056 = vector.extract_strided_slice %add3A_1055 {offsets = [0], sizes = [1], strides = [1]} : vector<16xf32> to vector<1xf32>
      %squeeze3A_1057 = vector.extract %slice3A_1056[0] : f32 from vector<1xf32>
      %slice3A_1058 = vector.extract_strided_slice %add3A_1055 {offsets = [1], sizes = [1], strides = [1]} : vector<16xf32> to vector<1xf32>
      %squeeze3A_1059 = vector.extract %slice3A_1058[0] : f32 from vector<1xf32>
      %add3A_1060 = arith.addf %squeeze3A_1057, %squeeze3A_1059 : f32
      %slice3A_1061 = vector.extract_strided_slice %add3A_1055 {offsets = [2], sizes = [1], strides = [1]} : vector<16xf32> to vector<1xf32>
      %squeeze3A_1062 = vector.extract %slice3A_1061[0] : f32 from vector<1xf32>
      %add3A_1063 = arith.addf %add3A_1060, %squeeze3A_1062 : f32
      %slice3A_1064 = vector.extract_strided_slice %add3A_1055 {offsets = [3], sizes = [1], strides = [1]} : vector<16xf32> to vector<1xf32>
      %squeeze3A_1065 = vector.extract %slice3A_1064[0] : f32 from vector<1xf32>
      %add3A_1066 = arith.addf %add3A_1063, %squeeze3A_1065 : f32
      %slice3A_1067 = vector.extract_strided_slice %add3A_1055 {offsets = [4], sizes = [1], strides = [1]} : vector<16xf32> to vector<1xf32>
      %squeeze3A_1068 = vector.extract %slice3A_1067[0] : f32 from vector<1xf32>
      %add3A_1069 = arith.addf %add3A_1066, %squeeze3A_1068 : f32
      %slice3A_1070 = vector.extract_strided_slice %add3A_1055 {offsets = [5], sizes = [1], strides = [1]} : vector<16xf32> to vector<1xf32>
      %squeeze3A_1071 = vector.extract %slice3A_1070[0] : f32 from vector<1xf32>
      %add3A_1072 = arith.addf %add3A_1069, %squeeze3A_1071 : f32
      %slice3A_1073 = vector.extract_strided_slice %add3A_1055 {offsets = [6], sizes = [1], strides = [1]} : vector<16xf32> to vector<1xf32>
      %squeeze3A_1074 = vector.extract %slice3A_1073[0] : f32 from vector<1xf32>
      %add3A_1075 = arith.addf %add3A_1072, %squeeze3A_1074 : f32
      %slice3A_1076 = vector.extract_strided_slice %add3A_1055 {offsets = [7], sizes = [1], strides = [1]} : vector<16xf32> to vector<1xf32>
      %squeeze3A_1077 = vector.extract %slice3A_1076[0] : f32 from vector<1xf32>
      %add3A_1078 = arith.addf %add3A_1075, %squeeze3A_1077 : f32
      %slice3A_1079 = vector.extract_strided_slice %add3A_1055 {offsets = [8], sizes = [1], strides = [1]} : vector<16xf32> to vector<1xf32>
      %squeeze3A_1080 = vector.extract %slice3A_1079[0] : f32 from vector<1xf32>
      %add3A_1081 = arith.addf %add3A_1078, %squeeze3A_1080 : f32
      %slice3A_1082 = vector.extract_strided_slice %add3A_1055 {offsets = [9], sizes = [1], strides = [1]} : vector<16xf32> to vector<1xf32>
      %squeeze3A_1083 = vector.extract %slice3A_1082[0] : f32 from vector<1xf32>
      %add3A_1084 = arith.addf %add3A_1081, %squeeze3A_1083 : f32
      %slice3A_1085 = vector.extract_strided_slice %add3A_1055 {offsets = [10], sizes = [1], strides = [1]} : vector<16xf32> to vector<1xf32>
      %squeeze3A_1086 = vector.extract %slice3A_1085[0] : f32 from vector<1xf32>
      %add3A_1087 = arith.addf %add3A_1084, %squeeze3A_1086 : f32
      %slice3A_1088 = vector.extract_strided_slice %add3A_1055 {offsets = [11], sizes = [1], strides = [1]} : vector<16xf32> to vector<1xf32>
      %squeeze3A_1089 = vector.extract %slice3A_1088[0] : f32 from vector<1xf32>
      %add3A_1090 = arith.addf %add3A_1087, %squeeze3A_1089 : f32
      %slice3A_1091 = vector.extract_strided_slice %add3A_1055 {offsets = [12], sizes = [1], strides = [1]} : vector<16xf32> to vector<1xf32>
      %squeeze3A_1092 = vector.extract %slice3A_1091[0] : f32 from vector<1xf32>
      %add3A_1093 = arith.addf %add3A_1090, %squeeze3A_1092 : f32
      %slice3A_1094 = vector.extract_strided_slice %add3A_1055 {offsets = [13], sizes = [1], strides = [1]} : vector<16xf32> to vector<1xf32>
      %squeeze3A_1095 = vector.extract %slice3A_1094[0] : f32 from vector<1xf32>
      %add3A_1096 = arith.addf %add3A_1093, %squeeze3A_1095 : f32
      %slice3A_1097 = vector.extract_strided_slice %add3A_1055 {offsets = [14], sizes = [1], strides = [1]} : vector<16xf32> to vector<1xf32>
      %squeeze3A_1098 = vector.extract %slice3A_1097[0] : f32 from vector<1xf32>
      %add3A_1099 = arith.addf %add3A_1096, %squeeze3A_1098 : f32
      %slice3A_1100 = vector.extract_strided_slice %add3A_1055 {offsets = [15], sizes = [1], strides = [1]} : vector<16xf32> to vector<1xf32>
      %squeeze3A_1101 = vector.extract %slice3A_1100[0] : f32 from vector<1xf32>
      %add3A_1102 = arith.addf %add3A_1099, %squeeze3A_1101 : f32
      %mul3A_1103 = arith.constant 7.812500e-03 : f32
      %mul3A_1104 = arith.mulf %add3A_1102, %mul3A_1103 : f32
      %add3A_1105 = arith.constant 9.99999996E-13 : f32
      %add3A_1106 = arith.addf %mul3A_1104, %add3A_1105 : f32
      %bitcast_convert_type3A_1107 = arith.bitcast %add3A_1106 : f32 to i32
      %shift_right_logical3A_1108 = arith.constant 1 : i32
      %shift_right_logical3A_1109 = arith.shrui %bitcast_convert_type3A_1107, %shift_right_logical3A_1108 : i32
      %sub3A_1110 = arith.constant 1597463007 : i32
      %sub3A_1111 = arith.subi %sub3A_1110, %shift_right_logical3A_1109 : i32
      %bitcast_convert_type3A_1112 = arith.bitcast %sub3A_1111 : i32 to f32
      %mul3A_1113 = arith.constant 5.000000e-01 : f32
      %mul3A_1114 = arith.mulf %mul3A_1113, %add3A_1106 : f32
      %mul3A_1115 = arith.mulf %mul3A_1114, %bitcast_convert_type3A_1112 : f32
      %mul3A_1116 = arith.mulf %mul3A_1115, %bitcast_convert_type3A_1112 : f32
      %sub3A_1117 = arith.constant 1.500000e+00 : f32
      %sub3A_1118 = arith.subf %sub3A_1117, %mul3A_1116 : f32
      %mul3A_1119 = arith.mulf %bitcast_convert_type3A_1112, %sub3A_1118 : f32
      %mul3A_1120 = arith.constant 5.000000e-01 : f32
      %mul3A_1121 = arith.mulf %mul3A_1120, %add3A_1106 : f32
      %mul3A_1122 = arith.mulf %mul3A_1121, %mul3A_1119 : f32
      %mul3A_1123 = arith.mulf %mul3A_1122, %mul3A_1119 : f32
      %sub3A_1124 = arith.constant 1.500000e+00 : f32
      %sub3A_1125 = arith.subf %sub3A_1124, %mul3A_1123 : f32
      %mul3A_1126 = arith.mulf %mul3A_1119, %sub3A_1125 : f32
      %mul3A_1127 = arith.constant 5.000000e-01 : f32
      %mul3A_1128 = arith.mulf %mul3A_1127, %add3A_1106 : f32
      %mul3A_1129 = arith.mulf %mul3A_1128, %mul3A_1126 : f32
      %mul3A_1130 = arith.mulf %mul3A_1129, %mul3A_1126 : f32
      %sub3A_1131 = arith.constant 1.500000e+00 : f32
      %sub3A_1132 = arith.subf %sub3A_1131, %mul3A_1130 : f32
      %mul3A_1133 = arith.mulf %mul3A_1126, %sub3A_1132 : f32
      %mul3A_1134 = vector.broadcast %mul3A_1133 : f32 to vector<16xf32>
      %mul3A_1135 = arith.mulf %sub3A_1026, %mul3A_1134 : vector<16xf32>
      %get3A_1136 = arith.constant 0 : index
      %get3A_1137 = tpu.vector_load %arg11[%get3A_1136] {strides = array<i32>} : memref<128xf32, #tpu.memory_space<vmem>>, vector<16xf32>,
      %get3A_1138 = vector.shape_cast %get3A_1137 : vector<16xf32> to vector<16xf32>
      %mul3A_1139 = arith.mulf %mul3A_1135, %get3A_1138 : vector<16xf32>
      %get3A_1140 = arith.constant 0 : index
      %get3A_1141 = tpu.vector_load %arg12[%get3A_1140] {strides = array<i32>} : memref<128xf32, #tpu.memory_space<vmem>>, vector<16xf32>,
      %get3A_1142 = vector.shape_cast %get3A_1141 : vector<16xf32> to vector<16xf32>
      %add3A_1143 = arith.addf %mul3A_1139, %get3A_1142 : vector<16xf32>
      %swap3A_1144 = arith.constant 2 : i32
      %swap3A_1145 = arith.index_cast %swap3A_1144 : i32 to index
      %swap3A_1146 = arith.constant 0 : index
      %swap3A_1147 = tpu.vector_load %arg13[%swap3A_1145, %swap3A_1146] {strides = array<i32>} : memref<4x128xf32, #tpu.memory_space<vmem>>, vector<1x16xf32>,
      %swap3A_1148 = vector.shape_cast %swap3A_1147 : vector<1x16xf32> to vector<16xf32>
      %swap3A_1149 = vector.shape_cast %add3A_1143 : vector<16xf32> to vector<1x16xf32>
      tpu.vector_store %arg13[%swap3A_1145, %swap3A_1146], %swap3A_1149 {strides = array<i32>} : memref<4x128xf32, #tpu.memory_space<vmem>>, vector<1x16xf32>,
      %mul3A_1150 = vector.broadcast %mul3A_1133 : f32 to vector<16xf32>
      %mul3A_1151 = arith.mulf %sub3A_1028, %mul3A_1150 : vector<16xf32>
      %get3A_1152 = arith.constant 16 : index
      %get3A_1153 = tpu.vector_load %arg11[%get3A_1152] {strides = array<i32>} : memref<128xf32, #tpu.memory_space<vmem>>, vector<16xf32>,
      %get3A_1154 = vector.shape_cast %get3A_1153 : vector<16xf32> to vector<16xf32>
      %mul3A_1155 = arith.mulf %mul3A_1151, %get3A_1154 : vector<16xf32>
      %get3A_1156 = arith.constant 16 : index
      %get3A_1157 = tpu.vector_load %arg12[%get3A_1156] {strides = array<i32>} : memref<128xf32, #tpu.memory_space<vmem>>, vector<16xf32>,
      %get3A_1158 = vector.shape_cast %get3A_1157 : vector<16xf32> to vector<16xf32>
      %add3A_1159 = arith.addf %mul3A_1155, %get3A_1158 : vector<16xf32>
      %swap3A_1160 = arith.constant 2 : i32
      %swap3A_1161 = arith.index_cast %swap3A_1160 : i32 to index
      %swap3A_1162 = arith.constant 16 : index
      %swap3A_1163 = tpu.vector_load %arg13[%swap3A_1161, %swap3A_1162] {strides = array<i32>} : memref<4x128xf32, #tpu.memory_space<vmem>>, vector<1x16xf32>,
      %swap3A_1164 = vector.shape_cast %swap3A_1163 : vector<1x16xf32> to vector<16xf32>
      %swap3A_1165 = vector.shape_cast %add3A_1159 : vector<16xf32> to vector<1x16xf32>
      tpu.vector_store %arg13[%swap3A_1161, %swap3A_1162], %swap3A_1165 {strides = array<i32>} : memref<4x128xf32, #tpu.memory_space<vmem>>, vector<1x16xf32>,
      %mul3A_1166 = vector.broadcast %mul3A_1133 : f32 to vector<16xf32>
      %mul3A_1167 = arith.mulf %sub3A_1030, %mul3A_1166 : vector<16xf32>
      %get3A_1168 = arith.constant 32 : index
      %get3A_1169 = tpu.vector_load %arg11[%get3A_1168] {strides = array<i32>} : memref<128xf32, #tpu.memory_space<vmem>>, vector<16xf32>,
      %get3A_1170 = vector.shape_cast %get3A_1169 : vector<16xf32> to vector<16xf32>
      %mul3A_1171 = arith.mulf %mul3A_1167, %get3A_1170 : vector<16xf32>
      %get3A_1172 = arith.constant 32 : index
      %get3A_1173 = tpu.vector_load %arg12[%get3A_1172] {strides = array<i32>} : memref<128xf32, #tpu.memory_space<vmem>>, vector<16xf32>,
      %get3A_1174 = vector.shape_cast %get3A_1173 : vector<16xf32> to vector<16xf32>
      %add3A_1175 = arith.addf %mul3A_1171, %get3A_1174 : vector<16xf32>
      %swap3A_1176 = arith.constant 2 : i32
      %swap3A_1177 = arith.index_cast %swap3A_1176 : i32 to index
      %swap3A_1178 = arith.constant 32 : index
      %swap3A_1179 = tpu.vector_load %arg13[%swap3A_1177, %swap3A_1178] {strides = array<i32>} : memref<4x128xf32, #tpu.memory_space<vmem>>, vector<1x16xf32>,
      %swap3A_1180 = vector.shape_cast %swap3A_1179 : vector<1x16xf32> to vector<16xf32>
      %swap3A_1181 = vector.shape_cast %add3A_1175 : vector<16xf32> to vector<1x16xf32>
      tpu.vector_store %arg13[%swap3A_1177, %swap3A_1178], %swap3A_1181 {strides = array<i32>} : memref<4x128xf32, #tpu.memory_space<vmem>>, vector<1x16xf32>,
      %mul3A_1182 = vector.broadcast %mul3A_1133 : f32 to vector<16xf32>
      %mul3A_1183 = arith.mulf %sub3A_1032, %mul3A_1182 : vector<16xf32>
      %get3A_1184 = arith.constant 48 : index
      %get3A_1185 = tpu.vector_load %arg11[%get3A_1184] {strides = array<i32>} : memref<128xf32, #tpu.memory_space<vmem>>, vector<16xf32>,
      %get3A_1186 = vector.shape_cast %get3A_1185 : vector<16xf32> to vector<16xf32>
      %mul3A_1187 = arith.mulf %mul3A_1183, %get3A_1186 : vector<16xf32>
      %get3A_1188 = arith.constant 48 : index
      %get3A_1189 = tpu.vector_load %arg12[%get3A_1188] {strides = array<i32>} : memref<128xf32, #tpu.memory_space<vmem>>, vector<16xf32>,
      %get3A_1190 = vector.shape_cast %get3A_1189 : vector<16xf32> to vector<16xf32>
      %add3A_1191 = arith.addf %mul3A_1187, %get3A_1190 : vector<16xf32>
      %swap3A_1192 = arith.constant 2 : i32
      %swap3A_1193 = arith.index_cast %swap3A_1192 : i32 to index
      %swap3A_1194 = arith.constant 48 : index
      %swap3A_1195 = tpu.vector_load %arg13[%swap3A_1193, %swap3A_1194] {strides = array<i32>} : memref<4x128xf32, #tpu.memory_space<vmem>>, vector<1x16xf32>,
      %swap3A_1196 = vector.shape_cast %swap3A_1195 : vector<1x16xf32> to vector<16xf32>
      %swap3A_1197 = vector.shape_cast %add3A_1191 : vector<16xf32> to vector<1x16xf32>
      tpu.vector_store %arg13[%swap3A_1193, %swap3A_1194], %swap3A_1197 {strides = array<i32>} : memref<4x128xf32, #tpu.memory_space<vmem>>, vector<1x16xf32>,
      %mul3A_1198 = vector.broadcast %mul3A_1133 : f32 to vector<16xf32>
      %mul3A_1199 = arith.mulf %sub3A_1034, %mul3A_1198 : vector<16xf32>
      %get3A_1200 = arith.constant 64 : index
      %get3A_1201 = tpu.vector_load %arg11[%get3A_1200] {strides = array<i32>} : memref<128xf32, #tpu.memory_space<vmem>>, vector<16xf32>,
      %get3A_1202 = vector.shape_cast %get3A_1201 : vector<16xf32> to vector<16xf32>
      %mul3A_1203 = arith.mulf %mul3A_1199, %get3A_1202 : vector<16xf32>
      %get3A_1204 = arith.constant 64 : index
      %get3A_1205 = tpu.vector_load %arg12[%get3A_1204] {strides = array<i32>} : memref<128xf32, #tpu.memory_space<vmem>>, vector<16xf32>,
      %get3A_1206 = vector.shape_cast %get3A_1205 : vector<16xf32> to vector<16xf32>
      %add3A_1207 = arith.addf %mul3A_1203, %get3A_1206 : vector<16xf32>
      %swap3A_1208 = arith.constant 2 : i32
      %swap3A_1209 = arith.index_cast %swap3A_1208 : i32 to index
      %swap3A_1210 = arith.constant 64 : index
      %swap3A_1211 = tpu.vector_load %arg13[%swap3A_1209, %swap3A_1210] {strides = array<i32>} : memref<4x128xf32, #tpu.memory_space<vmem>>, vector<1x16xf32>,
      %swap3A_1212 = vector.shape_cast %swap3A_1211 : vector<1x16xf32> to vector<16xf32>
      %swap3A_1213 = vector.shape_cast %add3A_1207 : vector<16xf32> to vector<1x16xf32>
      tpu.vector_store %arg13[%swap3A_1209, %swap3A_1210], %swap3A_1213 {strides = array<i32>} : memref<4x128xf32, #tpu.memory_space<vmem>>, vector<1x16xf32>,
      %mul3A_1214 = vector.broadcast %mul3A_1133 : f32 to vector<16xf32>
      %mul3A_1215 = arith.mulf %sub3A_1036, %mul3A_1214 : vector<16xf32>
      %get3A_1216 = arith.constant 80 : index
      %get3A_1217 = tpu.vector_load %arg11[%get3A_1216] {strides = array<i32>} : memref<128xf32, #tpu.memory_space<vmem>>, vector<16xf32>,
      %get3A_1218 = vector.shape_cast %get3A_1217 : vector<16xf32> to vector<16xf32>
      %mul3A_1219 = arith.mulf %mul3A_1215, %get3A_1218 : vector<16xf32>
      %get3A_1220 = arith.constant 80 : index
      %get3A_1221 = tpu.vector_load %arg12[%get3A_1220] {strides = array<i32>} : memref<128xf32, #tpu.memory_space<vmem>>, vector<16xf32>,
      %get3A_1222 = vector.shape_cast %get3A_1221 : vector<16xf32> to vector<16xf32>
      %add3A_1223 = arith.addf %mul3A_1219, %get3A_1222 : vector<16xf32>
      %swap3A_1224 = arith.constant 2 : i32
      %swap3A_1225 = arith.index_cast %swap3A_1224 : i32 to index
      %swap3A_1226 = arith.constant 80 : index
      %swap3A_1227 = tpu.vector_load %arg13[%swap3A_1225, %swap3A_1226] {strides = array<i32>} : memref<4x128xf32, #tpu.memory_space<vmem>>, vector<1x16xf32>,
      %swap3A_1228 = vector.shape_cast %swap3A_1227 : vector<1x16xf32> to vector<16xf32>
      %swap3A_1229 = vector.shape_cast %add3A_1223 : vector<16xf32> to vector<1x16xf32>
      tpu.vector_store %arg13[%swap3A_1225, %swap3A_1226], %swap3A_1229 {strides = array<i32>} : memref<4x128xf32, #tpu.memory_space<vmem>>, vector<1x16xf32>,
      %mul3A_1230 = vector.broadcast %mul3A_1133 : f32 to vector<16xf32>
      %mul3A_1231 = arith.mulf %sub3A_1038, %mul3A_1230 : vector<16xf32>
      %get3A_1232 = arith.constant 96 : index
      %get3A_1233 = tpu.vector_load %arg11[%get3A_1232] {strides = array<i32>} : memref<128xf32, #tpu.memory_space<vmem>>, vector<16xf32>,
      %get3A_1234 = vector.shape_cast %get3A_1233 : vector<16xf32> to vector<16xf32>
      %mul3A_1235 = arith.mulf %mul3A_1231, %get3A_1234 : vector<16xf32>
      %get3A_1236 = arith.constant 96 : index
      %get3A_1237 = tpu.vector_load %arg12[%get3A_1236] {strides = array<i32>} : memref<128xf32, #tpu.memory_space<vmem>>, vector<16xf32>,
      %get3A_1238 = vector.shape_cast %get3A_1237 : vector<16xf32> to vector<16xf32>
      %add3A_1239 = arith.addf %mul3A_1235, %get3A_1238 : vector<16xf32>
      %swap3A_1240 = arith.constant 2 : i32
      %swap3A_1241 = arith.index_cast %swap3A_1240 : i32 to index
      %swap3A_1242 = arith.constant 96 : index
      %swap3A_1243 = tpu.vector_load %arg13[%swap3A_1241, %swap3A_1242] {strides = array<i32>} : memref<4x128xf32, #tpu.memory_space<vmem>>, vector<1x16xf32>,
      %swap3A_1244 = vector.shape_cast %swap3A_1243 : vector<1x16xf32> to vector<16xf32>
      %swap3A_1245 = vector.shape_cast %add3A_1239 : vector<16xf32> to vector<1x16xf32>
      tpu.vector_store %arg13[%swap3A_1241, %swap3A_1242], %swap3A_1245 {strides = array<i32>} : memref<4x128xf32, #tpu.memory_space<vmem>>, vector<1x16xf32>,
      %mul3A_1246 = vector.broadcast %mul3A_1133 : f32 to vector<16xf32>
      %mul3A_1247 = arith.mulf %sub3A_1040, %mul3A_1246 : vector<16xf32>
      %get3A_1248 = arith.constant 112 : index
      %get3A_1249 = tpu.vector_load %arg11[%get3A_1248] {strides = array<i32>} : memref<128xf32, #tpu.memory_space<vmem>>, vector<16xf32>,
      %get3A_1250 = vector.shape_cast %get3A_1249 : vector<16xf32> to vector<16xf32>
      %mul3A_1251 = arith.mulf %mul3A_1247, %get3A_1250 : vector<16xf32>
      %get3A_1252 = arith.constant 112 : index
      %get3A_1253 = tpu.vector_load %arg12[%get3A_1252] {strides = array<i32>} : memref<128xf32, #tpu.memory_space<vmem>>, vector<16xf32>,
      %get3A_1254 = vector.shape_cast %get3A_1253 : vector<16xf32> to vector<16xf32>
      %add3A_1255 = arith.addf %mul3A_1251, %get3A_1254 : vector<16xf32>
      %swap3A_1256 = arith.constant 2 : i32
      %swap3A_1257 = arith.index_cast %swap3A_1256 : i32 to index
      %swap3A_1258 = arith.constant 112 : index
      %swap3A_1259 = tpu.vector_load %arg13[%swap3A_1257, %swap3A_1258] {strides = array<i32>} : memref<4x128xf32, #tpu.memory_space<vmem>>, vector<1x16xf32>,
      %swap3A_1260 = vector.shape_cast %swap3A_1259 : vector<1x16xf32> to vector<16xf32>
      %swap3A_1261 = vector.shape_cast %add3A_1255 : vector<16xf32> to vector<1x16xf32>
      tpu.vector_store %arg13[%swap3A_1257, %swap3A_1258], %swap3A_1261 {strides = array<i32>} : memref<4x128xf32, #tpu.memory_space<vmem>>, vector<1x16xf32>,
      %get3A_1262 = arith.constant 0 : index
      %get3A_1263 = tpu.vector_load %arg9[%get3A_1262] {strides = array<i32>} : memref<128xf32, #tpu.memory_space<vmem>>, vector<16xf32>,
      %get3A_1264 = vector.shape_cast %get3A_1263 : vector<16xf32> to vector<16xf32>
      %get3A_1265 = arith.constant 3 : i32
      %get3A_1266 = arith.index_cast %get3A_1265 : i32 to index
      %get3A_1267 = arith.constant 0 : index
      %get3A_1268 = tpu.vector_load %arg10[%get3A_1266, %get3A_1267] {strides = array<i32>} : memref<4x128xf32, #tpu.memory_space<vmem>>, vector<1x16xf32>,
      %get3A_1269 = vector.shape_cast %get3A_1268 : vector<1x16xf32> to vector<16xf32>
      %add3A_1270 = arith.addf %get3A_1264, %get3A_1269 : vector<16xf32>
      %get3A_1271 = arith.constant 16 : index
      %get3A_1272 = tpu.vector_load %arg9[%get3A_1271] {strides = array<i32>} : memref<128xf32, #tpu.memory_space<vmem>>, vector<16xf32>,
      %get3A_1273 = vector.shape_cast %get3A_1272 : vector<16xf32> to vector<16xf32>
      %get3A_1274 = arith.constant 3 : i32
      %get3A_1275 = arith.index_cast %get3A_1274 : i32 to index
      %get3A_1276 = arith.constant 16 : index
      %get3A_1277 = tpu.vector_load %arg10[%get3A_1275, %get3A_1276] {strides = array<i32>} : memref<4x128xf32, #tpu.memory_space<vmem>>, vector<1x16xf32>,
      %get3A_1278 = vector.shape_cast %get3A_1277 : vector<1x16xf32> to vector<16xf32>
      %add3A_1279 = arith.addf %get3A_1273, %get3A_1278 : vector<16xf32>
      %get3A_1280 = arith.constant 32 : index
      %get3A_1281 = tpu.vector_load %arg9[%get3A_1280] {strides = array<i32>} : memref<128xf32, #tpu.memory_space<vmem>>, vector<16xf32>,
      %get3A_1282 = vector.shape_cast %get3A_1281 : vector<16xf32> to vector<16xf32>
      %get3A_1283 = arith.constant 3 : i32
      %get3A_1284 = arith.index_cast %get3A_1283 : i32 to index
      %get3A_1285 = arith.constant 32 : index
      %get3A_1286 = tpu.vector_load %arg10[%get3A_1284, %get3A_1285] {strides = array<i32>} : memref<4x128xf32, #tpu.memory_space<vmem>>, vector<1x16xf32>,
      %get3A_1287 = vector.shape_cast %get3A_1286 : vector<1x16xf32> to vector<16xf32>
      %add3A_1288 = arith.addf %get3A_1282, %get3A_1287 : vector<16xf32>
      %get3A_1289 = arith.constant 48 : index
      %get3A_1290 = tpu.vector_load %arg9[%get3A_1289] {strides = array<i32>} : memref<128xf32, #tpu.memory_space<vmem>>, vector<16xf32>,
      %get3A_1291 = vector.shape_cast %get3A_1290 : vector<16xf32> to vector<16xf32>
      %get3A_1292 = arith.constant 3 : i32
      %get3A_1293 = arith.index_cast %get3A_1292 : i32 to index
      %get3A_1294 = arith.constant 48 : index
      %get3A_1295 = tpu.vector_load %arg10[%get3A_1293, %get3A_1294] {strides = array<i32>} : memref<4x128xf32, #tpu.memory_space<vmem>>, vector<1x16xf32>,
      %get3A_1296 = vector.shape_cast %get3A_1295 : vector<1x16xf32> to vector<16xf32>
      %add3A_1297 = arith.addf %get3A_1291, %get3A_1296 : vector<16xf32>
      %get3A_1298 = arith.constant 64 : index
      %get3A_1299 = tpu.vector_load %arg9[%get3A_1298] {strides = array<i32>} : memref<128xf32, #tpu.memory_space<vmem>>, vector<16xf32>,
      %get3A_1300 = vector.shape_cast %get3A_1299 : vector<16xf32> to vector<16xf32>
      %get3A_1301 = arith.constant 3 : i32
      %get3A_1302 = arith.index_cast %get3A_1301 : i32 to index
      %get3A_1303 = arith.constant 64 : index
      %get3A_1304 = tpu.vector_load %arg10[%get3A_1302, %get3A_1303] {strides = array<i32>} : memref<4x128xf32, #tpu.memory_space<vmem>>, vector<1x16xf32>,
      %get3A_1305 = vector.shape_cast %get3A_1304 : vector<1x16xf32> to vector<16xf32>
      %add3A_1306 = arith.addf %get3A_1300, %get3A_1305 : vector<16xf32>
      %get3A_1307 = arith.constant 80 : index
      %get3A_1308 = tpu.vector_load %arg9[%get3A_1307] {strides = array<i32>} : memref<128xf32, #tpu.memory_space<vmem>>, vector<16xf32>,
      %get3A_1309 = vector.shape_cast %get3A_1308 : vector<16xf32> to vector<16xf32>
      %get3A_1310 = arith.constant 3 : i32
      %get3A_1311 = arith.index_cast %get3A_1310 : i32 to index
      %get3A_1312 = arith.constant 80 : index
      %get3A_1313 = tpu.vector_load %arg10[%get3A_1311, %get3A_1312] {strides = array<i32>} : memref<4x128xf32, #tpu.memory_space<vmem>>, vector<1x16xf32>,
      %get3A_1314 = vector.shape_cast %get3A_1313 : vector<1x16xf32> to vector<16xf32>
      %add3A_1315 = arith.addf %get3A_1309, %get3A_1314 : vector<16xf32>
      %get3A_1316 = arith.constant 96 : index
      %get3A_1317 = tpu.vector_load %arg9[%get3A_1316] {strides = array<i32>} : memref<128xf32, #tpu.memory_space<vmem>>, vector<16xf32>,
      %get3A_1318 = vector.shape_cast %get3A_1317 : vector<16xf32> to vector<16xf32>
      %get3A_1319 = arith.constant 3 : i32
      %get3A_1320 = arith.index_cast %get3A_1319 : i32 to index
      %get3A_1321 = arith.constant 96 : index
      %get3A_1322 = tpu.vector_load %arg10[%get3A_1320, %get3A_1321] {strides = array<i32>} : memref<4x128xf32, #tpu.memory_space<vmem>>, vector<1x16xf32>,
      %get3A_1323 = vector.shape_cast %get3A_1322 : vector<1x16xf32> to vector<16xf32>
      %add3A_1324 = arith.addf %get3A_1318, %get3A_1323 : vector<16xf32>
      %get3A_1325 = arith.constant 112 : index
      %get3A_1326 = tpu.vector_load %arg9[%get3A_1325] {strides = array<i32>} : memref<128xf32, #tpu.memory_space<vmem>>, vector<16xf32>,
      %get3A_1327 = vector.shape_cast %get3A_1326 : vector<16xf32> to vector<16xf32>
      %get3A_1328 = arith.constant 3 : i32
      %get3A_1329 = arith.index_cast %get3A_1328 : i32 to index
      %get3A_1330 = arith.constant 112 : index
      %get3A_1331 = tpu.vector_load %arg10[%get3A_1329, %get3A_1330] {strides = array<i32>} : memref<4x128xf32, #tpu.memory_space<vmem>>, vector<1x16xf32>,
      %get3A_1332 = vector.shape_cast %get3A_1331 : vector<1x16xf32> to vector<16xf32>
      %add3A_1333 = arith.addf %get3A_1327, %get3A_1332 : vector<16xf32>
      %add3A_1334 = arith.addf %add3A_1270, %add3A_1279 : vector<16xf32>
      %add3A_1335 = arith.addf %add3A_1334, %add3A_1288 : vector<16xf32>
      %add3A_1336 = arith.addf %add3A_1335, %add3A_1297 : vector<16xf32>
      %add3A_1337 = arith.addf %add3A_1336, %add3A_1306 : vector<16xf32>
      %add3A_1338 = arith.addf %add3A_1337, %add3A_1315 : vector<16xf32>
      %add3A_1339 = arith.addf %add3A_1338, %add3A_1324 : vector<16xf32>
      %add3A_1340 = arith.addf %add3A_1339, %add3A_1333 : vector<16xf32>
      %slice3A_1341 = vector.extract_strided_slice %add3A_1340 {offsets = [0], sizes = [1], strides = [1]} : vector<16xf32> to vector<1xf32>
      %squeeze3A_1342 = vector.extract %slice3A_1341[0] : f32 from vector<1xf32>
      %slice3A_1343 = vector.extract_strided_slice %add3A_1340 {offsets = [1], sizes = [1], strides = [1]} : vector<16xf32> to vector<1xf32>
      %squeeze3A_1344 = vector.extract %slice3A_1343[0] : f32 from vector<1xf32>
      %add3A_1345 = arith.addf %squeeze3A_1342, %squeeze3A_1344 : f32
      %slice3A_1346 = vector.extract_strided_slice %add3A_1340 {offsets = [2], sizes = [1], strides = [1]} : vector<16xf32> to vector<1xf32>
      %squeeze3A_1347 = vector.extract %slice3A_1346[0] : f32 from vector<1xf32>
      %add3A_1348 = arith.addf %add3A_1345, %squeeze3A_1347 : f32
      %slice3A_1349 = vector.extract_strided_slice %add3A_1340 {offsets = [3], sizes = [1], strides = [1]} : vector<16xf32> to vector<1xf32>
      %squeeze3A_1350 = vector.extract %slice3A_1349[0] : f32 from vector<1xf32>
      %add3A_1351 = arith.addf %add3A_1348, %squeeze3A_1350 : f32
      %slice3A_1352 = vector.extract_strided_slice %add3A_1340 {offsets = [4], sizes = [1], strides = [1]} : vector<16xf32> to vector<1xf32>
      %squeeze3A_1353 = vector.extract %slice3A_1352[0] : f32 from vector<1xf32>
      %add3A_1354 = arith.addf %add3A_1351, %squeeze3A_1353 : f32
      %slice3A_1355 = vector.extract_strided_slice %add3A_1340 {offsets = [5], sizes = [1], strides = [1]} : vector<16xf32> to vector<1xf32>
      %squeeze3A_1356 = vector.extract %slice3A_1355[0] : f32 from vector<1xf32>
      %add3A_1357 = arith.addf %add3A_1354, %squeeze3A_1356 : f32
      %slice3A_1358 = vector.extract_strided_slice %add3A_1340 {offsets = [6], sizes = [1], strides = [1]} : vector<16xf32> to vector<1xf32>
      %squeeze3A_1359 = vector.extract %slice3A_1358[0] : f32 from vector<1xf32>
      %add3A_1360 = arith.addf %add3A_1357, %squeeze3A_1359 : f32
      %slice3A_1361 = vector.extract_strided_slice %add3A_1340 {offsets = [7], sizes = [1], strides = [1]} : vector<16xf32> to vector<1xf32>
      %squeeze3A_1362 = vector.extract %slice3A_1361[0] : f32 from vector<1xf32>
      %add3A_1363 = arith.addf %add3A_1360, %squeeze3A_1362 : f32
      %slice3A_1364 = vector.extract_strided_slice %add3A_1340 {offsets = [8], sizes = [1], strides = [1]} : vector<16xf32> to vector<1xf32>
      %squeeze3A_1365 = vector.extract %slice3A_1364[0] : f32 from vector<1xf32>
      %add3A_1366 = arith.addf %add3A_1363, %squeeze3A_1365 : f32
      %slice3A_1367 = vector.extract_strided_slice %add3A_1340 {offsets = [9], sizes = [1], strides = [1]} : vector<16xf32> to vector<1xf32>
      %squeeze3A_1368 = vector.extract %slice3A_1367[0] : f32 from vector<1xf32>
      %add3A_1369 = arith.addf %add3A_1366, %squeeze3A_1368 : f32
      %slice3A_1370 = vector.extract_strided_slice %add3A_1340 {offsets = [10], sizes = [1], strides = [1]} : vector<16xf32> to vector<1xf32>
      %squeeze3A_1371 = vector.extract %slice3A_1370[0] : f32 from vector<1xf32>
      %add3A_1372 = arith.addf %add3A_1369, %squeeze3A_1371 : f32
      %slice3A_1373 = vector.extract_strided_slice %add3A_1340 {offsets = [11], sizes = [1], strides = [1]} : vector<16xf32> to vector<1xf32>
      %squeeze3A_1374 = vector.extract %slice3A_1373[0] : f32 from vector<1xf32>
      %add3A_1375 = arith.addf %add3A_1372, %squeeze3A_1374 : f32
      %slice3A_1376 = vector.extract_strided_slice %add3A_1340 {offsets = [12], sizes = [1], strides = [1]} : vector<16xf32> to vector<1xf32>
      %squeeze3A_1377 = vector.extract %slice3A_1376[0] : f32 from vector<1xf32>
      %add3A_1378 = arith.addf %add3A_1375, %squeeze3A_1377 : f32
      %slice3A_1379 = vector.extract_strided_slice %add3A_1340 {offsets = [13], sizes = [1], strides = [1]} : vector<16xf32> to vector<1xf32>
      %squeeze3A_1380 = vector.extract %slice3A_1379[0] : f32 from vector<1xf32>
      %add3A_1381 = arith.addf %add3A_1378, %squeeze3A_1380 : f32
      %slice3A_1382 = vector.extract_strided_slice %add3A_1340 {offsets = [14], sizes = [1], strides = [1]} : vector<16xf32> to vector<1xf32>
      %squeeze3A_1383 = vector.extract %slice3A_1382[0] : f32 from vector<1xf32>
      %add3A_1384 = arith.addf %add3A_1381, %squeeze3A_1383 : f32
      %slice3A_1385 = vector.extract_strided_slice %add3A_1340 {offsets = [15], sizes = [1], strides = [1]} : vector<16xf32> to vector<1xf32>
      %squeeze3A_1386 = vector.extract %slice3A_1385[0] : f32 from vector<1xf32>
      %add3A_1387 = arith.addf %add3A_1384, %squeeze3A_1386 : f32
      %mul3A_1388 = arith.constant 7.812500e-03 : f32
      %mul3A_1389 = arith.mulf %add3A_1387, %mul3A_1388 : f32
      %sub3A_1390 = vector.broadcast %mul3A_1389 : f32 to vector<16xf32>
      %sub3A_1391 = arith.subf %add3A_1270, %sub3A_1390 : vector<16xf32>
      %sub3A_1392 = vector.broadcast %mul3A_1389 : f32 to vector<16xf32>
      %sub3A_1393 = arith.subf %add3A_1279, %sub3A_1392 : vector<16xf32>
      %sub3A_1394 = vector.broadcast %mul3A_1389 : f32 to vector<16xf32>
      %sub3A_1395 = arith.subf %add3A_1288, %sub3A_1394 : vector<16xf32>
      %sub3A_1396 = vector.broadcast %mul3A_1389 : f32 to vector<16xf32>
      %sub3A_1397 = arith.subf %add3A_1297, %sub3A_1396 : vector<16xf32>
      %sub3A_1398 = vector.broadcast %mul3A_1389 : f32 to vector<16xf32>
      %sub3A_1399 = arith.subf %add3A_1306, %sub3A_1398 : vector<16xf32>
      %sub3A_1400 = vector.broadcast %mul3A_1389 : f32 to vector<16xf32>
      %sub3A_1401 = arith.subf %add3A_1315, %sub3A_1400 : vector<16xf32>
      %sub3A_1402 = vector.broadcast %mul3A_1389 : f32 to vector<16xf32>
      %sub3A_1403 = arith.subf %add3A_1324, %sub3A_1402 : vector<16xf32>
      %sub3A_1404 = vector.broadcast %mul3A_1389 : f32 to vector<16xf32>
      %sub3A_1405 = arith.subf %add3A_1333, %sub3A_1404 : vector<16xf32>
      %mul3A_1406 = arith.mulf %sub3A_1391, %sub3A_1391 : vector<16xf32>
      %mul3A_1407 = arith.mulf %sub3A_1393, %sub3A_1393 : vector<16xf32>
      %add3A_1408 = arith.addf %mul3A_1406, %mul3A_1407 : vector<16xf32>
      %mul3A_1409 = arith.mulf %sub3A_1395, %sub3A_1395 : vector<16xf32>
      %add3A_1410 = arith.addf %add3A_1408, %mul3A_1409 : vector<16xf32>
      %mul3A_1411 = arith.mulf %sub3A_1397, %sub3A_1397 : vector<16xf32>
      %add3A_1412 = arith.addf %add3A_1410, %mul3A_1411 : vector<16xf32>
      %mul3A_1413 = arith.mulf %sub3A_1399, %sub3A_1399 : vector<16xf32>
      %add3A_1414 = arith.addf %add3A_1412, %mul3A_1413 : vector<16xf32>
      %mul3A_1415 = arith.mulf %sub3A_1401, %sub3A_1401 : vector<16xf32>
      %add3A_1416 = arith.addf %add3A_1414, %mul3A_1415 : vector<16xf32>
      %mul3A_1417 = arith.mulf %sub3A_1403, %sub3A_1403 : vector<16xf32>
      %add3A_1418 = arith.addf %add3A_1416, %mul3A_1417 : vector<16xf32>
      %mul3A_1419 = arith.mulf %sub3A_1405, %sub3A_1405 : vector<16xf32>
      %add3A_1420 = arith.addf %add3A_1418, %mul3A_1419 : vector<16xf32>
      %slice3A_1421 = vector.extract_strided_slice %add3A_1420 {offsets = [0], sizes = [1], strides = [1]} : vector<16xf32> to vector<1xf32>
      %squeeze3A_1422 = vector.extract %slice3A_1421[0] : f32 from vector<1xf32>
      %slice3A_1423 = vector.extract_strided_slice %add3A_1420 {offsets = [1], sizes = [1], strides = [1]} : vector<16xf32> to vector<1xf32>
      %squeeze3A_1424 = vector.extract %slice3A_1423[0] : f32 from vector<1xf32>
      %add3A_1425 = arith.addf %squeeze3A_1422, %squeeze3A_1424 : f32
      %slice3A_1426 = vector.extract_strided_slice %add3A_1420 {offsets = [2], sizes = [1], strides = [1]} : vector<16xf32> to vector<1xf32>
      %squeeze3A_1427 = vector.extract %slice3A_1426[0] : f32 from vector<1xf32>
      %add3A_1428 = arith.addf %add3A_1425, %squeeze3A_1427 : f32
      %slice3A_1429 = vector.extract_strided_slice %add3A_1420 {offsets = [3], sizes = [1], strides = [1]} : vector<16xf32> to vector<1xf32>
      %squeeze3A_1430 = vector.extract %slice3A_1429[0] : f32 from vector<1xf32>
      %add3A_1431 = arith.addf %add3A_1428, %squeeze3A_1430 : f32
      %slice3A_1432 = vector.extract_strided_slice %add3A_1420 {offsets = [4], sizes = [1], strides = [1]} : vector<16xf32> to vector<1xf32>
      %squeeze3A_1433 = vector.extract %slice3A_1432[0] : f32 from vector<1xf32>
      %add3A_1434 = arith.addf %add3A_1431, %squeeze3A_1433 : f32
      %slice3A_1435 = vector.extract_strided_slice %add3A_1420 {offsets = [5], sizes = [1], strides = [1]} : vector<16xf32> to vector<1xf32>
      %squeeze3A_1436 = vector.extract %slice3A_1435[0] : f32 from vector<1xf32>
      %add3A_1437 = arith.addf %add3A_1434, %squeeze3A_1436 : f32
      %slice3A_1438 = vector.extract_strided_slice %add3A_1420 {offsets = [6], sizes = [1], strides = [1]} : vector<16xf32> to vector<1xf32>
      %squeeze3A_1439 = vector.extract %slice3A_1438[0] : f32 from vector<1xf32>
      %add3A_1440 = arith.addf %add3A_1437, %squeeze3A_1439 : f32
      %slice3A_1441 = vector.extract_strided_slice %add3A_1420 {offsets = [7], sizes = [1], strides = [1]} : vector<16xf32> to vector<1xf32>
      %squeeze3A_1442 = vector.extract %slice3A_1441[0] : f32 from vector<1xf32>
      %add3A_1443 = arith.addf %add3A_1440, %squeeze3A_1442 : f32
      %slice3A_1444 = vector.extract_strided_slice %add3A_1420 {offsets = [8], sizes = [1], strides = [1]} : vector<16xf32> to vector<1xf32>
      %squeeze3A_1445 = vector.extract %slice3A_1444[0] : f32 from vector<1xf32>
      %add3A_1446 = arith.addf %add3A_1443, %squeeze3A_1445 : f32
      %slice3A_1447 = vector.extract_strided_slice %add3A_1420 {offsets = [9], sizes = [1], strides = [1]} : vector<16xf32> to vector<1xf32>
      %squeeze3A_1448 = vector.extract %slice3A_1447[0] : f32 from vector<1xf32>
      %add3A_1449 = arith.addf %add3A_1446, %squeeze3A_1448 : f32
      %slice3A_1450 = vector.extract_strided_slice %add3A_1420 {offsets = [10], sizes = [1], strides = [1]} : vector<16xf32> to vector<1xf32>
      %squeeze3A_1451 = vector.extract %slice3A_1450[0] : f32 from vector<1xf32>
      %add3A_1452 = arith.addf %add3A_1449, %squeeze3A_1451 : f32
      %slice3A_1453 = vector.extract_strided_slice %add3A_1420 {offsets = [11], sizes = [1], strides = [1]} : vector<16xf32> to vector<1xf32>
      %squeeze3A_1454 = vector.extract %slice3A_1453[0] : f32 from vector<1xf32>
      %add3A_1455 = arith.addf %add3A_1452, %squeeze3A_1454 : f32
      %slice3A_1456 = vector.extract_strided_slice %add3A_1420 {offsets = [12], sizes = [1], strides = [1]} : vector<16xf32> to vector<1xf32>
      %squeeze3A_1457 = vector.extract %slice3A_1456[0] : f32 from vector<1xf32>
      %add3A_1458 = arith.addf %add3A_1455, %squeeze3A_1457 : f32
      %slice3A_1459 = vector.extract_strided_slice %add3A_1420 {offsets = [13], sizes = [1], strides = [1]} : vector<16xf32> to vector<1xf32>
      %squeeze3A_1460 = vector.extract %slice3A_1459[0] : f32 from vector<1xf32>
      %add3A_1461 = arith.addf %add3A_1458, %squeeze3A_1460 : f32
      %slice3A_1462 = vector.extract_strided_slice %add3A_1420 {offsets = [14], sizes = [1], strides = [1]} : vector<16xf32> to vector<1xf32>
      %squeeze3A_1463 = vector.extract %slice3A_1462[0] : f32 from vector<1xf32>
      %add3A_1464 = arith.addf %add3A_1461, %squeeze3A_1463 : f32
      %slice3A_1465 = vector.extract_strided_slice %add3A_1420 {offsets = [15], sizes = [1], strides = [1]} : vector<16xf32> to vector<1xf32>
      %squeeze3A_1466 = vector.extract %slice3A_1465[0] : f32 from vector<1xf32>
      %add3A_1467 = arith.addf %add3A_1464, %squeeze3A_1466 : f32
      %mul3A_1468 = arith.constant 7.812500e-03 : f32
      %mul3A_1469 = arith.mulf %add3A_1467, %mul3A_1468 : f32
      %add3A_1470 = arith.constant 9.99999996E-13 : f32
      %add3A_1471 = arith.addf %mul3A_1469, %add3A_1470 : f32
      %bitcast_convert_type3A_1472 = arith.bitcast %add3A_1471 : f32 to i32
      %shift_right_logical3A_1473 = arith.constant 1 : i32
      %shift_right_logical3A_1474 = arith.shrui %bitcast_convert_type3A_1472, %shift_right_logical3A_1473 : i32
      %sub3A_1475 = arith.constant 1597463007 : i32
      %sub3A_1476 = arith.subi %sub3A_1475, %shift_right_logical3A_1474 : i32
      %bitcast_convert_type3A_1477 = arith.bitcast %sub3A_1476 : i32 to f32
      %mul3A_1478 = arith.constant 5.000000e-01 : f32
      %mul3A_1479 = arith.mulf %mul3A_1478, %add3A_1471 : f32
      %mul3A_1480 = arith.mulf %mul3A_1479, %bitcast_convert_type3A_1477 : f32
      %mul3A_1481 = arith.mulf %mul3A_1480, %bitcast_convert_type3A_1477 : f32
      %sub3A_1482 = arith.constant 1.500000e+00 : f32
      %sub3A_1483 = arith.subf %sub3A_1482, %mul3A_1481 : f32
      %mul3A_1484 = arith.mulf %bitcast_convert_type3A_1477, %sub3A_1483 : f32
      %mul3A_1485 = arith.constant 5.000000e-01 : f32
      %mul3A_1486 = arith.mulf %mul3A_1485, %add3A_1471 : f32
      %mul3A_1487 = arith.mulf %mul3A_1486, %mul3A_1484 : f32
      %mul3A_1488 = arith.mulf %mul3A_1487, %mul3A_1484 : f32
      %sub3A_1489 = arith.constant 1.500000e+00 : f32
      %sub3A_1490 = arith.subf %sub3A_1489, %mul3A_1488 : f32
      %mul3A_1491 = arith.mulf %mul3A_1484, %sub3A_1490 : f32
      %mul3A_1492 = arith.constant 5.000000e-01 : f32
      %mul3A_1493 = arith.mulf %mul3A_1492, %add3A_1471 : f32
      %mul3A_1494 = arith.mulf %mul3A_1493, %mul3A_1491 : f32
      %mul3A_1495 = arith.mulf %mul3A_1494, %mul3A_1491 : f32
      %sub3A_1496 = arith.constant 1.500000e+00 : f32
      %sub3A_1497 = arith.subf %sub3A_1496, %mul3A_1495 : f32
      %mul3A_1498 = arith.mulf %mul3A_1491, %sub3A_1497 : f32
      %mul3A_1499 = vector.broadcast %mul3A_1498 : f32 to vector<16xf32>
      %mul3A_1500 = arith.mulf %sub3A_1391, %mul3A_1499 : vector<16xf32>
      %get3A_1501 = arith.constant 0 : index
      %get3A_1502 = tpu.vector_load %arg11[%get3A_1501] {strides = array<i32>} : memref<128xf32, #tpu.memory_space<vmem>>, vector<16xf32>,
      %get3A_1503 = vector.shape_cast %get3A_1502 : vector<16xf32> to vector<16xf32>
      %mul3A_1504 = arith.mulf %mul3A_1500, %get3A_1503 : vector<16xf32>
      %get3A_1505 = arith.constant 0 : index
      %get3A_1506 = tpu.vector_load %arg12[%get3A_1505] {strides = array<i32>} : memref<128xf32, #tpu.memory_space<vmem>>, vector<16xf32>,
      %get3A_1507 = vector.shape_cast %get3A_1506 : vector<16xf32> to vector<16xf32>
      %add3A_1508 = arith.addf %mul3A_1504, %get3A_1507 : vector<16xf32>
      %swap3A_1509 = arith.constant 3 : i32
      %swap3A_1510 = arith.index_cast %swap3A_1509 : i32 to index
      %swap3A_1511 = arith.constant 0 : index
      %swap3A_1512 = tpu.vector_load %arg13[%swap3A_1510, %swap3A_1511] {strides = array<i32>} : memref<4x128xf32, #tpu.memory_space<vmem>>, vector<1x16xf32>,
      %swap3A_1513 = vector.shape_cast %swap3A_1512 : vector<1x16xf32> to vector<16xf32>
      %swap3A_1514 = vector.shape_cast %add3A_1508 : vector<16xf32> to vector<1x16xf32>
      tpu.vector_store %arg13[%swap3A_1510, %swap3A_1511], %swap3A_1514 {strides = array<i32>} : memref<4x128xf32, #tpu.memory_space<vmem>>, vector<1x16xf32>,
      %mul3A_1515 = vector.broadcast %mul3A_1498 : f32 to vector<16xf32>
      %mul3A_1516 = arith.mulf %sub3A_1393, %mul3A_1515 : vector<16xf32>
      %get3A_1517 = arith.constant 16 : index
      %get3A_1518 = tpu.vector_load %arg11[%get3A_1517] {strides = array<i32>} : memref<128xf32, #tpu.memory_space<vmem>>, vector<16xf32>,
      %get3A_1519 = vector.shape_cast %get3A_1518 : vector<16xf32> to vector<16xf32>
      %mul3A_1520 = arith.mulf %mul3A_1516, %get3A_1519 : vector<16xf32>
      %get3A_1521 = arith.constant 16 : index
      %get3A_1522 = tpu.vector_load %arg12[%get3A_1521] {strides = array<i32>} : memref<128xf32, #tpu.memory_space<vmem>>, vector<16xf32>,
      %get3A_1523 = vector.shape_cast %get3A_1522 : vector<16xf32> to vector<16xf32>
      %add3A_1524 = arith.addf %mul3A_1520, %get3A_1523 : vector<16xf32>
      %swap3A_1525 = arith.constant 3 : i32
      %swap3A_1526 = arith.index_cast %swap3A_1525 : i32 to index
      %swap3A_1527 = arith.constant 16 : index
      %swap3A_1528 = tpu.vector_load %arg13[%swap3A_1526, %swap3A_1527] {strides = array<i32>} : memref<4x128xf32, #tpu.memory_space<vmem>>, vector<1x16xf32>,
      %swap3A_1529 = vector.shape_cast %swap3A_1528 : vector<1x16xf32> to vector<16xf32>
      %swap3A_1530 = vector.shape_cast %add3A_1524 : vector<16xf32> to vector<1x16xf32>
      tpu.vector_store %arg13[%swap3A_1526, %swap3A_1527], %swap3A_1530 {strides = array<i32>} : memref<4x128xf32, #tpu.memory_space<vmem>>, vector<1x16xf32>,
      %mul3A_1531 = vector.broadcast %mul3A_1498 : f32 to vector<16xf32>
      %mul3A_1532 = arith.mulf %sub3A_1395, %mul3A_1531 : vector<16xf32>
      %get3A_1533 = arith.constant 32 : index
      %get3A_1534 = tpu.vector_load %arg11[%get3A_1533] {strides = array<i32>} : memref<128xf32, #tpu.memory_space<vmem>>, vector<16xf32>,
      %get3A_1535 = vector.shape_cast %get3A_1534 : vector<16xf32> to vector<16xf32>
      %mul3A_1536 = arith.mulf %mul3A_1532, %get3A_1535 : vector<16xf32>
      %get3A_1537 = arith.constant 32 : index
      %get3A_1538 = tpu.vector_load %arg12[%get3A_1537] {strides = array<i32>} : memref<128xf32, #tpu.memory_space<vmem>>, vector<16xf32>,
      %get3A_1539 = vector.shape_cast %get3A_1538 : vector<16xf32> to vector<16xf32>
      %add3A_1540 = arith.addf %mul3A_1536, %get3A_1539 : vector<16xf32>
      %swap3A_1541 = arith.constant 3 : i32
      %swap3A_1542 = arith.index_cast %swap3A_1541 : i32 to index
      %swap3A_1543 = arith.constant 32 : index
      %swap3A_1544 = tpu.vector_load %arg13[%swap3A_1542, %swap3A_1543] {strides = array<i32>} : memref<4x128xf32, #tpu.memory_space<vmem>>, vector<1x16xf32>,
      %swap3A_1545 = vector.shape_cast %swap3A_1544 : vector<1x16xf32> to vector<16xf32>
      %swap3A_1546 = vector.shape_cast %add3A_1540 : vector<16xf32> to vector<1x16xf32>
      tpu.vector_store %arg13[%swap3A_1542, %swap3A_1543], %swap3A_1546 {strides = array<i32>} : memref<4x128xf32, #tpu.memory_space<vmem>>, vector<1x16xf32>,
      %mul3A_1547 = vector.broadcast %mul3A_1498 : f32 to vector<16xf32>
      %mul3A_1548 = arith.mulf %sub3A_1397, %mul3A_1547 : vector<16xf32>
      %get3A_1549 = arith.constant 48 : index
      %get3A_1550 = tpu.vector_load %arg11[%get3A_1549] {strides = array<i32>} : memref<128xf32, #tpu.memory_space<vmem>>, vector<16xf32>,
      %get3A_1551 = vector.shape_cast %get3A_1550 : vector<16xf32> to vector<16xf32>
      %mul3A_1552 = arith.mulf %mul3A_1548, %get3A_1551 : vector<16xf32>
      %get3A_1553 = arith.constant 48 : index
      %get3A_1554 = tpu.vector_load %arg12[%get3A_1553] {strides = array<i32>} : memref<128xf32, #tpu.memory_space<vmem>>, vector<16xf32>,
      %get3A_1555 = vector.shape_cast %get3A_1554 : vector<16xf32> to vector<16xf32>
      %add3A_1556 = arith.addf %mul3A_1552, %get3A_1555 : vector<16xf32>
      %swap3A_1557 = arith.constant 3 : i32
      %swap3A_1558 = arith.index_cast %swap3A_1557 : i32 to index
      %swap3A_1559 = arith.constant 48 : index
      %swap3A_1560 = tpu.vector_load %arg13[%swap3A_1558, %swap3A_1559] {strides = array<i32>} : memref<4x128xf32, #tpu.memory_space<vmem>>, vector<1x16xf32>,
      %swap3A_1561 = vector.shape_cast %swap3A_1560 : vector<1x16xf32> to vector<16xf32>
      %swap3A_1562 = vector.shape_cast %add3A_1556 : vector<16xf32> to vector<1x16xf32>
      tpu.vector_store %arg13[%swap3A_1558, %swap3A_1559], %swap3A_1562 {strides = array<i32>} : memref<4x128xf32, #tpu.memory_space<vmem>>, vector<1x16xf32>,
      %mul3A_1563 = vector.broadcast %mul3A_1498 : f32 to vector<16xf32>
      %mul3A_1564 = arith.mulf %sub3A_1399, %mul3A_1563 : vector<16xf32>
      %get3A_1565 = arith.constant 64 : index
      %get3A_1566 = tpu.vector_load %arg11[%get3A_1565] {strides = array<i32>} : memref<128xf32, #tpu.memory_space<vmem>>, vector<16xf32>,
      %get3A_1567 = vector.shape_cast %get3A_1566 : vector<16xf32> to vector<16xf32>
      %mul3A_1568 = arith.mulf %mul3A_1564, %get3A_1567 : vector<16xf32>
      %get3A_1569 = arith.constant 64 : index
      %get3A_1570 = tpu.vector_load %arg12[%get3A_1569] {strides = array<i32>} : memref<128xf32, #tpu.memory_space<vmem>>, vector<16xf32>,
      %get3A_1571 = vector.shape_cast %get3A_1570 : vector<16xf32> to vector<16xf32>
      %add3A_1572 = arith.addf %mul3A_1568, %get3A_1571 : vector<16xf32>
      %swap3A_1573 = arith.constant 3 : i32
      %swap3A_1574 = arith.index_cast %swap3A_1573 : i32 to index
      %swap3A_1575 = arith.constant 64 : index
      %swap3A_1576 = tpu.vector_load %arg13[%swap3A_1574, %swap3A_1575] {strides = array<i32>} : memref<4x128xf32, #tpu.memory_space<vmem>>, vector<1x16xf32>,
      %swap3A_1577 = vector.shape_cast %swap3A_1576 : vector<1x16xf32> to vector<16xf32>
      %swap3A_1578 = vector.shape_cast %add3A_1572 : vector<16xf32> to vector<1x16xf32>
      tpu.vector_store %arg13[%swap3A_1574, %swap3A_1575], %swap3A_1578 {strides = array<i32>} : memref<4x128xf32, #tpu.memory_space<vmem>>, vector<1x16xf32>,
      %mul3A_1579 = vector.broadcast %mul3A_1498 : f32 to vector<16xf32>
      %mul3A_1580 = arith.mulf %sub3A_1401, %mul3A_1579 : vector<16xf32>
      %get3A_1581 = arith.constant 80 : index
      %get3A_1582 = tpu.vector_load %arg11[%get3A_1581] {strides = array<i32>} : memref<128xf32, #tpu.memory_space<vmem>>, vector<16xf32>,
      %get3A_1583 = vector.shape_cast %get3A_1582 : vector<16xf32> to vector<16xf32>
      %mul3A_1584 = arith.mulf %mul3A_1580, %get3A_1583 : vector<16xf32>
      %get3A_1585 = arith.constant 80 : index
      %get3A_1586 = tpu.vector_load %arg12[%get3A_1585] {strides = array<i32>} : memref<128xf32, #tpu.memory_space<vmem>>, vector<16xf32>,
      %get3A_1587 = vector.shape_cast %get3A_1586 : vector<16xf32> to vector<16xf32>
      %add3A_1588 = arith.addf %mul3A_1584, %get3A_1587 : vector<16xf32>
      %swap3A_1589 = arith.constant 3 : i32
      %swap3A_1590 = arith.index_cast %swap3A_1589 : i32 to index
      %swap3A_1591 = arith.constant 80 : index
      %swap3A_1592 = tpu.vector_load %arg13[%swap3A_1590, %swap3A_1591] {strides = array<i32>} : memref<4x128xf32, #tpu.memory_space<vmem>>, vector<1x16xf32>,
      %swap3A_1593 = vector.shape_cast %swap3A_1592 : vector<1x16xf32> to vector<16xf32>
      %swap3A_1594 = vector.shape_cast %add3A_1588 : vector<16xf32> to vector<1x16xf32>
      tpu.vector_store %arg13[%swap3A_1590, %swap3A_1591], %swap3A_1594 {strides = array<i32>} : memref<4x128xf32, #tpu.memory_space<vmem>>, vector<1x16xf32>,
      %mul3A_1595 = vector.broadcast %mul3A_1498 : f32 to vector<16xf32>
      %mul3A_1596 = arith.mulf %sub3A_1403, %mul3A_1595 : vector<16xf32>
      %get3A_1597 = arith.constant 96 : index
      %get3A_1598 = tpu.vector_load %arg11[%get3A_1597] {strides = array<i32>} : memref<128xf32, #tpu.memory_space<vmem>>, vector<16xf32>,
      %get3A_1599 = vector.shape_cast %get3A_1598 : vector<16xf32> to vector<16xf32>
      %mul3A_1600 = arith.mulf %mul3A_1596, %get3A_1599 : vector<16xf32>
      %get3A_1601 = arith.constant 96 : index
      %get3A_1602 = tpu.vector_load %arg12[%get3A_1601] {strides = array<i32>} : memref<128xf32, #tpu.memory_space<vmem>>, vector<16xf32>,
      %get3A_1603 = vector.shape_cast %get3A_1602 : vector<16xf32> to vector<16xf32>
      %add3A_1604 = arith.addf %mul3A_1600, %get3A_1603 : vector<16xf32>
      %swap3A_1605 = arith.constant 3 : i32
      %swap3A_1606 = arith.index_cast %swap3A_1605 : i32 to index
      %swap3A_1607 = arith.constant 96 : index
      %swap3A_1608 = tpu.vector_load %arg13[%swap3A_1606, %swap3A_1607] {strides = array<i32>} : memref<4x128xf32, #tpu.memory_space<vmem>>, vector<1x16xf32>,
      %swap3A_1609 = vector.shape_cast %swap3A_1608 : vector<1x16xf32> to vector<16xf32>
      %swap3A_1610 = vector.shape_cast %add3A_1604 : vector<16xf32> to vector<1x16xf32>
      tpu.vector_store %arg13[%swap3A_1606, %swap3A_1607], %swap3A_1610 {strides = array<i32>} : memref<4x128xf32, #tpu.memory_space<vmem>>, vector<1x16xf32>,
      %mul3A_1611 = vector.broadcast %mul3A_1498 : f32 to vector<16xf32>
      %mul3A_1612 = arith.mulf %sub3A_1405, %mul3A_1611 : vector<16xf32>
      %get3A_1613 = arith.constant 112 : index
      %get3A_1614 = tpu.vector_load %arg11[%get3A_1613] {strides = array<i32>} : memref<128xf32, #tpu.memory_space<vmem>>, vector<16xf32>,
      %get3A_1615 = vector.shape_cast %get3A_1614 : vector<16xf32> to vector<16xf32>
      %mul3A_1616 = arith.mulf %mul3A_1612, %get3A_1615 : vector<16xf32>
      %get3A_1617 = arith.constant 112 : index
      %get3A_1618 = tpu.vector_load %arg12[%get3A_1617] {strides = array<i32>} : memref<128xf32, #tpu.memory_space<vmem>>, vector<16xf32>,
      %get3A_1619 = vector.shape_cast %get3A_1618 : vector<16xf32> to vector<16xf32>
      %add3A_1620 = arith.addf %mul3A_1616, %get3A_1619 : vector<16xf32>
      %swap3A_1621 = arith.constant 3 : i32
      %swap3A_1622 = arith.index_cast %swap3A_1621 : i32 to index
      %swap3A_1623 = arith.constant 112 : index
      %swap3A_1624 = tpu.vector_load %arg13[%swap3A_1622, %swap3A_1623] {strides = array<i32>} : memref<4x128xf32, #tpu.memory_space<vmem>>, vector<1x16xf32>,
      %swap3A_1625 = vector.shape_cast %swap3A_1624 : vector<1x16xf32> to vector<16xf32>
      %swap3A_1626 = vector.shape_cast %add3A_1620 : vector<16xf32> to vector<1x16xf32>
      tpu.vector_store %arg13[%swap3A_1622, %swap3A_1623], %swap3A_1626 {strides = array<i32>} : memref<4x128xf32, #tpu.memory_space<vmem>>, vector<1x16xf32>,
      %mul3A_1627 = arith.constant 4 : i32
      %mul3A_1628 = arith.muli %arg1, %mul3A_1627 : i32
      "tpu.region"() ({
        %run_scoped3A = tpu.sem_alloc : memref<!tpu.dma_semaphore, #tpu.memory_space<semaphore_mem>>
        %dma_start3A_1629 = arith.constant 0 : i32
        %dma_start3A_1630 = tpu.memref_slice %arg8[%mul3A_1628, %dma_start3A_1629] : memref<64x128xf32, #tpu.memory_space<vmem_shared>> -> memref<4x128xf32, #tpu.memory_space<vmem_shared>>
        %dma_start3A_1631 = arith.constant 0 : i32
        %dma_start3A_1632 = tpu.memref_slice %arg8[%mul3A_1628, %dma_start3A_1631] : memref<64x128xf32, #tpu.memory_space<vmem_shared>> -> memref<4x128xf32, #tpu.memory_space<vmem_shared>>
        tpu.enqueue_dma source(%arg13 : memref<4x128xf32, #tpu.memory_space<vmem>>) target(%dma_start3A_1632 : memref<4x128xf32, #tpu.memory_space<vmem_shared>>) target_semaphore(%run_scoped3A : memref<!tpu.dma_semaphore, #tpu.memory_space<semaphore_mem>>)
        %dma_wait3A_1633 = arith.constant 0 : i32
        %dma_wait3A_1634 = tpu.memref_slice %arg8[%mul3A_1628, %dma_wait3A_1633] : memref<64x128xf32, #tpu.memory_space<vmem_shared>> -> memref<4x128xf32, #tpu.memory_space<vmem_shared>>
        %dma_wait3A_1635 = arith.constant 0 : i32
        %dma_wait3A_1636 = tpu.memref_slice %arg8[%mul3A_1628, %dma_wait3A_1635] : memref<64x128xf32, #tpu.memory_space<vmem_shared>> -> memref<4x128xf32, #tpu.memory_space<vmem_shared>>
        tpu.wait_dma2 semaphore(%run_scoped3A : memref<!tpu.dma_semaphore, #tpu.memory_space<semaphore_mem>>) src(%arg13 : memref<4x128xf32, #tpu.memory_space<vmem>>) dst(%dma_wait3A_1636 : memref<4x128xf32, #tpu.memory_space<vmem_shared>>)
        tpu.yield
      }) : () -> ()
    } else {
    }
    %dma_wait3A = arith.constant 0 : i32
    %dma_wait3A_8 = tpu.memref_slice %arg6[%mul3A_2, %dma_wait3A] : memref<2560x128xi32, #tpu.memory_space<hbm>> -> memref<80x128xi32, #tpu.memory_space<hbm>>
    %dma_wait3A_9 = arith.constant 0 : i32
    %dma_wait3A_10 = tpu.memref_slice %arg6[%mul3A_2, %dma_wait3A_9] : memref<2560x128xi32, #tpu.memory_space<hbm>> -> memref<80x128xi32, #tpu.memory_space<hbm>>
    tpu.wait_dma2 semaphore(%arg17 : memref<!tpu.dma_semaphore, #tpu.memory_space<semaphore_mem>>) src(%dma_wait3A_10 : memref<80x128xi32, #tpu.memory_space<hbm>>) dst(%arg14 : memref<80x128xi32, #tpu.memory_space<vmem>>)
    %barrier3A = arith.constant 0 : index
    tpu.barrier barrier_id(%barrier3A)
    %dma_start3A_11 = arith.constant 0 : i32
    %dma_start3A_12 = arith.constant 0 : i32
    %dma_start3A_13 = arith.constant 0 : i32
    %dma_start3A_14 = arith.constant 0 : i32
    %dma_start3A_15 = tpu.memref_slice %arg15[%dma_start3A_12, %dma_start3A_13, %dma_start3A_14] : memref<5x128x128xf32, #tpu.memory_space<vmem>> -> memref<1x128x128xf32, #tpu.memory_space<vmem>>
    %dma_start3A_16 = tpu.memref_squeeze %dma_start3A_15 : memref<1x128x128xf32, #tpu.memory_space<vmem>> -> memref<128x128xf32, #tpu.memory_space<vmem>>
    %dma_start3A_17 = arith.constant 0 : i32
    %dma_start3A_18 = tpu.memref_slice %arg14[%dma_start3A_11, %dma_start3A_17] : memref<80x128xi32, #tpu.memory_space<vmem>> -> memref<1x128xi32, #tpu.memory_space<vmem>>
    %dma_start3A_19 = tpu.memref_squeeze %dma_start3A_18 : memref<1x128xi32, #tpu.memory_space<vmem>> -> memref<128xi32, #tpu.memory_space<vmem>>
    %dma_start3A_20 = arith.constant 0 : i32
    %dma_start3A_21 = arith.constant 0 : i32
    %dma_start3A_22 = tpu.memref_slice %arg8[%dma_start3A_20, %dma_start3A_21] : memref<64x128xf32, #tpu.memory_space<vmem_shared>> -> memref<64x128xf32, #tpu.memory_space<vmem_shared>>
    tpu.enqueue_indirect_dma source(%dma_start3A_22 : memref<64x128xf32, #tpu.memory_space<vmem_shared>>) target(%dma_start3A_16 : memref<128x128xf32, #tpu.memory_space<vmem>>) offsets(%dma_start3A_19 : memref<128xi32, #tpu.memory_space<vmem>>) semaphore(%arg16 : memref<!tpu.dma_semaphore, #tpu.memory_space<semaphore_mem>>)
    %dma_start3A_23 = arith.constant 1 : i32
    %dma_start3A_24 = arith.constant 1 : i32
    %dma_start3A_25 = arith.constant 0 : i32
    %dma_start3A_26 = arith.constant 0 : i32
    %dma_start3A_27 = tpu.memref_slice %arg15[%dma_start3A_24, %dma_start3A_25, %dma_start3A_26] : memref<5x128x128xf32, #tpu.memory_space<vmem>> -> memref<1x128x128xf32, #tpu.memory_space<vmem>>
    %dma_start3A_28 = tpu.memref_squeeze %dma_start3A_27 : memref<1x128x128xf32, #tpu.memory_space<vmem>> -> memref<128x128xf32, #tpu.memory_space<vmem>>
    %dma_start3A_29 = arith.constant 0 : i32
    %dma_start3A_30 = tpu.memref_slice %arg14[%dma_start3A_23, %dma_start3A_29] : memref<80x128xi32, #tpu.memory_space<vmem>> -> memref<1x128xi32, #tpu.memory_space<vmem>>
    %dma_start3A_31 = tpu.memref_squeeze %dma_start3A_30 : memref<1x128xi32, #tpu.memory_space<vmem>> -> memref<128xi32, #tpu.memory_space<vmem>>
    %dma_start3A_32 = arith.constant 0 : i32
    %dma_start3A_33 = arith.constant 0 : i32
    %dma_start3A_34 = tpu.memref_slice %arg8[%dma_start3A_32, %dma_start3A_33] : memref<64x128xf32, #tpu.memory_space<vmem_shared>> -> memref<64x128xf32, #tpu.memory_space<vmem_shared>>
    tpu.enqueue_indirect_dma source(%dma_start3A_34 : memref<64x128xf32, #tpu.memory_space<vmem_shared>>) target(%dma_start3A_28 : memref<128x128xf32, #tpu.memory_space<vmem>>) offsets(%dma_start3A_31 : memref<128xi32, #tpu.memory_space<vmem>>) semaphore(%arg16 : memref<!tpu.dma_semaphore, #tpu.memory_space<semaphore_mem>>)
    %dma_start3A_35 = arith.constant 2 : i32
    %dma_start3A_36 = arith.constant 2 : i32
    %dma_start3A_37 = arith.constant 0 : i32
    %dma_start3A_38 = arith.constant 0 : i32
    %dma_start3A_39 = tpu.memref_slice %arg15[%dma_start3A_36, %dma_start3A_37, %dma_start3A_38] : memref<5x128x128xf32, #tpu.memory_space<vmem>> -> memref<1x128x128xf32, #tpu.memory_space<vmem>>
    %dma_start3A_40 = tpu.memref_squeeze %dma_start3A_39 : memref<1x128x128xf32, #tpu.memory_space<vmem>> -> memref<128x128xf32, #tpu.memory_space<vmem>>
    %dma_start3A_41 = arith.constant 0 : i32
    %dma_start3A_42 = tpu.memref_slice %arg14[%dma_start3A_35, %dma_start3A_41] : memref<80x128xi32, #tpu.memory_space<vmem>> -> memref<1x128xi32, #tpu.memory_space<vmem>>
    %dma_start3A_43 = tpu.memref_squeeze %dma_start3A_42 : memref<1x128xi32, #tpu.memory_space<vmem>> -> memref<128xi32, #tpu.memory_space<vmem>>
    %dma_start3A_44 = arith.constant 0 : i32
    %dma_start3A_45 = arith.constant 0 : i32
    %dma_start3A_46 = tpu.memref_slice %arg8[%dma_start3A_44, %dma_start3A_45] : memref<64x128xf32, #tpu.memory_space<vmem_shared>> -> memref<64x128xf32, #tpu.memory_space<vmem_shared>>
    tpu.enqueue_indirect_dma source(%dma_start3A_46 : memref<64x128xf32, #tpu.memory_space<vmem_shared>>) target(%dma_start3A_40 : memref<128x128xf32, #tpu.memory_space<vmem>>) offsets(%dma_start3A_43 : memref<128xi32, #tpu.memory_space<vmem>>) semaphore(%arg16 : memref<!tpu.dma_semaphore, #tpu.memory_space<semaphore_mem>>)
    %dma_start3A_47 = arith.constant 3 : i32
    %dma_start3A_48 = arith.constant 3 : i32
    %dma_start3A_49 = arith.constant 0 : i32
    %dma_start3A_50 = arith.constant 0 : i32
    %dma_start3A_51 = tpu.memref_slice %arg15[%dma_start3A_48, %dma_start3A_49, %dma_start3A_50] : memref<5x128x128xf32, #tpu.memory_space<vmem>> -> memref<1x128x128xf32, #tpu.memory_space<vmem>>
    %dma_start3A_52 = tpu.memref_squeeze %dma_start3A_51 : memref<1x128x128xf32, #tpu.memory_space<vmem>> -> memref<128x128xf32, #tpu.memory_space<vmem>>
    %dma_start3A_53 = arith.constant 0 : i32
    %dma_start3A_54 = tpu.memref_slice %arg14[%dma_start3A_47, %dma_start3A_53] : memref<80x128xi32, #tpu.memory_space<vmem>> -> memref<1x128xi32, #tpu.memory_space<vmem>>
    %dma_start3A_55 = tpu.memref_squeeze %dma_start3A_54 : memref<1x128xi32, #tpu.memory_space<vmem>> -> memref<128xi32, #tpu.memory_space<vmem>>
    %dma_start3A_56 = arith.constant 0 : i32
    %dma_start3A_57 = arith.constant 0 : i32
    %dma_start3A_58 = tpu.memref_slice %arg8[%dma_start3A_56, %dma_start3A_57] : memref<64x128xf32, #tpu.memory_space<vmem_shared>> -> memref<64x128xf32, #tpu.memory_space<vmem_shared>>
    tpu.enqueue_indirect_dma source(%dma_start3A_58 : memref<64x128xf32, #tpu.memory_space<vmem_shared>>) target(%dma_start3A_52 : memref<128x128xf32, #tpu.memory_space<vmem>>) offsets(%dma_start3A_55 : memref<128xi32, #tpu.memory_space<vmem>>) semaphore(%arg16 : memref<!tpu.dma_semaphore, #tpu.memory_space<semaphore_mem>>)
    %dma_start3A_59 = arith.constant 4 : i32
    %dma_start3A_60 = arith.constant 4 : i32
    %dma_start3A_61 = arith.constant 0 : i32
    %dma_start3A_62 = arith.constant 0 : i32
    %dma_start3A_63 = tpu.memref_slice %arg15[%dma_start3A_60, %dma_start3A_61, %dma_start3A_62] : memref<5x128x128xf32, #tpu.memory_space<vmem>> -> memref<1x128x128xf32, #tpu.memory_space<vmem>>
    %dma_start3A_64 = tpu.memref_squeeze %dma_start3A_63 : memref<1x128x128xf32, #tpu.memory_space<vmem>> -> memref<128x128xf32, #tpu.memory_space<vmem>>
    %dma_start3A_65 = arith.constant 0 : i32
    %dma_start3A_66 = tpu.memref_slice %arg14[%dma_start3A_59, %dma_start3A_65] : memref<80x128xi32, #tpu.memory_space<vmem>> -> memref<1x128xi32, #tpu.memory_space<vmem>>
    %dma_start3A_67 = tpu.memref_squeeze %dma_start3A_66 : memref<1x128xi32, #tpu.memory_space<vmem>> -> memref<128xi32, #tpu.memory_space<vmem>>
    %dma_start3A_68 = arith.constant 0 : i32
    %dma_start3A_69 = arith.constant 0 : i32
    %dma_start3A_70 = tpu.memref_slice %arg8[%dma_start3A_68, %dma_start3A_69] : memref<64x128xf32, #tpu.memory_space<vmem_shared>> -> memref<64x128xf32, #tpu.memory_space<vmem_shared>>
    tpu.enqueue_indirect_dma source(%dma_start3A_70 : memref<64x128xf32, #tpu.memory_space<vmem_shared>>) target(%dma_start3A_64 : memref<128x128xf32, #tpu.memory_space<vmem>>) offsets(%dma_start3A_67 : memref<128xi32, #tpu.memory_space<vmem>>) semaphore(%arg16 : memref<!tpu.dma_semaphore, #tpu.memory_space<semaphore_mem>>)
    %scan3A = arith.constant 0 : i32
    %scan3A_71 = arith.constant 0 : i32
    %scan3A_72 = arith.constant 16 : i32
    %scan3A_73 = arith.addi %scan3A_71, %scan3A_72 : i32
    %scan3A_74 = arith.constant 1 : i32
    %scan3A_75 = scf.for %scan3A_162 = %scan3A_71 to %scan3A_73 step %scan3A_74 iter_args(%scan3A_163 = %scan3A) -> (i32)  : i32 {
      %mul3A_164 = arith.constant 5 : i32
      %mul3A_165 = arith.muli %scan3A_162, %mul3A_164 : i32
      %add3A_166 = arith.constant 0 : i32
      %add3A_167 = arith.addi %mul3A_165, %add3A_166 : i32
      %mul3A_168 = arith.constant 1 : i32
      %mul3A_169 = arith.muli %add3A_167, %mul3A_168 : i32
      %add3A_170 = arith.constant 0 : i32
      %add3A_171 = arith.addi %mul3A_169, %add3A_170 : i32
      %dma_wait3A_172 = arith.constant 0 : i32
      %dma_wait3A_173 = arith.constant 0 : i32
      %dma_wait3A_174 = arith.constant 0 : i32
      %dma_wait3A_175 = tpu.memref_slice %arg15[%dma_wait3A_172, %dma_wait3A_173, %dma_wait3A_174] : memref<5x128x128xf32, #tpu.memory_space<vmem>> -> memref<1x128x128xf32, #tpu.memory_space<vmem>>
      %dma_wait3A_176 = tpu.memref_squeeze %dma_wait3A_175 : memref<1x128x128xf32, #tpu.memory_space<vmem>> -> memref<128x128xf32, #tpu.memory_space<vmem>>
      %dma_wait3A_177 = arith.constant 0 : i32
      %dma_wait3A_178 = tpu.memref_slice %arg14[%add3A_171, %dma_wait3A_177] : memref<80x128xi32, #tpu.memory_space<vmem>> -> memref<1x128xi32, #tpu.memory_space<vmem>>
      %dma_wait3A_179 = tpu.memref_squeeze %dma_wait3A_178 : memref<1x128xi32, #tpu.memory_space<vmem>> -> memref<128xi32, #tpu.memory_space<vmem>>
      %dma_wait3A_180 = arith.constant 0 : i32
      %dma_wait3A_181 = arith.constant 0 : i32
      %dma_wait3A_182 = tpu.memref_slice %arg8[%dma_wait3A_180, %dma_wait3A_181] : memref<64x128xf32, #tpu.memory_space<vmem_shared>> -> memref<64x128xf32, #tpu.memory_space<vmem_shared>>
      tpu.wait_indirect_dma semaphore(%arg16 : memref<!tpu.dma_semaphore, #tpu.memory_space<semaphore_mem>>) src(%dma_wait3A_182 : memref<64x128xf32, #tpu.memory_space<vmem_shared>>) dst(%dma_wait3A_176 : memref<128x128xf32, #tpu.memory_space<vmem>>)
      %mul3A_183 = arith.constant 1 : i32
      %mul3A_184 = arith.muli %add3A_167, %mul3A_183 : i32
      %add3A_185 = arith.addi %mul3A_2, %mul3A_184 : i32
      %mul3A_186 = arith.constant 128 : i32
      %mul3A_187 = arith.muli %add3A_185, %mul3A_186 : i32
      %dma_start3A_188 = arith.constant 0 : i32
      %dma_start3A_189 = arith.constant 0 : i32
      %dma_start3A_190 = arith.constant 0 : i32
      %dma_start3A_191 = tpu.memref_slice %arg15[%dma_start3A_188, %dma_start3A_189, %dma_start3A_190] : memref<5x128x128xf32, #tpu.memory_space<vmem>> -> memref<1x128x128xf32, #tpu.memory_space<vmem>>
      %dma_start3A_192 = tpu.memref_squeeze %dma_start3A_191 : memref<1x128x128xf32, #tpu.memory_space<vmem>> -> memref<128x128xf32, #tpu.memory_space<vmem>>
      %dma_start3A_193 = arith.constant 0 : i32
      %dma_start3A_194 = tpu.memref_slice %arg7[%mul3A_187, %dma_start3A_193] : memref<327680x128xf32, #tpu.memory_space<hbm>> -> memref<128x128xf32, #tpu.memory_space<hbm>>
      %dma_start3A_195 = arith.constant 0 : i32
      %dma_start3A_196 = tpu.memref_slice %arg7[%mul3A_187, %dma_start3A_195] : memref<327680x128xf32, #tpu.memory_space<hbm>> -> memref<128x128xf32, #tpu.memory_space<hbm>>
      %dma_start3A_197 = arith.constant 0 : i32
      %dma_start3A_198 = arith.constant 0 : i32
      %dma_start3A_199 = tpu.memref_slice %arg15[%dma_start3A_188, %dma_start3A_197, %dma_start3A_198] : memref<5x128x128xf32, #tpu.memory_space<vmem>> -> memref<1x128x128xf32, #tpu.memory_space<vmem>>
      %dma_start3A_200 = tpu.memref_squeeze %dma_start3A_199 : memref<1x128x128xf32, #tpu.memory_space<vmem>> -> memref<128x128xf32, #tpu.memory_space<vmem>>
      tpu.enqueue_dma source(%dma_start3A_200 : memref<128x128xf32, #tpu.memory_space<vmem>>) target(%dma_start3A_196 : memref<128x128xf32, #tpu.memory_space<hbm>>) target_semaphore(%arg17 : memref<!tpu.dma_semaphore, #tpu.memory_space<semaphore_mem>>)
      %mul3A_201 = arith.constant 5 : i32
      %mul3A_202 = arith.muli %scan3A_162, %mul3A_201 : i32
      %add3A_203 = arith.constant 1 : i32
      %add3A_204 = arith.addi %mul3A_202, %add3A_203 : i32
      %mul3A_205 = arith.constant 1 : i32
      %mul3A_206 = arith.muli %add3A_204, %mul3A_205 : i32
      %add3A_207 = arith.constant 0 : i32
      %add3A_208 = arith.addi %mul3A_206, %add3A_207 : i32
      %dma_wait3A_209 = arith.constant 1 : i32
      %dma_wait3A_210 = arith.constant 0 : i32
      %dma_wait3A_211 = arith.constant 0 : i32
      %dma_wait3A_212 = tpu.memref_slice %arg15[%dma_wait3A_209, %dma_wait3A_210, %dma_wait3A_211] : memref<5x128x128xf32, #tpu.memory_space<vmem>> -> memref<1x128x128xf32, #tpu.memory_space<vmem>>
      %dma_wait3A_213 = tpu.memref_squeeze %dma_wait3A_212 : memref<1x128x128xf32, #tpu.memory_space<vmem>> -> memref<128x128xf32, #tpu.memory_space<vmem>>
      %dma_wait3A_214 = arith.constant 0 : i32
      %dma_wait3A_215 = tpu.memref_slice %arg14[%add3A_208, %dma_wait3A_214] : memref<80x128xi32, #tpu.memory_space<vmem>> -> memref<1x128xi32, #tpu.memory_space<vmem>>
      %dma_wait3A_216 = tpu.memref_squeeze %dma_wait3A_215 : memref<1x128xi32, #tpu.memory_space<vmem>> -> memref<128xi32, #tpu.memory_space<vmem>>
      %dma_wait3A_217 = arith.constant 0 : i32
      %dma_wait3A_218 = arith.constant 0 : i32
      %dma_wait3A_219 = tpu.memref_slice %arg8[%dma_wait3A_217, %dma_wait3A_218] : memref<64x128xf32, #tpu.memory_space<vmem_shared>> -> memref<64x128xf32, #tpu.memory_space<vmem_shared>>
      tpu.wait_indirect_dma semaphore(%arg16 : memref<!tpu.dma_semaphore, #tpu.memory_space<semaphore_mem>>) src(%dma_wait3A_219 : memref<64x128xf32, #tpu.memory_space<vmem_shared>>) dst(%dma_wait3A_213 : memref<128x128xf32, #tpu.memory_space<vmem>>)
      %mul3A_220 = arith.constant 1 : i32
      %mul3A_221 = arith.muli %add3A_204, %mul3A_220 : i32
      %add3A_222 = arith.addi %mul3A_2, %mul3A_221 : i32
      %mul3A_223 = arith.constant 128 : i32
      %mul3A_224 = arith.muli %add3A_222, %mul3A_223 : i32
      %dma_start3A_225 = arith.constant 1 : i32
      %dma_start3A_226 = arith.constant 0 : i32
      %dma_start3A_227 = arith.constant 0 : i32
      %dma_start3A_228 = tpu.memref_slice %arg15[%dma_start3A_225, %dma_start3A_226, %dma_start3A_227] : memref<5x128x128xf32, #tpu.memory_space<vmem>> -> memref<1x128x128xf32, #tpu.memory_space<vmem>>
      %dma_start3A_229 = tpu.memref_squeeze %dma_start3A_228 : memref<1x128x128xf32, #tpu.memory_space<vmem>> -> memref<128x128xf32, #tpu.memory_space<vmem>>
      %dma_start3A_230 = arith.constant 0 : i32
      %dma_start3A_231 = tpu.memref_slice %arg7[%mul3A_224, %dma_start3A_230] : memref<327680x128xf32, #tpu.memory_space<hbm>> -> memref<128x128xf32, #tpu.memory_space<hbm>>
      %dma_start3A_232 = arith.constant 0 : i32
      %dma_start3A_233 = tpu.memref_slice %arg7[%mul3A_224, %dma_start3A_232] : memref<327680x128xf32, #tpu.memory_space<hbm>> -> memref<128x128xf32, #tpu.memory_space<hbm>>
      %dma_start3A_234 = arith.constant 0 : i32
      %dma_start3A_235 = arith.constant 0 : i32
      %dma_start3A_236 = tpu.memref_slice %arg15[%dma_start3A_225, %dma_start3A_234, %dma_start3A_235] : memref<5x128x128xf32, #tpu.memory_space<vmem>> -> memref<1x128x128xf32, #tpu.memory_space<vmem>>
      %dma_start3A_237 = tpu.memref_squeeze %dma_start3A_236 : memref<1x128x128xf32, #tpu.memory_space<vmem>> -> memref<128x128xf32, #tpu.memory_space<vmem>>
      tpu.enqueue_dma source(%dma_start3A_237 : memref<128x128xf32, #tpu.memory_space<vmem>>) target(%dma_start3A_233 : memref<128x128xf32, #tpu.memory_space<hbm>>) target_semaphore(%arg17 : memref<!tpu.dma_semaphore, #tpu.memory_space<semaphore_mem>>)
      %mul3A_238 = arith.constant 5 : i32
      %mul3A_239 = arith.muli %scan3A_162, %mul3A_238 : i32
      %add3A_240 = arith.constant 2 : i32
      %add3A_241 = arith.addi %mul3A_239, %add3A_240 : i32
      %mul3A_242 = arith.constant 1 : i32
      %mul3A_243 = arith.muli %add3A_241, %mul3A_242 : i32
      %add3A_244 = arith.constant 0 : i32
      %add3A_245 = arith.addi %mul3A_243, %add3A_244 : i32
      %dma_wait3A_246 = arith.constant 2 : i32
      %dma_wait3A_247 = arith.constant 0 : i32
      %dma_wait3A_248 = arith.constant 0 : i32
      %dma_wait3A_249 = tpu.memref_slice %arg15[%dma_wait3A_246, %dma_wait3A_247, %dma_wait3A_248] : memref<5x128x128xf32, #tpu.memory_space<vmem>> -> memref<1x128x128xf32, #tpu.memory_space<vmem>>
      %dma_wait3A_250 = tpu.memref_squeeze %dma_wait3A_249 : memref<1x128x128xf32, #tpu.memory_space<vmem>> -> memref<128x128xf32, #tpu.memory_space<vmem>>
      %dma_wait3A_251 = arith.constant 0 : i32
      %dma_wait3A_252 = tpu.memref_slice %arg14[%add3A_245, %dma_wait3A_251] : memref<80x128xi32, #tpu.memory_space<vmem>> -> memref<1x128xi32, #tpu.memory_space<vmem>>
      %dma_wait3A_253 = tpu.memref_squeeze %dma_wait3A_252 : memref<1x128xi32, #tpu.memory_space<vmem>> -> memref<128xi32, #tpu.memory_space<vmem>>
      %dma_wait3A_254 = arith.constant 0 : i32
      %dma_wait3A_255 = arith.constant 0 : i32
      %dma_wait3A_256 = tpu.memref_slice %arg8[%dma_wait3A_254, %dma_wait3A_255] : memref<64x128xf32, #tpu.memory_space<vmem_shared>> -> memref<64x128xf32, #tpu.memory_space<vmem_shared>>
      tpu.wait_indirect_dma semaphore(%arg16 : memref<!tpu.dma_semaphore, #tpu.memory_space<semaphore_mem>>) src(%dma_wait3A_256 : memref<64x128xf32, #tpu.memory_space<vmem_shared>>) dst(%dma_wait3A_250 : memref<128x128xf32, #tpu.memory_space<vmem>>)
      %mul3A_257 = arith.constant 1 : i32
      %mul3A_258 = arith.muli %add3A_241, %mul3A_257 : i32
      %add3A_259 = arith.addi %mul3A_2, %mul3A_258 : i32
      %mul3A_260 = arith.constant 128 : i32
      %mul3A_261 = arith.muli %add3A_259, %mul3A_260 : i32
      %dma_start3A_262 = arith.constant 2 : i32
      %dma_start3A_263 = arith.constant 0 : i32
      %dma_start3A_264 = arith.constant 0 : i32
      %dma_start3A_265 = tpu.memref_slice %arg15[%dma_start3A_262, %dma_start3A_263, %dma_start3A_264] : memref<5x128x128xf32, #tpu.memory_space<vmem>> -> memref<1x128x128xf32, #tpu.memory_space<vmem>>
      %dma_start3A_266 = tpu.memref_squeeze %dma_start3A_265 : memref<1x128x128xf32, #tpu.memory_space<vmem>> -> memref<128x128xf32, #tpu.memory_space<vmem>>
      %dma_start3A_267 = arith.constant 0 : i32
      %dma_start3A_268 = tpu.memref_slice %arg7[%mul3A_261, %dma_start3A_267] : memref<327680x128xf32, #tpu.memory_space<hbm>> -> memref<128x128xf32, #tpu.memory_space<hbm>>
      %dma_start3A_269 = arith.constant 0 : i32
      %dma_start3A_270 = tpu.memref_slice %arg7[%mul3A_261, %dma_start3A_269] : memref<327680x128xf32, #tpu.memory_space<hbm>> -> memref<128x128xf32, #tpu.memory_space<hbm>>
      %dma_start3A_271 = arith.constant 0 : i32
      %dma_start3A_272 = arith.constant 0 : i32
      %dma_start3A_273 = tpu.memref_slice %arg15[%dma_start3A_262, %dma_start3A_271, %dma_start3A_272] : memref<5x128x128xf32, #tpu.memory_space<vmem>> -> memref<1x128x128xf32, #tpu.memory_space<vmem>>
      %dma_start3A_274 = tpu.memref_squeeze %dma_start3A_273 : memref<1x128x128xf32, #tpu.memory_space<vmem>> -> memref<128x128xf32, #tpu.memory_space<vmem>>
      tpu.enqueue_dma source(%dma_start3A_274 : memref<128x128xf32, #tpu.memory_space<vmem>>) target(%dma_start3A_270 : memref<128x128xf32, #tpu.memory_space<hbm>>) target_semaphore(%arg17 : memref<!tpu.dma_semaphore, #tpu.memory_space<semaphore_mem>>)
      %mul3A_275 = arith.constant 5 : i32
      %mul3A_276 = arith.muli %scan3A_162, %mul3A_275 : i32
      %add3A_277 = arith.constant 3 : i32
      %add3A_278 = arith.addi %mul3A_276, %add3A_277 : i32
      %mul3A_279 = arith.constant 1 : i32
      %mul3A_280 = arith.muli %add3A_278, %mul3A_279 : i32
      %add3A_281 = arith.constant 0 : i32
      %add3A_282 = arith.addi %mul3A_280, %add3A_281 : i32
      %dma_wait3A_283 = arith.constant 3 : i32
      %dma_wait3A_284 = arith.constant 0 : i32
      %dma_wait3A_285 = arith.constant 0 : i32
      %dma_wait3A_286 = tpu.memref_slice %arg15[%dma_wait3A_283, %dma_wait3A_284, %dma_wait3A_285] : memref<5x128x128xf32, #tpu.memory_space<vmem>> -> memref<1x128x128xf32, #tpu.memory_space<vmem>>
      %dma_wait3A_287 = tpu.memref_squeeze %dma_wait3A_286 : memref<1x128x128xf32, #tpu.memory_space<vmem>> -> memref<128x128xf32, #tpu.memory_space<vmem>>
      %dma_wait3A_288 = arith.constant 0 : i32
      %dma_wait3A_289 = tpu.memref_slice %arg14[%add3A_282, %dma_wait3A_288] : memref<80x128xi32, #tpu.memory_space<vmem>> -> memref<1x128xi32, #tpu.memory_space<vmem>>
      %dma_wait3A_290 = tpu.memref_squeeze %dma_wait3A_289 : memref<1x128xi32, #tpu.memory_space<vmem>> -> memref<128xi32, #tpu.memory_space<vmem>>
      %dma_wait3A_291 = arith.constant 0 : i32
      %dma_wait3A_292 = arith.constant 0 : i32
      %dma_wait3A_293 = tpu.memref_slice %arg8[%dma_wait3A_291, %dma_wait3A_292] : memref<64x128xf32, #tpu.memory_space<vmem_shared>> -> memref<64x128xf32, #tpu.memory_space<vmem_shared>>
      tpu.wait_indirect_dma semaphore(%arg16 : memref<!tpu.dma_semaphore, #tpu.memory_space<semaphore_mem>>) src(%dma_wait3A_293 : memref<64x128xf32, #tpu.memory_space<vmem_shared>>) dst(%dma_wait3A_287 : memref<128x128xf32, #tpu.memory_space<vmem>>)
      %mul3A_294 = arith.constant 1 : i32
      %mul3A_295 = arith.muli %add3A_278, %mul3A_294 : i32
      %add3A_296 = arith.addi %mul3A_2, %mul3A_295 : i32
      %mul3A_297 = arith.constant 128 : i32
      %mul3A_298 = arith.muli %add3A_296, %mul3A_297 : i32
      %dma_start3A_299 = arith.constant 3 : i32
      %dma_start3A_300 = arith.constant 0 : i32
      %dma_start3A_301 = arith.constant 0 : i32
      %dma_start3A_302 = tpu.memref_slice %arg15[%dma_start3A_299, %dma_start3A_300, %dma_start3A_301] : memref<5x128x128xf32, #tpu.memory_space<vmem>> -> memref<1x128x128xf32, #tpu.memory_space<vmem>>
      %dma_start3A_303 = tpu.memref_squeeze %dma_start3A_302 : memref<1x128x128xf32, #tpu.memory_space<vmem>> -> memref<128x128xf32, #tpu.memory_space<vmem>>
      %dma_start3A_304 = arith.constant 0 : i32
      %dma_start3A_305 = tpu.memref_slice %arg7[%mul3A_298, %dma_start3A_304] : memref<327680x128xf32, #tpu.memory_space<hbm>> -> memref<128x128xf32, #tpu.memory_space<hbm>>
      %dma_start3A_306 = arith.constant 0 : i32
      %dma_start3A_307 = tpu.memref_slice %arg7[%mul3A_298, %dma_start3A_306] : memref<327680x128xf32, #tpu.memory_space<hbm>> -> memref<128x128xf32, #tpu.memory_space<hbm>>
      %dma_start3A_308 = arith.constant 0 : i32
      %dma_start3A_309 = arith.constant 0 : i32
      %dma_start3A_310 = tpu.memref_slice %arg15[%dma_start3A_299, %dma_start3A_308, %dma_start3A_309] : memref<5x128x128xf32, #tpu.memory_space<vmem>> -> memref<1x128x128xf32, #tpu.memory_space<vmem>>
      %dma_start3A_311 = tpu.memref_squeeze %dma_start3A_310 : memref<1x128x128xf32, #tpu.memory_space<vmem>> -> memref<128x128xf32, #tpu.memory_space<vmem>>
      tpu.enqueue_dma source(%dma_start3A_311 : memref<128x128xf32, #tpu.memory_space<vmem>>) target(%dma_start3A_307 : memref<128x128xf32, #tpu.memory_space<hbm>>) target_semaphore(%arg17 : memref<!tpu.dma_semaphore, #tpu.memory_space<semaphore_mem>>)
      %mul3A_312 = arith.constant 5 : i32
      %mul3A_313 = arith.muli %scan3A_162, %mul3A_312 : i32
      %add3A_314 = arith.constant 4 : i32
      %add3A_315 = arith.addi %mul3A_313, %add3A_314 : i32
      %mul3A_316 = arith.constant 1 : i32
      %mul3A_317 = arith.muli %add3A_315, %mul3A_316 : i32
      %add3A_318 = arith.constant 0 : i32
      %add3A_319 = arith.addi %mul3A_317, %add3A_318 : i32
      %dma_wait3A_320 = arith.constant 4 : i32
      %dma_wait3A_321 = arith.constant 0 : i32
      %dma_wait3A_322 = arith.constant 0 : i32
      %dma_wait3A_323 = tpu.memref_slice %arg15[%dma_wait3A_320, %dma_wait3A_321, %dma_wait3A_322] : memref<5x128x128xf32, #tpu.memory_space<vmem>> -> memref<1x128x128xf32, #tpu.memory_space<vmem>>
      %dma_wait3A_324 = tpu.memref_squeeze %dma_wait3A_323 : memref<1x128x128xf32, #tpu.memory_space<vmem>> -> memref<128x128xf32, #tpu.memory_space<vmem>>
      %dma_wait3A_325 = arith.constant 0 : i32
      %dma_wait3A_326 = tpu.memref_slice %arg14[%add3A_319, %dma_wait3A_325] : memref<80x128xi32, #tpu.memory_space<vmem>> -> memref<1x128xi32, #tpu.memory_space<vmem>>
      %dma_wait3A_327 = tpu.memref_squeeze %dma_wait3A_326 : memref<1x128xi32, #tpu.memory_space<vmem>> -> memref<128xi32, #tpu.memory_space<vmem>>
      %dma_wait3A_328 = arith.constant 0 : i32
      %dma_wait3A_329 = arith.constant 0 : i32
      %dma_wait3A_330 = tpu.memref_slice %arg8[%dma_wait3A_328, %dma_wait3A_329] : memref<64x128xf32, #tpu.memory_space<vmem_shared>> -> memref<64x128xf32, #tpu.memory_space<vmem_shared>>
      tpu.wait_indirect_dma semaphore(%arg16 : memref<!tpu.dma_semaphore, #tpu.memory_space<semaphore_mem>>) src(%dma_wait3A_330 : memref<64x128xf32, #tpu.memory_space<vmem_shared>>) dst(%dma_wait3A_324 : memref<128x128xf32, #tpu.memory_space<vmem>>)
      %mul3A_331 = arith.constant 1 : i32
      %mul3A_332 = arith.muli %add3A_315, %mul3A_331 : i32
      %add3A_333 = arith.addi %mul3A_2, %mul3A_332 : i32
      %mul3A_334 = arith.constant 128 : i32
      %mul3A_335 = arith.muli %add3A_333, %mul3A_334 : i32
      %dma_start3A_336 = arith.constant 4 : i32
      %dma_start3A_337 = arith.constant 0 : i32
      %dma_start3A_338 = arith.constant 0 : i32
      %dma_start3A_339 = tpu.memref_slice %arg15[%dma_start3A_336, %dma_start3A_337, %dma_start3A_338] : memref<5x128x128xf32, #tpu.memory_space<vmem>> -> memref<1x128x128xf32, #tpu.memory_space<vmem>>
      %dma_start3A_340 = tpu.memref_squeeze %dma_start3A_339 : memref<1x128x128xf32, #tpu.memory_space<vmem>> -> memref<128x128xf32, #tpu.memory_space<vmem>>
      %dma_start3A_341 = arith.constant 0 : i32
      %dma_start3A_342 = tpu.memref_slice %arg7[%mul3A_335, %dma_start3A_341] : memref<327680x128xf32, #tpu.memory_space<hbm>> -> memref<128x128xf32, #tpu.memory_space<hbm>>
      %dma_start3A_343 = arith.constant 0 : i32
      %dma_start3A_344 = tpu.memref_slice %arg7[%mul3A_335, %dma_start3A_343] : memref<327680x128xf32, #tpu.memory_space<hbm>> -> memref<128x128xf32, #tpu.memory_space<hbm>>
      %dma_start3A_345 = arith.constant 0 : i32
      %dma_start3A_346 = arith.constant 0 : i32
      %dma_start3A_347 = tpu.memref_slice %arg15[%dma_start3A_336, %dma_start3A_345, %dma_start3A_346] : memref<5x128x128xf32, #tpu.memory_space<vmem>> -> memref<1x128x128xf32, #tpu.memory_space<vmem>>
      %dma_start3A_348 = tpu.memref_squeeze %dma_start3A_347 : memref<1x128x128xf32, #tpu.memory_space<vmem>> -> memref<128x128xf32, #tpu.memory_space<vmem>>
      tpu.enqueue_dma source(%dma_start3A_348 : memref<128x128xf32, #tpu.memory_space<vmem>>) target(%dma_start3A_344 : memref<128x128xf32, #tpu.memory_space<hbm>>) target_semaphore(%arg17 : memref<!tpu.dma_semaphore, #tpu.memory_space<semaphore_mem>>)
      %add3A_349 = arith.constant 1 : i32
      %add3A_350 = arith.addi %scan3A_162, %add3A_349 : i32
      %lt3A_351 = arith.constant 16 : i32
      %lt3A_352 = arith.cmpi slt, %add3A_350, %lt3A_351 : i32
      %convert_element_type3A_353 = arith.extui %lt3A_352 : i1 to i32
      %cond3A_354 = arith.constant 0 : i32
      %cond3A_355 = arith.cmpi ne, %convert_element_type3A_353, %cond3A_354 : i32
      scf.if %cond3A_355 {
        %mul3A_357 = arith.constant 5 : i32
        %mul3A_358 = arith.muli %scan3A_162, %mul3A_357 : i32
        %add3A_359 = arith.constant 0 : i32
        %add3A_360 = arith.addi %mul3A_358, %add3A_359 : i32
        %mul3A_361 = arith.constant 1 : i32
        %mul3A_362 = arith.muli %add3A_360, %mul3A_361 : i32
        %add3A_363 = arith.addi %mul3A_2, %mul3A_362 : i32
        %mul3A_364 = arith.constant 128 : i32
        %mul3A_365 = arith.muli %add3A_363, %mul3A_364 : i32
        %dma_wait3A_366 = arith.constant 0 : i32
        %dma_wait3A_367 = arith.constant 0 : i32
        %dma_wait3A_368 = arith.constant 0 : i32
        %dma_wait3A_369 = tpu.memref_slice %arg15[%dma_wait3A_366, %dma_wait3A_367, %dma_wait3A_368] : memref<5x128x128xf32, #tpu.memory_space<vmem>> -> memref<1x128x128xf32, #tpu.memory_space<vmem>>
        %dma_wait3A_370 = tpu.memref_squeeze %dma_wait3A_369 : memref<1x128x128xf32, #tpu.memory_space<vmem>> -> memref<128x128xf32, #tpu.memory_space<vmem>>
        %dma_wait3A_371 = arith.constant 0 : i32
        %dma_wait3A_372 = tpu.memref_slice %arg7[%mul3A_365, %dma_wait3A_371] : memref<327680x128xf32, #tpu.memory_space<hbm>> -> memref<128x128xf32, #tpu.memory_space<hbm>>
        %dma_wait3A_373 = arith.constant 0 : i32
        %dma_wait3A_374 = tpu.memref_slice %arg7[%mul3A_365, %dma_wait3A_373] : memref<327680x128xf32, #tpu.memory_space<hbm>> -> memref<128x128xf32, #tpu.memory_space<hbm>>
        %dma_wait3A_375 = arith.constant 0 : i32
        %dma_wait3A_376 = arith.constant 0 : i32
        %dma_wait3A_377 = tpu.memref_slice %arg15[%dma_wait3A_366, %dma_wait3A_375, %dma_wait3A_376] : memref<5x128x128xf32, #tpu.memory_space<vmem>> -> memref<1x128x128xf32, #tpu.memory_space<vmem>>
        %dma_wait3A_378 = tpu.memref_squeeze %dma_wait3A_377 : memref<1x128x128xf32, #tpu.memory_space<vmem>> -> memref<128x128xf32, #tpu.memory_space<vmem>>
        tpu.wait_dma2 semaphore(%arg17 : memref<!tpu.dma_semaphore, #tpu.memory_space<semaphore_mem>>) src(%dma_wait3A_378 : memref<128x128xf32, #tpu.memory_space<vmem>>) dst(%dma_wait3A_374 : memref<128x128xf32, #tpu.memory_space<hbm>>)
        %add3A_379 = arith.constant 5 : i32
        %add3A_380 = arith.addi %add3A_360, %add3A_379 : i32
        %mul3A_381 = arith.constant 1 : i32
        %mul3A_382 = arith.muli %add3A_380, %mul3A_381 : i32
        %add3A_383 = arith.constant 0 : i32
        %add3A_384 = arith.addi %mul3A_382, %add3A_383 : i32
        %dma_start3A_385 = arith.constant 0 : i32
        %dma_start3A_386 = arith.constant 0 : i32
        %dma_start3A_387 = arith.constant 0 : i32
        %dma_start3A_388 = tpu.memref_slice %arg15[%dma_start3A_385, %dma_start3A_386, %dma_start3A_387] : memref<5x128x128xf32, #tpu.memory_space<vmem>> -> memref<1x128x128xf32, #tpu.memory_space<vmem>>
        %dma_start3A_389 = tpu.memref_squeeze %dma_start3A_388 : memref<1x128x128xf32, #tpu.memory_space<vmem>> -> memref<128x128xf32, #tpu.memory_space<vmem>>
        %dma_start3A_390 = arith.constant 0 : i32
        %dma_start3A_391 = tpu.memref_slice %arg14[%add3A_384, %dma_start3A_390] : memref<80x128xi32, #tpu.memory_space<vmem>> -> memref<1x128xi32, #tpu.memory_space<vmem>>
        %dma_start3A_392 = tpu.memref_squeeze %dma_start3A_391 : memref<1x128xi32, #tpu.memory_space<vmem>> -> memref<128xi32, #tpu.memory_space<vmem>>
        %dma_start3A_393 = arith.constant 0 : i32
        %dma_start3A_394 = arith.constant 0 : i32
        %dma_start3A_395 = tpu.memref_slice %arg8[%dma_start3A_393, %dma_start3A_394] : memref<64x128xf32, #tpu.memory_space<vmem_shared>> -> memref<64x128xf32, #tpu.memory_space<vmem_shared>>
        tpu.enqueue_indirect_dma source(%dma_start3A_395 : memref<64x128xf32, #tpu.memory_space<vmem_shared>>) target(%dma_start3A_389 : memref<128x128xf32, #tpu.memory_space<vmem>>) offsets(%dma_start3A_392 : memref<128xi32, #tpu.memory_space<vmem>>) semaphore(%arg16 : memref<!tpu.dma_semaphore, #tpu.memory_space<semaphore_mem>>)
        %mul3A_396 = arith.constant 5 : i32
        %mul3A_397 = arith.muli %scan3A_162, %mul3A_396 : i32
        %add3A_398 = arith.constant 1 : i32
        %add3A_399 = arith.addi %mul3A_397, %add3A_398 : i32
        %mul3A_400 = arith.constant 1 : i32
        %mul3A_401 = arith.muli %add3A_399, %mul3A_400 : i32
        %add3A_402 = arith.addi %mul3A_2, %mul3A_401 : i32
        %mul3A_403 = arith.constant 128 : i32
        %mul3A_404 = arith.muli %add3A_402, %mul3A_403 : i32
        %dma_wait3A_405 = arith.constant 1 : i32
        %dma_wait3A_406 = arith.constant 0 : i32
        %dma_wait3A_407 = arith.constant 0 : i32
        %dma_wait3A_408 = tpu.memref_slice %arg15[%dma_wait3A_405, %dma_wait3A_406, %dma_wait3A_407] : memref<5x128x128xf32, #tpu.memory_space<vmem>> -> memref<1x128x128xf32, #tpu.memory_space<vmem>>
        %dma_wait3A_409 = tpu.memref_squeeze %dma_wait3A_408 : memref<1x128x128xf32, #tpu.memory_space<vmem>> -> memref<128x128xf32, #tpu.memory_space<vmem>>
        %dma_wait3A_410 = arith.constant 0 : i32
        %dma_wait3A_411 = tpu.memref_slice %arg7[%mul3A_404, %dma_wait3A_410] : memref<327680x128xf32, #tpu.memory_space<hbm>> -> memref<128x128xf32, #tpu.memory_space<hbm>>
        %dma_wait3A_412 = arith.constant 0 : i32
        %dma_wait3A_413 = tpu.memref_slice %arg7[%mul3A_404, %dma_wait3A_412] : memref<327680x128xf32, #tpu.memory_space<hbm>> -> memref<128x128xf32, #tpu.memory_space<hbm>>
        %dma_wait3A_414 = arith.constant 0 : i32
        %dma_wait3A_415 = arith.constant 0 : i32
        %dma_wait3A_416 = tpu.memref_slice %arg15[%dma_wait3A_405, %dma_wait3A_414, %dma_wait3A_415] : memref<5x128x128xf32, #tpu.memory_space<vmem>> -> memref<1x128x128xf32, #tpu.memory_space<vmem>>
        %dma_wait3A_417 = tpu.memref_squeeze %dma_wait3A_416 : memref<1x128x128xf32, #tpu.memory_space<vmem>> -> memref<128x128xf32, #tpu.memory_space<vmem>>
        tpu.wait_dma2 semaphore(%arg17 : memref<!tpu.dma_semaphore, #tpu.memory_space<semaphore_mem>>) src(%dma_wait3A_417 : memref<128x128xf32, #tpu.memory_space<vmem>>) dst(%dma_wait3A_413 : memref<128x128xf32, #tpu.memory_space<hbm>>)
        %add3A_418 = arith.constant 5 : i32
        %add3A_419 = arith.addi %add3A_399, %add3A_418 : i32
        %mul3A_420 = arith.constant 1 : i32
        %mul3A_421 = arith.muli %add3A_419, %mul3A_420 : i32
        %add3A_422 = arith.constant 0 : i32
        %add3A_423 = arith.addi %mul3A_421, %add3A_422 : i32
        %dma_start3A_424 = arith.constant 1 : i32
        %dma_start3A_425 = arith.constant 0 : i32
        %dma_start3A_426 = arith.constant 0 : i32
        %dma_start3A_427 = tpu.memref_slice %arg15[%dma_start3A_424, %dma_start3A_425, %dma_start3A_426] : memref<5x128x128xf32, #tpu.memory_space<vmem>> -> memref<1x128x128xf32, #tpu.memory_space<vmem>>
        %dma_start3A_428 = tpu.memref_squeeze %dma_start3A_427 : memref<1x128x128xf32, #tpu.memory_space<vmem>> -> memref<128x128xf32, #tpu.memory_space<vmem>>
        %dma_start3A_429 = arith.constant 0 : i32
        %dma_start3A_430 = tpu.memref_slice %arg14[%add3A_423, %dma_start3A_429] : memref<80x128xi32, #tpu.memory_space<vmem>> -> memref<1x128xi32, #tpu.memory_space<vmem>>
        %dma_start3A_431 = tpu.memref_squeeze %dma_start3A_430 : memref<1x128xi32, #tpu.memory_space<vmem>> -> memref<128xi32, #tpu.memory_space<vmem>>
        %dma_start3A_432 = arith.constant 0 : i32
        %dma_start3A_433 = arith.constant 0 : i32
        %dma_start3A_434 = tpu.memref_slice %arg8[%dma_start3A_432, %dma_start3A_433] : memref<64x128xf32, #tpu.memory_space<vmem_shared>> -> memref<64x128xf32, #tpu.memory_space<vmem_shared>>
        tpu.enqueue_indirect_dma source(%dma_start3A_434 : memref<64x128xf32, #tpu.memory_space<vmem_shared>>) target(%dma_start3A_428 : memref<128x128xf32, #tpu.memory_space<vmem>>) offsets(%dma_start3A_431 : memref<128xi32, #tpu.memory_space<vmem>>) semaphore(%arg16 : memref<!tpu.dma_semaphore, #tpu.memory_space<semaphore_mem>>)
        %mul3A_435 = arith.constant 5 : i32
        %mul3A_436 = arith.muli %scan3A_162, %mul3A_435 : i32
        %add3A_437 = arith.constant 2 : i32
        %add3A_438 = arith.addi %mul3A_436, %add3A_437 : i32
        %mul3A_439 = arith.constant 1 : i32
        %mul3A_440 = arith.muli %add3A_438, %mul3A_439 : i32
        %add3A_441 = arith.addi %mul3A_2, %mul3A_440 : i32
        %mul3A_442 = arith.constant 128 : i32
        %mul3A_443 = arith.muli %add3A_441, %mul3A_442 : i32
        %dma_wait3A_444 = arith.constant 2 : i32
        %dma_wait3A_445 = arith.constant 0 : i32
        %dma_wait3A_446 = arith.constant 0 : i32
        %dma_wait3A_447 = tpu.memref_slice %arg15[%dma_wait3A_444, %dma_wait3A_445, %dma_wait3A_446] : memref<5x128x128xf32, #tpu.memory_space<vmem>> -> memref<1x128x128xf32, #tpu.memory_space<vmem>>
        %dma_wait3A_448 = tpu.memref_squeeze %dma_wait3A_447 : memref<1x128x128xf32, #tpu.memory_space<vmem>> -> memref<128x128xf32, #tpu.memory_space<vmem>>
        %dma_wait3A_449 = arith.constant 0 : i32
        %dma_wait3A_450 = tpu.memref_slice %arg7[%mul3A_443, %dma_wait3A_449] : memref<327680x128xf32, #tpu.memory_space<hbm>> -> memref<128x128xf32, #tpu.memory_space<hbm>>
        %dma_wait3A_451 = arith.constant 0 : i32
        %dma_wait3A_452 = tpu.memref_slice %arg7[%mul3A_443, %dma_wait3A_451] : memref<327680x128xf32, #tpu.memory_space<hbm>> -> memref<128x128xf32, #tpu.memory_space<hbm>>
        %dma_wait3A_453 = arith.constant 0 : i32
        %dma_wait3A_454 = arith.constant 0 : i32
        %dma_wait3A_455 = tpu.memref_slice %arg15[%dma_wait3A_444, %dma_wait3A_453, %dma_wait3A_454] : memref<5x128x128xf32, #tpu.memory_space<vmem>> -> memref<1x128x128xf32, #tpu.memory_space<vmem>>
        %dma_wait3A_456 = tpu.memref_squeeze %dma_wait3A_455 : memref<1x128x128xf32, #tpu.memory_space<vmem>> -> memref<128x128xf32, #tpu.memory_space<vmem>>
        tpu.wait_dma2 semaphore(%arg17 : memref<!tpu.dma_semaphore, #tpu.memory_space<semaphore_mem>>) src(%dma_wait3A_456 : memref<128x128xf32, #tpu.memory_space<vmem>>) dst(%dma_wait3A_452 : memref<128x128xf32, #tpu.memory_space<hbm>>)
        %add3A_457 = arith.constant 5 : i32
        %add3A_458 = arith.addi %add3A_438, %add3A_457 : i32
        %mul3A_459 = arith.constant 1 : i32
        %mul3A_460 = arith.muli %add3A_458, %mul3A_459 : i32
        %add3A_461 = arith.constant 0 : i32
        %add3A_462 = arith.addi %mul3A_460, %add3A_461 : i32
        %dma_start3A_463 = arith.constant 2 : i32
        %dma_start3A_464 = arith.constant 0 : i32
        %dma_start3A_465 = arith.constant 0 : i32
        %dma_start3A_466 = tpu.memref_slice %arg15[%dma_start3A_463, %dma_start3A_464, %dma_start3A_465] : memref<5x128x128xf32, #tpu.memory_space<vmem>> -> memref<1x128x128xf32, #tpu.memory_space<vmem>>
        %dma_start3A_467 = tpu.memref_squeeze %dma_start3A_466 : memref<1x128x128xf32, #tpu.memory_space<vmem>> -> memref<128x128xf32, #tpu.memory_space<vmem>>
        %dma_start3A_468 = arith.constant 0 : i32
        %dma_start3A_469 = tpu.memref_slice %arg14[%add3A_462, %dma_start3A_468] : memref<80x128xi32, #tpu.memory_space<vmem>> -> memref<1x128xi32, #tpu.memory_space<vmem>>
        %dma_start3A_470 = tpu.memref_squeeze %dma_start3A_469 : memref<1x128xi32, #tpu.memory_space<vmem>> -> memref<128xi32, #tpu.memory_space<vmem>>
        %dma_start3A_471 = arith.constant 0 : i32
        %dma_start3A_472 = arith.constant 0 : i32
        %dma_start3A_473 = tpu.memref_slice %arg8[%dma_start3A_471, %dma_start3A_472] : memref<64x128xf32, #tpu.memory_space<vmem_shared>> -> memref<64x128xf32, #tpu.memory_space<vmem_shared>>
        tpu.enqueue_indirect_dma source(%dma_start3A_473 : memref<64x128xf32, #tpu.memory_space<vmem_shared>>) target(%dma_start3A_467 : memref<128x128xf32, #tpu.memory_space<vmem>>) offsets(%dma_start3A_470 : memref<128xi32, #tpu.memory_space<vmem>>) semaphore(%arg16 : memref<!tpu.dma_semaphore, #tpu.memory_space<semaphore_mem>>)
        %mul3A_474 = arith.constant 5 : i32
        %mul3A_475 = arith.muli %scan3A_162, %mul3A_474 : i32
        %add3A_476 = arith.constant 3 : i32
        %add3A_477 = arith.addi %mul3A_475, %add3A_476 : i32
        %mul3A_478 = arith.constant 1 : i32
        %mul3A_479 = arith.muli %add3A_477, %mul3A_478 : i32
        %add3A_480 = arith.addi %mul3A_2, %mul3A_479 : i32
        %mul3A_481 = arith.constant 128 : i32
        %mul3A_482 = arith.muli %add3A_480, %mul3A_481 : i32
        %dma_wait3A_483 = arith.constant 3 : i32
        %dma_wait3A_484 = arith.constant 0 : i32
        %dma_wait3A_485 = arith.constant 0 : i32
        %dma_wait3A_486 = tpu.memref_slice %arg15[%dma_wait3A_483, %dma_wait3A_484, %dma_wait3A_485] : memref<5x128x128xf32, #tpu.memory_space<vmem>> -> memref<1x128x128xf32, #tpu.memory_space<vmem>>
        %dma_wait3A_487 = tpu.memref_squeeze %dma_wait3A_486 : memref<1x128x128xf32, #tpu.memory_space<vmem>> -> memref<128x128xf32, #tpu.memory_space<vmem>>
        %dma_wait3A_488 = arith.constant 0 : i32
        %dma_wait3A_489 = tpu.memref_slice %arg7[%mul3A_482, %dma_wait3A_488] : memref<327680x128xf32, #tpu.memory_space<hbm>> -> memref<128x128xf32, #tpu.memory_space<hbm>>
        %dma_wait3A_490 = arith.constant 0 : i32
        %dma_wait3A_491 = tpu.memref_slice %arg7[%mul3A_482, %dma_wait3A_490] : memref<327680x128xf32, #tpu.memory_space<hbm>> -> memref<128x128xf32, #tpu.memory_space<hbm>>
        %dma_wait3A_492 = arith.constant 0 : i32
        %dma_wait3A_493 = arith.constant 0 : i32
        %dma_wait3A_494 = tpu.memref_slice %arg15[%dma_wait3A_483, %dma_wait3A_492, %dma_wait3A_493] : memref<5x128x128xf32, #tpu.memory_space<vmem>> -> memref<1x128x128xf32, #tpu.memory_space<vmem>>
        %dma_wait3A_495 = tpu.memref_squeeze %dma_wait3A_494 : memref<1x128x128xf32, #tpu.memory_space<vmem>> -> memref<128x128xf32, #tpu.memory_space<vmem>>
        tpu.wait_dma2 semaphore(%arg17 : memref<!tpu.dma_semaphore, #tpu.memory_space<semaphore_mem>>) src(%dma_wait3A_495 : memref<128x128xf32, #tpu.memory_space<vmem>>) dst(%dma_wait3A_491 : memref<128x128xf32, #tpu.memory_space<hbm>>)
        %add3A_496 = arith.constant 5 : i32
        %add3A_497 = arith.addi %add3A_477, %add3A_496 : i32
        %mul3A_498 = arith.constant 1 : i32
        %mul3A_499 = arith.muli %add3A_497, %mul3A_498 : i32
        %add3A_500 = arith.constant 0 : i32
        %add3A_501 = arith.addi %mul3A_499, %add3A_500 : i32
        %dma_start3A_502 = arith.constant 3 : i32
        %dma_start3A_503 = arith.constant 0 : i32
        %dma_start3A_504 = arith.constant 0 : i32
        %dma_start3A_505 = tpu.memref_slice %arg15[%dma_start3A_502, %dma_start3A_503, %dma_start3A_504] : memref<5x128x128xf32, #tpu.memory_space<vmem>> -> memref<1x128x128xf32, #tpu.memory_space<vmem>>
        %dma_start3A_506 = tpu.memref_squeeze %dma_start3A_505 : memref<1x128x128xf32, #tpu.memory_space<vmem>> -> memref<128x128xf32, #tpu.memory_space<vmem>>
        %dma_start3A_507 = arith.constant 0 : i32
        %dma_start3A_508 = tpu.memref_slice %arg14[%add3A_501, %dma_start3A_507] : memref<80x128xi32, #tpu.memory_space<vmem>> -> memref<1x128xi32, #tpu.memory_space<vmem>>
        %dma_start3A_509 = tpu.memref_squeeze %dma_start3A_508 : memref<1x128xi32, #tpu.memory_space<vmem>> -> memref<128xi32, #tpu.memory_space<vmem>>
        %dma_start3A_510 = arith.constant 0 : i32
        %dma_start3A_511 = arith.constant 0 : i32
        %dma_start3A_512 = tpu.memref_slice %arg8[%dma_start3A_510, %dma_start3A_511] : memref<64x128xf32, #tpu.memory_space<vmem_shared>> -> memref<64x128xf32, #tpu.memory_space<vmem_shared>>
        tpu.enqueue_indirect_dma source(%dma_start3A_512 : memref<64x128xf32, #tpu.memory_space<vmem_shared>>) target(%dma_start3A_506 : memref<128x128xf32, #tpu.memory_space<vmem>>) offsets(%dma_start3A_509 : memref<128xi32, #tpu.memory_space<vmem>>) semaphore(%arg16 : memref<!tpu.dma_semaphore, #tpu.memory_space<semaphore_mem>>)
        %mul3A_513 = arith.constant 5 : i32
        %mul3A_514 = arith.muli %scan3A_162, %mul3A_513 : i32
        %add3A_515 = arith.constant 4 : i32
        %add3A_516 = arith.addi %mul3A_514, %add3A_515 : i32
        %mul3A_517 = arith.constant 1 : i32
        %mul3A_518 = arith.muli %add3A_516, %mul3A_517 : i32
        %add3A_519 = arith.addi %mul3A_2, %mul3A_518 : i32
        %mul3A_520 = arith.constant 128 : i32
        %mul3A_521 = arith.muli %add3A_519, %mul3A_520 : i32
        %dma_wait3A_522 = arith.constant 4 : i32
        %dma_wait3A_523 = arith.constant 0 : i32
        %dma_wait3A_524 = arith.constant 0 : i32
        %dma_wait3A_525 = tpu.memref_slice %arg15[%dma_wait3A_522, %dma_wait3A_523, %dma_wait3A_524] : memref<5x128x128xf32, #tpu.memory_space<vmem>> -> memref<1x128x128xf32, #tpu.memory_space<vmem>>
        %dma_wait3A_526 = tpu.memref_squeeze %dma_wait3A_525 : memref<1x128x128xf32, #tpu.memory_space<vmem>> -> memref<128x128xf32, #tpu.memory_space<vmem>>
        %dma_wait3A_527 = arith.constant 0 : i32
        %dma_wait3A_528 = tpu.memref_slice %arg7[%mul3A_521, %dma_wait3A_527] : memref<327680x128xf32, #tpu.memory_space<hbm>> -> memref<128x128xf32, #tpu.memory_space<hbm>>
        %dma_wait3A_529 = arith.constant 0 : i32
        %dma_wait3A_530 = tpu.memref_slice %arg7[%mul3A_521, %dma_wait3A_529] : memref<327680x128xf32, #tpu.memory_space<hbm>> -> memref<128x128xf32, #tpu.memory_space<hbm>>
        %dma_wait3A_531 = arith.constant 0 : i32
        %dma_wait3A_532 = arith.constant 0 : i32
        %dma_wait3A_533 = tpu.memref_slice %arg15[%dma_wait3A_522, %dma_wait3A_531, %dma_wait3A_532] : memref<5x128x128xf32, #tpu.memory_space<vmem>> -> memref<1x128x128xf32, #tpu.memory_space<vmem>>
        %dma_wait3A_534 = tpu.memref_squeeze %dma_wait3A_533 : memref<1x128x128xf32, #tpu.memory_space<vmem>> -> memref<128x128xf32, #tpu.memory_space<vmem>>
        tpu.wait_dma2 semaphore(%arg17 : memref<!tpu.dma_semaphore, #tpu.memory_space<semaphore_mem>>) src(%dma_wait3A_534 : memref<128x128xf32, #tpu.memory_space<vmem>>) dst(%dma_wait3A_530 : memref<128x128xf32, #tpu.memory_space<hbm>>)
        %add3A_535 = arith.constant 5 : i32
        %add3A_536 = arith.addi %add3A_516, %add3A_535 : i32
        %mul3A_537 = arith.constant 1 : i32
        %mul3A_538 = arith.muli %add3A_536, %mul3A_537 : i32
        %add3A_539 = arith.constant 0 : i32
        %add3A_540 = arith.addi %mul3A_538, %add3A_539 : i32
        %dma_start3A_541 = arith.constant 4 : i32
        %dma_start3A_542 = arith.constant 0 : i32
        %dma_start3A_543 = arith.constant 0 : i32
        %dma_start3A_544 = tpu.memref_slice %arg15[%dma_start3A_541, %dma_start3A_542, %dma_start3A_543] : memref<5x128x128xf32, #tpu.memory_space<vmem>> -> memref<1x128x128xf32, #tpu.memory_space<vmem>>
        %dma_start3A_545 = tpu.memref_squeeze %dma_start3A_544 : memref<1x128x128xf32, #tpu.memory_space<vmem>> -> memref<128x128xf32, #tpu.memory_space<vmem>>
        %dma_start3A_546 = arith.constant 0 : i32
        %dma_start3A_547 = tpu.memref_slice %arg14[%add3A_540, %dma_start3A_546] : memref<80x128xi32, #tpu.memory_space<vmem>> -> memref<1x128xi32, #tpu.memory_space<vmem>>
        %dma_start3A_548 = tpu.memref_squeeze %dma_start3A_547 : memref<1x128xi32, #tpu.memory_space<vmem>> -> memref<128xi32, #tpu.memory_space<vmem>>
        %dma_start3A_549 = arith.constant 0 : i32
        %dma_start3A_550 = arith.constant 0 : i32
        %dma_start3A_551 = tpu.memref_slice %arg8[%dma_start3A_549, %dma_start3A_550] : memref<64x128xf32, #tpu.memory_space<vmem_shared>> -> memref<64x128xf32, #tpu.memory_space<vmem_shared>>
        tpu.enqueue_indirect_dma source(%dma_start3A_551 : memref<64x128xf32, #tpu.memory_space<vmem_shared>>) target(%dma_start3A_545 : memref<128x128xf32, #tpu.memory_space<vmem>>) offsets(%dma_start3A_548 : memref<128xi32, #tpu.memory_space<vmem>>) semaphore(%arg16 : memref<!tpu.dma_semaphore, #tpu.memory_space<semaphore_mem>>)
      } else {
      }
      %scan3A_356 = arith.constant 0 : i32
      scf.yield %scan3A_356 : i32
    }
    %scan3A_76 = arith.constant 16 : i32
    %add3A_77 = arith.constant 75 : i32
    %add3A_78 = arith.addi %mul3A_2, %add3A_77 : i32
    %mul3A_79 = arith.constant 128 : i32
    %mul3A_80 = arith.muli %add3A_78, %mul3A_79 : i32
    %dma_wait3A_81 = arith.constant 0 : i32
    %dma_wait3A_82 = arith.constant 0 : i32
    %dma_wait3A_83 = arith.constant 0 : i32
    %dma_wait3A_84 = tpu.memref_slice %arg15[%dma_wait3A_81, %dma_wait3A_82, %dma_wait3A_83] : memref<5x128x128xf32, #tpu.memory_space<vmem>> -> memref<1x128x128xf32, #tpu.memory_space<vmem>>
    %dma_wait3A_85 = tpu.memref_squeeze %dma_wait3A_84 : memref<1x128x128xf32, #tpu.memory_space<vmem>> -> memref<128x128xf32, #tpu.memory_space<vmem>>
    %dma_wait3A_86 = arith.constant 0 : i32
    %dma_wait3A_87 = tpu.memref_slice %arg7[%mul3A_80, %dma_wait3A_86] : memref<327680x128xf32, #tpu.memory_space<hbm>> -> memref<128x128xf32, #tpu.memory_space<hbm>>
    %dma_wait3A_88 = arith.constant 0 : i32
    %dma_wait3A_89 = tpu.memref_slice %arg7[%mul3A_80, %dma_wait3A_88] : memref<327680x128xf32, #tpu.memory_space<hbm>> -> memref<128x128xf32, #tpu.memory_space<hbm>>
    %dma_wait3A_90 = arith.constant 0 : i32
    %dma_wait3A_91 = arith.constant 0 : i32
    %dma_wait3A_92 = tpu.memref_slice %arg15[%dma_wait3A_81, %dma_wait3A_90, %dma_wait3A_91] : memref<5x128x128xf32, #tpu.memory_space<vmem>> -> memref<1x128x128xf32, #tpu.memory_space<vmem>>
    %dma_wait3A_93 = tpu.memref_squeeze %dma_wait3A_92 : memref<1x128x128xf32, #tpu.memory_space<vmem>> -> memref<128x128xf32, #tpu.memory_space<vmem>>
    tpu.wait_dma2 semaphore(%arg17 : memref<!tpu.dma_semaphore, #tpu.memory_space<semaphore_mem>>) src(%dma_wait3A_93 : memref<128x128xf32, #tpu.memory_space<vmem>>) dst(%dma_wait3A_89 : memref<128x128xf32, #tpu.memory_space<hbm>>)
    %add3A_94 = arith.constant 76 : i32
    %add3A_95 = arith.addi %mul3A_2, %add3A_94 : i32
    %mul3A_96 = arith.constant 128 : i32
    %mul3A_97 = arith.muli %add3A_95, %mul3A_96 : i32
    %dma_wait3A_98 = arith.constant 1 : i32
    %dma_wait3A_99 = arith.constant 0 : i32
    %dma_wait3A_100 = arith.constant 0 : i32
    %dma_wait3A_101 = tpu.memref_slice %arg15[%dma_wait3A_98, %dma_wait3A_99, %dma_wait3A_100] : memref<5x128x128xf32, #tpu.memory_space<vmem>> -> memref<1x128x128xf32, #tpu.memory_space<vmem>>
    %dma_wait3A_102 = tpu.memref_squeeze %dma_wait3A_101 : memref<1x128x128xf32, #tpu.memory_space<vmem>> -> memref<128x128xf32, #tpu.memory_space<vmem>>
    %dma_wait3A_103 = arith.constant 0 : i32
    %dma_wait3A_104 = tpu.memref_slice %arg7[%mul3A_97, %dma_wait3A_103] : memref<327680x128xf32, #tpu.memory_space<hbm>> -> memref<128x128xf32, #tpu.memory_space<hbm>>
    %dma_wait3A_105 = arith.constant 0 : i32
    %dma_wait3A_106 = tpu.memref_slice %arg7[%mul3A_97, %dma_wait3A_105] : memref<327680x128xf32, #tpu.memory_space<hbm>> -> memref<128x128xf32, #tpu.memory_space<hbm>>
    %dma_wait3A_107 = arith.constant 0 : i32
    %dma_wait3A_108 = arith.constant 0 : i32
    %dma_wait3A_109 = tpu.memref_slice %arg15[%dma_wait3A_98, %dma_wait3A_107, %dma_wait3A_108] : memref<5x128x128xf32, #tpu.memory_space<vmem>> -> memref<1x128x128xf32, #tpu.memory_space<vmem>>
    %dma_wait3A_110 = tpu.memref_squeeze %dma_wait3A_109 : memref<1x128x128xf32, #tpu.memory_space<vmem>> -> memref<128x128xf32, #tpu.memory_space<vmem>>
    tpu.wait_dma2 semaphore(%arg17 : memref<!tpu.dma_semaphore, #tpu.memory_space<semaphore_mem>>) src(%dma_wait3A_110 : memref<128x128xf32, #tpu.memory_space<vmem>>) dst(%dma_wait3A_106 : memref<128x128xf32, #tpu.memory_space<hbm>>)
    %add3A_111 = arith.constant 77 : i32
    %add3A_112 = arith.addi %mul3A_2, %add3A_111 : i32
    %mul3A_113 = arith.constant 128 : i32
    %mul3A_114 = arith.muli %add3A_112, %mul3A_113 : i32
    %dma_wait3A_115 = arith.constant 2 : i32
    %dma_wait3A_116 = arith.constant 0 : i32
    %dma_wait3A_117 = arith.constant 0 : i32
    %dma_wait3A_118 = tpu.memref_slice %arg15[%dma_wait3A_115, %dma_wait3A_116, %dma_wait3A_117] : memref<5x128x128xf32, #tpu.memory_space<vmem>> -> memref<1x128x128xf32, #tpu.memory_space<vmem>>
    %dma_wait3A_119 = tpu.memref_squeeze %dma_wait3A_118 : memref<1x128x128xf32, #tpu.memory_space<vmem>> -> memref<128x128xf32, #tpu.memory_space<vmem>>
    %dma_wait3A_120 = arith.constant 0 : i32
    %dma_wait3A_121 = tpu.memref_slice %arg7[%mul3A_114, %dma_wait3A_120] : memref<327680x128xf32, #tpu.memory_space<hbm>> -> memref<128x128xf32, #tpu.memory_space<hbm>>
    %dma_wait3A_122 = arith.constant 0 : i32
    %dma_wait3A_123 = tpu.memref_slice %arg7[%mul3A_114, %dma_wait3A_122] : memref<327680x128xf32, #tpu.memory_space<hbm>> -> memref<128x128xf32, #tpu.memory_space<hbm>>
    %dma_wait3A_124 = arith.constant 0 : i32
    %dma_wait3A_125 = arith.constant 0 : i32
    %dma_wait3A_126 = tpu.memref_slice %arg15[%dma_wait3A_115, %dma_wait3A_124, %dma_wait3A_125] : memref<5x128x128xf32, #tpu.memory_space<vmem>> -> memref<1x128x128xf32, #tpu.memory_space<vmem>>
    %dma_wait3A_127 = tpu.memref_squeeze %dma_wait3A_126 : memref<1x128x128xf32, #tpu.memory_space<vmem>> -> memref<128x128xf32, #tpu.memory_space<vmem>>
    tpu.wait_dma2 semaphore(%arg17 : memref<!tpu.dma_semaphore, #tpu.memory_space<semaphore_mem>>) src(%dma_wait3A_127 : memref<128x128xf32, #tpu.memory_space<vmem>>) dst(%dma_wait3A_123 : memref<128x128xf32, #tpu.memory_space<hbm>>)
    %add3A_128 = arith.constant 78 : i32
    %add3A_129 = arith.addi %mul3A_2, %add3A_128 : i32
    %mul3A_130 = arith.constant 128 : i32
    %mul3A_131 = arith.muli %add3A_129, %mul3A_130 : i32
    %dma_wait3A_132 = arith.constant 3 : i32
    %dma_wait3A_133 = arith.constant 0 : i32
    %dma_wait3A_134 = arith.constant 0 : i32
    %dma_wait3A_135 = tpu.memref_slice %arg15[%dma_wait3A_132, %dma_wait3A_133, %dma_wait3A_134] : memref<5x128x128xf32, #tpu.memory_space<vmem>> -> memref<1x128x128xf32, #tpu.memory_space<vmem>>
    %dma_wait3A_136 = tpu.memref_squeeze %dma_wait3A_135 : memref<1x128x128xf32, #tpu.memory_space<vmem>> -> memref<128x128xf32, #tpu.memory_space<vmem>>
    %dma_wait3A_137 = arith.constant 0 : i32
    %dma_wait3A_138 = tpu.memref_slice %arg7[%mul3A_131, %dma_wait3A_137] : memref<327680x128xf32, #tpu.memory_space<hbm>> -> memref<128x128xf32, #tpu.memory_space<hbm>>
    %dma_wait3A_139 = arith.constant 0 : i32
    %dma_wait3A_140 = tpu.memref_slice %arg7[%mul3A_131, %dma_wait3A_139] : memref<327680x128xf32, #tpu.memory_space<hbm>> -> memref<128x128xf32, #tpu.memory_space<hbm>>
    %dma_wait3A_141 = arith.constant 0 : i32
    %dma_wait3A_142 = arith.constant 0 : i32
    %dma_wait3A_143 = tpu.memref_slice %arg15[%dma_wait3A_132, %dma_wait3A_141, %dma_wait3A_142] : memref<5x128x128xf32, #tpu.memory_space<vmem>> -> memref<1x128x128xf32, #tpu.memory_space<vmem>>
    %dma_wait3A_144 = tpu.memref_squeeze %dma_wait3A_143 : memref<1x128x128xf32, #tpu.memory_space<vmem>> -> memref<128x128xf32, #tpu.memory_space<vmem>>
    tpu.wait_dma2 semaphore(%arg17 : memref<!tpu.dma_semaphore, #tpu.memory_space<semaphore_mem>>) src(%dma_wait3A_144 : memref<128x128xf32, #tpu.memory_space<vmem>>) dst(%dma_wait3A_140 : memref<128x128xf32, #tpu.memory_space<hbm>>)
    %add3A_145 = arith.constant 79 : i32
    %add3A_146 = arith.addi %mul3A_2, %add3A_145 : i32
    %mul3A_147 = arith.constant 128 : i32
    %mul3A_148 = arith.muli %add3A_146, %mul3A_147 : i32
    %dma_wait3A_149 = arith.constant 4 : i32
    %dma_wait3A_150 = arith.constant 0 : i32
    %dma_wait3A_151 = arith.constant 0 : i32
    %dma_wait3A_152 = tpu.memref_slice %arg15[%dma_wait3A_149, %dma_wait3A_150, %dma_wait3A_151] : memref<5x128x128xf32, #tpu.memory_space<vmem>> -> memref<1x128x128xf32, #tpu.memory_space<vmem>>
    %dma_wait3A_153 = tpu.memref_squeeze %dma_wait3A_152 : memref<1x128x128xf32, #tpu.memory_space<vmem>> -> memref<128x128xf32, #tpu.memory_space<vmem>>
    %dma_wait3A_154 = arith.constant 0 : i32
    %dma_wait3A_155 = tpu.memref_slice %arg7[%mul3A_148, %dma_wait3A_154] : memref<327680x128xf32, #tpu.memory_space<hbm>> -> memref<128x128xf32, #tpu.memory_space<hbm>>
    %dma_wait3A_156 = arith.constant 0 : i32
    %dma_wait3A_157 = tpu.memref_slice %arg7[%mul3A_148, %dma_wait3A_156] : memref<327680x128xf32, #tpu.memory_space<hbm>> -> memref<128x128xf32, #tpu.memory_space<hbm>>
    %dma_wait3A_158 = arith.constant 0 : i32
    %dma_wait3A_159 = arith.constant 0 : i32
    %dma_wait3A_160 = tpu.memref_slice %arg15[%dma_wait3A_149, %dma_wait3A_158, %dma_wait3A_159] : memref<5x128x128xf32, #tpu.memory_space<vmem>> -> memref<1x128x128xf32, #tpu.memory_space<vmem>>
    %dma_wait3A_161 = tpu.memref_squeeze %dma_wait3A_160 : memref<1x128x128xf32, #tpu.memory_space<vmem>> -> memref<128x128xf32, #tpu.memory_space<vmem>>
    tpu.wait_dma2 semaphore(%arg17 : memref<!tpu.dma_semaphore, #tpu.memory_space<semaphore_mem>>) src(%dma_wait3A_161 : memref<128x128xf32, #tpu.memory_space<vmem>>) dst(%dma_wait3A_157 : memref<128x128xf32, #tpu.memory_space<hbm>>)
    return
  }
}

</mosaic_0001>

<sc_bundles>
// kernel: kernel.3.cloned.1.call-start
scs
__scs_entry_jumppad:
0x0: {  	(pc) =	sbr.rel $0x88, $3  }
0x1: {  	(tag) =	ssettag $0x0;
	lr =	simm.s32 $0x1  }
0x2: {  	[smem:$0x3F9B] =	sst lr;
	_ =	strace $0xD0000000  }
0x3: {  	_ = 	snop  }
0x4: {  	_ = 	snop  }
0x5: {  	_ = 	snop  }
0x6: {  	_ = 	snop  }
0x7: {  	_ = 	snop  }
__scs_overlays_trampoline_lowered:
0x8: {  	[smem:$0x3FAA] =	sst s0  }
0x9: {  	[smem:$0x3FAB] =	sst s1  }
0xa: {  	[smem:$0x3FAC] =	sst s2  }
0xb: {  	[smem:$0x3FAD] =	sst s3  }
0xc: {  	[smem:$0x3FAE] =	sst s4  }
0xd: {  	[smem:$0x3FAF] =	sst s5  }
0xe: {  	[smem:$0x3FB0] =	sst s6  }
0xf: {  	[smem:$0x3FB1] =	sst s7  }
0x10: {  	[smem:$0x3FB2] =	sst s8  }
0x11: {  	[smem:$0x3FB3] =	sst s9;
	s0 =	simm.s32 @!p0 $0x0  }
0x12: {  	s1 =	sld [smem:$0x3F99];
	s0 =	simm.s32 @p0 $0x1  }
0x13: {  	[smem:$0x3FB4] =	sst s0;
	s0 =	simm.s32 @!p1 $0x0  }
0x14: {  	s2 =	sld [smem:$0x3F98];
	s0 =	simm.s32 @p1 $0x1  }
0x15: {  	[smem:$0x3FB5] =	sst s0;
	s0 =	simm.s32 @!p2 $0x0  }
0x16: {  	s3 =	sld [smem:$0x3FDB];
	s0 =	simm.s32 @p2 $0x1  }
0x17: {  	s4 =	simm.s32 $0x1BF5;
	[smem:$0x3FB7] =	sst s0  }
0x18: {  	s0 =	sld [smem:$0x3F9A];
	_ =	swait.ge [sflag:s4], $0x0  }
0x19: {  	s7 =	sld [smem:$0x3F9B]  }
0x1a: {  	s8 =	sadd.s32 $0xFFFFE003, lr  }
0x1b: {  	s9 =	sadd.s32 $0xFFFFFEF7, lr;
	s5 =	simm.s32 $0xFFFFFFFF;
	p2 =	slt.u32 s8, $0xFFFFF086  }
0x1c: {  	p1 =	slt.u32 s9, $0xF7A;
	s5 =	simm.s32 @!p2 $0x0  }
0x1d: {  	s5 =	simm.s32 @p1 $0x1;
	p0 =	seq.s32 s7, s2  }
0x1e: {  	s7 =	smul.u32 @!p0 $0xF7A, s2;
	p2 =	seq.s32 @!p0 s5, $0x0  }
0x1f: {  	s9 =	smul.u32 $0xF7A, s1;
	s8 =	simm.s32 @!p0 $0x1BF5;
	p2 =	por !p2, p0  }
0x20: {  	[sflag:s8] =	ssyncset.s32 @!p0 $0xFFFFF086;
	s6 =	sadd.s32 @!p0 s3, s7;
	s7 =	simm.s32 @!p0 $0x108  }
0x21: {  	s3 =	sadd.s32 s3, s9;
	s6 =	sadd.s32 @!p0 $0x88, s6;
	s7 =	simm.s32 @p2 $0x1082  }
0x22: {  	[simem:s7], [sflag:s8] =	dma.local @!p0 [hbm:s6], $0xF7A  }
0x23: {  	s9 =	sor.u32 $0xD0000000, s2;
	s6 =	simm.s32 $0x108;
	_ =	swait.ge @!p0 [sflag:s8], $0x0  }
0x24: {  	s3 =	sadd.s32 $0x88, s3;
	s6 =	simm.s32 @!p1 $0x1082;
	[sflag:s4] =	ssyncset.s32 $0xFFFFF086  }
0x25: {  	[simem:s6], [sflag:s4] =	dma.local [hbm:s3], $0xF7A  }
0x26: {  	[smem:$0x3F9B] =	sst s1;
	(tag) =	ssettag s2;
	_ =	strace s9  }
0x27: {  	s1 =	sld [smem:$0x3FAB]  }
0x28: {  	s2 =	sld [smem:$0x3FAC]  }
0x29: {  	s4 =	sld [smem:$0x3FAE]  }
0x2a: {  	p0 =	seq.s32 s5, $0x0;
	s5 =	sld [smem:$0x3FAF]  }
0x2b: {  	s6 =	sld [smem:$0x3FB0]  }
0x2c: {  	s7 =	sld [smem:$0x3FB1]  }
0x2d: {  	s3 =	simm.s32 $0x108;
	s8 =	sld [smem:$0x3FB2]  }
0x2e: {  	s3 =	simm.s32 @!p0 $0x1082;
	s9 =	sld [smem:$0x3FB3]  }
0x2f: {  	lr =	sadd.s32 s0, s3;
	s0 =	sld [smem:$0x3FAA]  }
0x30: {  	s3 =	sld [smem:$0x3FAD]  }
0x31: {  	[smem:$0x3FB6] =	sst s10  }
0x32: {  	s10 =	sld [smem:$0x3FB4];
	_ =	sdelay $0x3  }
0x33: {  	p0 =	seq.s32 s10, $0x1;
	s10 =	sld [smem:$0x3FB6];
	_ =	sdelay $0x3  }
0x34: {  	[smem:$0x3FB6] =	sst s10  }
0x35: {  	s10 =	sld [smem:$0x3FB5];
	_ =	sdelay $0x3  }
0x36: {  	p1 =	seq.s32 s10, $0x1;
	s10 =	sld [smem:$0x3FB6];
	_ =	sdelay $0x3  }
0x37: {  	[smem:$0x3FB6] =	sst s10  }
0x38: {  	s10 =	sld [smem:$0x3FB7]  }
0x39: {  	_ = 	snop;
	(pc) =	sbr.ind lr, $3  }
0x3a: {  	_ = 	snop  }
0x3b: {  	_ = 	snop  }
0x3c: {  	p2 =	seq.s32 s10, $0x1;
	s10 =	sld [smem:$0x3FB6]  }
0x3d: {  	_ =	shalt  }
0x3e: {  	_ =	shalt  }
0x3f: {  	_ =	shalt  }
0x40: {  	_ =	shalt  }
0x41: {  	_ =	shalt  }
0x42: {  	_ =	shalt  }
0x43: {  	_ =	shalt  }
0x44: {  	_ =	shalt  }
0x45: {  	_ =	shalt  }
0x46: {  	_ =	shalt  }
0x47: {  	_ =	shalt  }
0x48: {  	_ =	shalt  }
0x49: {  	_ =	shalt  }
0x4a: {  	_ =	shalt  }
0x4b: {  	_ =	shalt  }
0x4c: {  	_ =	shalt  }
0x4d: {  	_ =	shalt  }
0x4e: {  	_ =	shalt  }
0x4f: {  	_ =	shalt  }
0x50: {  	_ =	shalt  }
0x51: {  	_ =	shalt  }
0x52: {  	_ =	shalt  }
0x53: {  	_ =	shalt  }
0x54: {  	_ =	shalt  }
0x55: {  	_ =	shalt  }
0x56: {  	_ =	shalt  }
0x57: {  	_ =	shalt  }
0x58: {  	_ =	shalt  }
0x59: {  	_ =	shalt  }
0x5a: {  	_ =	shalt  }
0x5b: {  	_ =	shalt  }
0x5c: {  	_ =	shalt  }
0x5d: {  	_ =	shalt  }
0x5e: {  	_ =	shalt  }
0x5f: {  	_ =	shalt  }
0x60: {  	_ =	shalt  }
0x61: {  	_ =	shalt  }
0x62: {  	_ =	shalt  }
0x63: {  	_ =	shalt  }
0x64: {  	_ =	shalt  }
0x65: {  	_ =	shalt  }
0x66: {  	_ =	shalt  }
0x67: {  	_ =	shalt  }
0x68: {  	_ =	shalt  }
0x69: {  	_ =	shalt  }
0x6a: {  	_ =	shalt  }
0x6b: {  	_ =	shalt  }
0x6c: {  	_ =	shalt  }
0x6d: {  	_ =	shalt  }
0x6e: {  	_ =	shalt  }
0x6f: {  	_ =	shalt  }
0x70: {  	_ =	shalt  }
0x71: {  	_ =	shalt  }
0x72: {  	_ =	shalt  }
0x73: {  	_ =	shalt  }
0x74: {  	_ =	shalt  }
0x75: {  	_ =	shalt  }
0x76: {  	_ =	shalt  }
0x77: {  	_ =	shalt  }
0x78: {  	_ =	shalt  }
0x79: {  	_ =	shalt  }
0x7a: {  	_ =	shalt  }
0x7b: {  	_ =	shalt  }
0x7c: {  	_ =	shalt  }
0x7d: {  	_ =	shalt  }
0x7e: {  	_ =	shalt  }
0x7f: {  	_ =	shalt  }
0x80: {  	_ =	shalt  }
0x81: {  	_ =	shalt  }
0x82: {  	_ =	shalt  }
0x83: {  	_ =	shalt  }
0x84: {  	_ =	shalt  }
0x85: {  	_ =	shalt  }
0x86: {  	_ =	shalt  }
0x87: {  	_ =	shalt  }
.Lfunc_end0:
.L_simem_size_0:
called_computation_lowered:
.L_overlay_start_0:
0x88: {  	s2 =	sld [smem:$0x3FD9]  }
0x89: {  	s3 =	sld [smem:$0x3FFE];
	_ =	sdelay $0x1  }
0x8a: {  	s1 =	srdreg.scid  }
0x8b: {  	s0 =	sand.u32 $0x1, s1  }
0x8c: {  	s17 =	sshll.u32 s0, $0xA;
	s2 =	sadd.s32 s3, s2  }
0x8d: {  	s2 =	sadd.s32 s2, s17  }
0x8e: {  	[smem:$0x3FC2] =	sst s2  }
0x8f: {  	_ = 	snop  }
0x90: {  	s2 =	sld [smem:$0x3FC7]  }
0x91: {  	s18 =	sld [smem:$0x3FC6]  }
0x92: {  	s4 =	sld [smem:$0x3FC5]  }
0x93: {  	s5 =	sld [smem:$0x3FC4]  }
0x94: {  	s6 =	sld [smem:$0x3FD0];
	(tm) =	ssettm $0x1  }
0x95: {  	s7 =	sld [smem:$0x3FFB];
	_ =	sdelay $0x3  }
0x96: {  	_ =	strace s7  }
0x97: {  	s7 =	sld [smem:$0x3FFC];
	_ =	sdelay $0x3  }
0x98: {  	_ =	strace s7  }
0x99: {  	s7 =	sld [smem:$0x3FFD];
	_ =	sdelay $0x3  }
0x9a: {  	_ =	strace s7  }
0x9b: {  	_ =	strace $0x8FFFFFFF  }
0x9c: {  	s19 =	sld [smem:$0x3FDB];
	_ =	sdelay $0x1  }
0x9d: {  	s8 =	simm.s32 $_scs_section_size  }
0x9e: {  	s9 =	simm.s32 $_size__tile_overlayer_lowered;
	s10 =	simm.s32 $_tile_overlayer_lowered  }
0x9f: {  	s22 =	simm.s32 $0x1BFF;
	s21 =	sshll.u32 s10, $0x1;
	s7 =	sadd.s32 s8, s19  }
0xa0: {  	s11 =	simm.s32 $0x0;
	s20 =	sshll.u32 s9, $0x1;
	s9 =	sadd.s32 s21, s7  }
0xa1: {  	[timem:s11], [sflag:s22] =	dma.local [hbm:s9], s20  }
0xa2: {  	_ =	swait.ge [sflag:s22], s20  }
0xa3: {  	s8 =	ssub.s32 $0x0, s20;
	[sflag:s22] =	ssyncset.done $0x0  }
0xa4: {  	[sflag:s22] =	ssyncadd.s32 s8;
	_ =	sdelay $0x1  }
0xa5: {  	s23 =	simm.s32 $0x1B8B  }
0xa6: {  	_ =	swait.ge [sflag:s23], $0x1  }
0xa7: {  	[sflag:s23] =	ssyncset.done $0x0  }
0xa8: {  	s25 =	simm.s32 $0x1B8E;
	s24 =	sld [smem:$0x3FFE];
	[sflag:s23] =	ssyncadd.s32 $0xFFFFFFFF  }
0xa9: {  	s26 =	simm.s32 $execute0_lowered;
	[smem:$0x3FD2] =	sst s25  }
0xaa: {  	s9 =	sshll.u32 s26, $0x1;
	_ =	strace $0x80000046;
	[dreg:$0x1] =	wrdreg $0xFFFFFFFF  }
0xab: {  	s28 =	simm.s32 $_size_execute0_lowered;
	s7 =	sadd.s32 s7, s9;
	[dreg:$0x0] =	wrdreg $0x0  }
0xac: {  	s9 =	sshll.u32 s28, $0x1;
	[dreg:$0x2] =	wrdreg s7  }
0xad: {  	[dreg:$0x3] =	wrdreg s9  }
0xae: {  	[dreg:$0x4] =	wrdreg $0xC0  }
0xaf: {  	_ =	task [dreg:s11], $0x5FFFF  }
0xb0: {  	[dreg:$0x1] =	wrdreg $0xFFFFFFFF  }
0xb1: {  	[dreg:$0x0] =	wrdreg $0x60  }
0xb2: {  	[dreg:$0x2] =	wrdreg s2  }
0xb3: {  	[dreg:$0x3] =	wrdreg s18  }
0xb4: {  	[dreg:$0x4] =	wrdreg s4  }
0xb5: {  	[dreg:$0x5] =	wrdreg s5  }
0xb6: {  	[dreg:$0x6] =	wrdreg s24  }
0xb7: {  	[dreg:$0x7] =	wrdreg s6  }
0xb8: {  	[dreg:$0x8] =	wrdreg $0x0  }
0xb9: {  	[dreg:$0x9] =	wrdreg $0x9  }
0xba: {  	_ =	task.clear_ibuf [dreg:s11], $0xAFFFF;
	_ =	strace $0x90000046  }
0xbb: {  	s29 =	simm.s32 $0x9;
	_ =	strace $0x80000048  }
0xbc: {  	_ =	swait.ge [sflag:s29], $0x1  }
0xbd: {  	[sflag:s29] =	ssyncadd.s32 $0xFFFFFFFF  }
0xbe: {  	_ =	strace $0x90000048  }
0xbf: {  	_ =	sfence  }
0xc0: {  	s30 =	sld [smem:$0x0];
	_ =	sdelay $0x2  }
0xc1: {  	s31 =	sshll.u32 s1, $0xD;
	s1 =	sshrl.u32 s1, $0x2  }
0xc2: {  	s3 =	sand.u32 $0x4000, s31;
	s1 =	sadd.s32 s1, s30  }
0xc3: {  	s0 =	sor.u32 s3, s0;
	s1 =	sshll.u32 s1, $0x11  }
0xc4: {  	s0 =	sor.u32 s1, s0  }
0xc5: {  	s0 =	sadd.s32 $0x8F2B, s0  }
0xc6: {  	[sflag:s0] =	ssyncadd.remote.s32 $0x1  }
0xc7: {  	_ =	sfence.sel $0xFFFF  }
0xc8: {  	[dreg:$0x0] =	wrdreg $0xFFFFFFFF;
	(pc) =	sbr.abs _section_cstart, $3  }
0xc9: {  	[dreg:$0x1] =	wrdreg $0xFFFFFFFF  }
0xca: {  	_ =	task.clear_ibuf [dreg:s11], $0x2FFFF;
	_ =	strace $0x9FFFFFFF  }
0xcb: {  	(tm) =	ssettm $0x7FFFFFFF  }
tec
execute0_lowered:
.L_overlay_start_1:
0x0: {  	(tag) =	ssettag $0x1  }
0x1: {  	s0 =	rddreg [dreg:$0x0]  }
0x2: {  	s1 =	rddreg [dreg:$0x4]  }
0x3: {  	s11 =	rddreg [dreg:$0x5];
	s2 =	srdreg.scid  }
0x4: {  	s10 =	stileid.u32;
	s6 =	rddreg [dreg:$0x6]  }
0x5: {  	s7 =	simm.s32 $0x0;
	s19 =	simm.s32 $0x1;
	s22 =	simm.s32 $0x2  }
0x6: {  	s16 =	simm.s32 $0x80;
	s17 =	simm.s32 $0x800;
	s18 =	simm.s32 $0x880  }
0x7: {  	s29 =	simm.s32 $0xAF80;
	s20 =	simm.s32 $0x900;
	s31 =	simm.s32 $0xEF80  }
0x8: {  	s21 =	simm.s32 $0x980;
	s30 =	simm.s32 $0x0;
	s2 =	sand.u32 $0x1, s2  }
0x9: {  	s3 =	sshll.u32 s10, $0x1;
	[smem:$0x7FF] =	sst s7;
	s5 =	smul.u32 $0xA0, s10  }
0xa: {  	s24 =	smul.u32 $0x50000, s10;
	s25 =	sshll.u32 s10, $0x4;
	s9 =	sshll.u32 s10, $0x9  }
0xb: {  	p0 =	sgt.u32 s10, $0xC;
	s10 =	simm.s32 $0x780;
	s3 =	sor.u32 s2, s3  }
0xc: {  	_ =	strace $0x80000047;
	s4 =	ssub.s32 $0x2, s2;
	s8 =	smul.u32 $0x50, s2  }
0xd: {  	s2 =	smul.u32 $0x28000, s2;
	s0 =	sadd.s32 s0, s25;
	s26 =	sadd.s32 s9, s6  }
0xe: {  	s3 =	smul.u32 $0x500, s3;
	s23 =	sshrl.u32 s4, $0x1;
	[dreg:$0x9] =	wrdreg s0  }
0xf: {  	[dreg:$0xa] =	wrdreg s26;
	s26 =	simm.s32 $0x6F80;
	s28 =	sadd.s32 s8, s5  }
0x10: {  	s13 =	sadd.s32 s2, s24;
	s24 =	simm.s32 $0x2F80;
	s1 =	sadd.s32 s3, s1  }
0x11: {  	s2 =	simm.s32 $0x12F80;
	s3 =	ssub.s32 s4, s23;
	s14 =	sadd.s32 $0x400, s1  }
0x12: {  	s12 =	sshll.u32 s28, $0xB;
	s15 =	smax.u32 s3, $0x1;
	[dreg:$0x8] =	wrdreg s14  }
.LBB2_1:
.Ltmp0:
0x13: {  	(pc) =	sbr.rel @p0 .LBB2_3-.Ltmp0, $2  }
0x14: {  	_ =	sdelay $0x2  }
0x15: {  	[tilespmem:s10], [sflag:$0x2] =	stream.linear.gather [hbm4b:s14+s7], $0x2800, $0x38;
	[tilespmem:$0x16F80] =	vst v63  }
0x16: {  	s0 =	rddreg [dreg:$0x9];
	s1 =	simm.s32 $0x200  }
0x17: {  	[tilespmem:s1], [sflag:$0x1] =	stream.linear.gather [hbm4b:s0+s7], $0x80, $0x38;
	[tilespmem:$0x16F80] =	vst v63  }
0x18: {  	s21 =	rddreg [dreg:$0x1];
	s23 =	simm.s32 $0x280  }
0x19: {  	[tilespmem:s23], [sflag:$0x1] =	stream.linear.gather [hbm4b:s21+s7], $0x200, $0x38;
	[tilespmem:$0x16F80] =	vst v63  }
0x1a: {  	s25 =	rddreg [dreg:$0x2];
	s28 =	simm.s32 $0x480  }
0x1b: {  	[tilespmem:s28], [sflag:$0x1] =	stream.linear.gather [hbm4b:s25+s7], $0x80, $0x38;
	[tilespmem:$0x16F80] =	vst v63  }
0x1c: {  	s3 =	rddreg [dreg:$0x3];
	s4 =	simm.s32 $0x500  }
0x1d: {  	[tilespmem:s4], [sflag:$0x1] =	stream.linear.gather [hbm4b:s3+s7], $0x80, $0x38;
	[tilespmem:$0x16F80] =	vst v63  }
0x1e: {  	_ =	swait.ge [sflag:s19], $0x80  }
0x1f: {  	[sflag:s19] =	ssyncset.done $0x0  }
0x20: {  	[sflag:s19] =	ssyncadd.s32 $0xFFFFFF80  }
0x21: {  	_ =	swait.ge [sflag:s19], $0x200  }
0x22: {  	[sflag:s19] =	ssyncset.done $0x0  }
0x23: {  	[sflag:s19] =	ssyncadd.s32 $0xFFFFFE00  }
0x24: {  	_ =	swait.ge [sflag:s19], $0x80  }
0x25: {  	[sflag:s19] =	ssyncset.done $0x0  }
0x26: {  	[sflag:s19] =	ssyncadd.s32 $0xFFFFFF80  }
0x27: {  	_ =	swait.ge [sflag:s19], $0x80  }
0x28: {  	[sflag:s19] =	ssyncset.done $0x0  }
0x29: {  	[sflag:s19] =	ssyncadd.s32 $0xFFFFFF80  }
0x2a: {  	v0 =	vld [tilespmem:$0x200]  }
0x2b: {  	v1 =	vld [tilespmem:$0x280]  }
0x2c: {  	v2 =	vld [tilespmem:$0x210]  }
0x2d: {  	v3 =	vld [tilespmem:$0x290]  }
0x2e: {  	v4 =	vld [tilespmem:$0x220]  }
0x2f: {  	v5 =	vld [tilespmem:$0x2A0]  }
0x30: {  	v6 =	vld [tilespmem:$0x230]  }
0x31: {  	v7 =	vld [tilespmem:$0x2B0]  }
0x32: {  	v20 =	vld [tilespmem:$0x240];
	v0 =	vadd.f32 v1, v0;
	v19 =	vadd.f32 v3, v2  }
0x33: {  	v21 =	vld [tilespmem:$0x2C0]  }
0x34: {  	v22 =	vld [tilespmem:$0x250];
	v4 =	vadd.f32 v5, v4;
	v8 =	vadd.f32 v19, v0  }
0x35: {  	v9 =	vld [tilespmem:$0x2D0]  }
0x36: {  	v23 =	vld [tilespmem:$0x260];
	v10 =	vadd.f32 v7, v6;
	v24 =	vadd.f32 v4, v8  }
0x37: {  	v25 =	vld [tilespmem:$0x2E0]  }
0x38: {  	v26 =	vld [tilespmem:$0x270];
	v2 =	vadd.f32 v21, v20;
	v7 =	vadd.f32 v10, v24  }
0x39: {  	v11 =	vld [tilespmem:$0x2F0]  }
0x3a: {  	v9 =	vadd.f32 v9, v22;
	v27 =	vadd.f32 v2, v7;
	_ =	sdelay $0x1  }
0x3b: {  	v8 =	vadd.f32 v25, v23;
	v5 =	vadd.f32 v9, v27;
	_ =	sdelay $0x1  }
0x3c: {  	v11 =	vadd.f32 v11, v26;
	v28 =	vadd.f32 v8, v5;
	_ =	sdelay $0x1  }
0x3d: {  	v3 =	vadd.f32 v11, v28;
	_ =	sdelay $0x1  }
0x3e: {  	(v2sf) =	vpush v3, $0x0  }
0x3f: {  	(v2sf) =	vpush v3, $0x1;
	_ =	sdelay $0x1  }
0x40: {  	(v2sf) =	vpush v3, $0x2;
	_ =	sdelay $0x1  }
0x41: {  	(v2sf) =	vpush v3, $0x3;
	_ =	sdelay $0x1  }
0x42: {  	(v2sf) =	vpush v3, $0x4;
	_ =	sdelay $0x1  }
0x43: {  	(v2sf) =	vpush v3, $0x5;
	_ =	sdelay $0x1  }
0x44: {  	(v2sf) =	vpush v3, $0x6;
	_ =	sdelay $0x1  }
0x45: {  	(v2sf) =	vpush v3, $0x7;
	_ =	sdelay $0x1  }
0x46: {  	(v2sf) =	vpush v3, $0x8;
	s5 =	spop (v2sf)  }
0x47: {  	s3 =	spop (v2sf)  }
0x48: {  	(v2sf) =	vpush v3, $0x9;
	s1 =	sadd.f32 s3, s5  }
0x49: {  	s8 =	spop (v2sf)  }
0x4a: {  	(v2sf) =	vpush v3, $0xA;
	s1 =	sadd.f32 s1, s8  }
0x4b: {  	s9 =	spop (v2sf)  }
0x4c: {  	(v2sf) =	vpush v3, $0xB;
	s1 =	sadd.f32 s1, s9  }
0x4d: {  	s10 =	spop (v2sf)  }
0x4e: {  	(v2sf) =	vpush v3, $0xC;
	s1 =	sadd.f32 s1, s10  }
0x4f: {  	s11 =	spop (v2sf)  }
0x50: {  	(v2sf) =	vpush v3, $0xD;
	s1 =	sadd.f32 s1, s11  }
0x51: {  	s14 =	spop (v2sf)  }
0x52: {  	(v2sf) =	vpush v3, $0xE;
	s1 =	sadd.f32 s1, s14  }
0x53: {  	s16 =	spop (v2sf)  }
0x54: {  	(v2sf) =	vpush v3, $0xF;
	s1 =	sadd.f32 s1, s16  }
0x55: {  	s17 =	spop (v2sf)  }
0x56: {  	s1 =	sadd.f32 s1, s17  }
0x57: {  	s18 =	spop (v2sf)  }
0x58: {  	s1 =	sadd.f32 s1, s18  }
0x59: {  	s20 =	spop (v2sf)  }
0x5a: {  	s1 =	sadd.f32 s1, s20  }
0x5b: {  	s21 =	spop (v2sf)  }
0x5c: {  	s1 =	sadd.f32 s1, s21  }
0x5d: {  	s23 =	spop (v2sf)  }
0x5e: {  	s1 =	sadd.f32 s1, s23  }
0x5f: {  	s25 =	spop (v2sf)  }
0x60: {  	s1 =	sadd.f32 s1, s25  }
0x61: {  	s28 =	spop (v2sf)  }
0x62: {  	s1 =	sadd.f32 s1, s28  }
0x63: {  	s0 =	spop (v2sf)  }
0x64: {  	s1 =	sadd.f32 s1, s0;
	_ =	sdelay $0x1  }
0x65: {  	s1 =	smul.f32 $7.812500000e-03, s1;
	_ =	sdelay $0x1  }
0x66: {  	v12 =	vmov s1  }
0x67: {  	v7 =	vsub.f32 v0, v12;
	v6 =	vsub.f32 v19, v12;
	_ =	sdelay $0x1  }
0x68: {  	v5 =	vsub.f32 v4, v12;
	v0 =	vmul.f32 v7, v7;
	v1 =	vmul.f32 v6, v6;
	_ =	sdelay $0x1  }
0x69: {  	v4 =	vsub.f32 v10, v12;
	v29 =	vmul.f32 v5, v5;
	v0 =	vadd.f32 v1, v0;
	_ =	sdelay $0x1  }
0x6a: {  	v3 =	vsub.f32 v2, v12;
	v30 =	vmul.f32 v4, v4;
	v0 =	vadd.f32 v0, v29;
	_ =	sdelay $0x1  }
0x6b: {  	v31 =	vsub.f32 v9, v12;
	v32 =	vmul.f32 v3, v3;
	v0 =	vadd.f32 v0, v30  }
0x6c: {  	v39 =	vld [tilespmem:$0x200]  }
0x6d: {  	v40 =	vld [tilespmem:$0x300];
	v33 =	vsub.f32 v8, v12;
	v35 =	vmul.f32 v31, v31;
	v34 =	vadd.f32 v0, v32  }
0x6e: {  	v41 =	vld [tilespmem:$0x210]  }
0x6f: {  	v42 =	vld [tilespmem:$0x310];
	v36 =	vsub.f32 v11, v12;
	v37 =	vmul.f32 v33, v33;
	v8 =	vadd.f32 v34, v35  }
0x70: {  	v13 =	vld [tilespmem:$0x220]  }
0x71: {  	v14 =	vld [tilespmem:$0x320];
	v38 =	vmul.f32 v36, v36;
	v8 =	vadd.f32 v8, v37  }
0x72: {  	v15 =	vld [tilespmem:$0x230]  }
0x73: {  	v16 =	vld [tilespmem:$0x330];
	v8 =	vadd.f32 v8, v38  }
0x74: {  	v44 =	vld [tilespmem:$0x240];
	v43 =	vadd.f32 v42, v41  }
0x75: {  	v45 =	vld [tilespmem:$0x340];
	v9 =	vadd.f32 v40, v39;
	(v2sf) =	vpush v8, $0x0  }
0x76: {  	v46 =	vld [tilespmem:$0x250];
	v13 =	vadd.f32 v14, v13;
	(v2sf) =	vpush v8, $0x1  }
0x77: {  	v18 =	vld [tilespmem:$0x350];
	v17 =	vadd.f32 v43, v9;
	(v2sf) =	vpush v8, $0x2  }
0x78: {  	v47 =	vld [tilespmem:$0x260];
	v16 =	vadd.f32 v16, v15;
	(v2sf) =	vpush v8, $0x3  }
0x79: {  	v19 =	vld [tilespmem:$0x360];
	v17 =	vadd.f32 v13, v17;
	(v2sf) =	vpush v8, $0x4  }
0x7a: {  	v48 =	vld [tilespmem:$0x270];
	v11 =	vadd.f32 v45, v44;
	(v2sf) =	vpush v8, $0x5  }
0x7b: {  	v20 =	vld [tilespmem:$0x370];
	v17 =	vadd.f32 v16, v17;
	(v2sf) =	vpush v8, $0x6  }
0x7c: {  	v18 =	vadd.f32 v18, v46;
	(v2sf) =	vpush v8, $0x7  }
0x7d: {  	v49 =	vadd.f32 v11, v17;
	(v2sf) =	vpush v8, $0x8  }
0x7e: {  	v50 =	vadd.f32 v19, v47;
	(v2sf) =	vpush v8, $0x9  }
0x7f: {  	v14 =	vadd.f32 v18, v49;
	(v2sf) =	vpush v8, $0xA  }
0x80: {  	v51 =	vadd.f32 v20, v48;
	(v2sf) =	vpush v8, $0xB  }
0x81: {  	v52 =	vadd.f32 v50, v14;
	(v2sf) =	vpush v8, $0xC  }
0x82: {  	(v2sf) =	vpush v8, $0xD  }
0x83: {  	v12 =	vadd.f32 v51, v52;
	(v2sf) =	vpush v8, $0xE  }
0x84: {  	s25 =	spop (v2sf);
	(v2sf) =	vpush v8, $0xF  }
0x85: {  	s4 =	spop (v2sf);
	(v2sf) =	vpush v12, $0x0  }
0x86: {  	s5 =	spop (v2sf);
	(v2sf) =	vpush v12, $0x1  }
0x87: {  	s8 =	spop (v2sf)  }
0x88: {  	(v2sf) =	vpush v12, $0x2;
	s9 =	spop (v2sf)  }
0x89: {  	s10 =	spop (v2sf)  }
0x8a: {  	(v2sf) =	vpush v12, $0x3;
	s11 =	spop (v2sf)  }
0x8b: {  	s14 =	spop (v2sf)  }
0x8c: {  	(v2sf) =	vpush v12, $0x4;
	s16 =	spop (v2sf)  }
0x8d: {  	s17 =	spop (v2sf)  }
0x8e: {  	(v2sf) =	vpush v12, $0x5;
	s18 =	spop (v2sf)  }
0x8f: {  	s20 =	spop (v2sf)  }
0x90: {  	(v2sf) =	vpush v12, $0x6;
	s21 =	spop (v2sf)  }
0x91: {  	s23 =	spop (v2sf)  }
0x92: {  	(v2sf) =	vpush v12, $0x7;
	s28 =	spop (v2sf)  }
0x93: {  	s1 =	spop (v2sf)  }
0x94: {  	[dreg:$0x19] =	wrdreg s4;
	s3 =	spop (v2sf);
	(v2sf) =	vpush v12, $0x8  }
0x95: {  	[dreg:$0xb] =	wrdreg s1;
	s4 =	spop (v2sf)  }
0x96: {  	(v2sf) =	vpush v12, $0x9;
	s1 =	sadd.f32 s4, s3  }
0x97: {  	[dreg:$0x18] =	wrdreg s5;
	s5 =	spop (v2sf)  }
0x98: {  	(v2sf) =	vpush v12, $0xA;
	s1 =	sadd.f32 s1, s5  }
0x99: {  	[dreg:$0x17] =	wrdreg s8;
	s8 =	spop (v2sf)  }
0x9a: {  	(v2sf) =	vpush v12, $0xB;
	s1 =	sadd.f32 s1, s8  }
0x9b: {  	[dreg:$0x15] =	wrdreg s9;
	s9 =	spop (v2sf)  }
0x9c: {  	(v2sf) =	vpush v12, $0xC;
	s1 =	sadd.f32 s1, s9  }
0x9d: {  	[dreg:$0x16] =	wrdreg s10;
	s10 =	spop (v2sf)  }
0x9e: {  	(v2sf) =	vpush v12, $0xD;
	s1 =	sadd.f32 s1, s10  }
0x9f: {  	[dreg:$0x14] =	wrdreg s11;
	s11 =	spop (v2sf)  }
0xa0: {  	(v2sf) =	vpush v12, $0xE;
	s1 =	sadd.f32 s1, s11  }
0xa1: {  	[dreg:$0x13] =	wrdreg s14;
	s14 =	spop (v2sf)  }
0xa2: {  	(v2sf) =	vpush v12, $0xF;
	s1 =	sadd.f32 s1, s14  }
0xa3: {  	[dreg:$0x12] =	wrdreg s16;
	s16 =	spop (v2sf)  }
0xa4: {  	s1 =	sadd.f32 s1, s16  }
0xa5: {  	[dreg:$0x11] =	wrdreg s17;
	s17 =	spop (v2sf)  }
0xa6: {  	s1 =	sadd.f32 s1, s17  }
0xa7: {  	[dreg:$0x10] =	wrdreg s18;
	s18 =	spop (v2sf)  }
0xa8: {  	s1 =	sadd.f32 s1, s18  }
0xa9: {  	[dreg:$0xf] =	wrdreg s20;
	s20 =	spop (v2sf)  }
0xaa: {  	s1 =	sadd.f32 s1, s20  }
0xab: {  	[dreg:$0xe] =	wrdreg s21;
	s21 =	spop (v2sf)  }
0xac: {  	s1 =	sadd.f32 s1, s21  }
0xad: {  	[dreg:$0xd] =	wrdreg s23;
	s23 =	spop (v2sf)  }
0xae: {  	s1 =	sadd.f32 s1, s23  }
0xaf: {  	[dreg:$0xc] =	wrdreg s28;
	s28 =	spop (v2sf)  }
0xb0: {  	s1 =	sadd.f32 s1, s28  }
0xb1: {  	s0 =	spop (v2sf)  }
0xb2: {  	s1 =	sadd.f32 s1, s0;
	_ =	sdelay $0x1  }
0xb3: {  	s1 =	smul.f32 $7.812500000e-03, s1;
	_ =	sdelay $0x1  }
0xb4: {  	v53 =	vmov s1  }
0xb5: {  	v15 =	vsub.f32 v9, v53;
	v14 =	vsub.f32 v43, v53;
	_ =	sdelay $0x1  }
0xb6: {  	v13 =	vsub.f32 v13, v53;
	v54 =	vmul.f32 v15, v15;
	v55 =	vmul.f32 v14, v14;
	_ =	sdelay $0x1  }
0xb7: {  	v12 =	vsub.f32 v16, v53;
	v56 =	vmul.f32 v13, v13;
	v8 =	vadd.f32 v55, v54;
	_ =	sdelay $0x1  }
0xb8: {  	v11 =	vsub.f32 v11, v53;
	v57 =	vmul.f32 v12, v12;
	v8 =	vadd.f32 v8, v56;
	_ =	sdelay $0x1  }
0xb9: {  	v10 =	vsub.f32 v18, v53;
	v58 =	vmul.f32 v11, v11;
	v9 =	vadd.f32 v8, v57  }
0xba: {  	v62 =	vld [tilespmem:$0x200]  }
0xbb: {  	v63 =	vld [tilespmem:$0x380];
	v59 =	vmul.f32 v10, v10;
	v8 =	vsub.f32 v50, v53;
	v16 =	vadd.f32 v9, v58  }
0xbc: {  	v21 =	vld [tilespmem:$0x220]  }
0xbd: {  	v1 =	vld [tilespmem:$0x390];
	v9 =	vsub.f32 v51, v53;
	v60 =	vmul.f32 v8, v8;
	v16 =	vadd.f32 v16, v59  }
0xbe: {  	v0 =	vld [tilespmem:$0x210]  }
0xbf: {  	v22 =	vld [tilespmem:$0x3A0];
	v61 =	vmul.f32 v9, v9;
	v16 =	vadd.f32 v16, v60  }
0xc0: {  	v23 =	vld [tilespmem:$0x230]  }
0xc1: {  	v24 =	vld [tilespmem:$0x3B0];
	v16 =	vadd.f32 v16, v61  }
0xc2: {  	[tilespmem:$0x1FFE0] =	vst v33;
	v33 =	vld [tilespmem:$0x3C0];
	v17 =	vadd.f32 v63, v62  }
0xc3: {  	v32 =	vld [tilespmem:$0x240];
	v2 =	vadd.f32 v1, v0;
	(v2sf) =	vpush v16, $0x0  }
0xc4: {  	v26 =	vld [tilespmem:$0x3D0];
	v21 =	vadd.f32 v22, v21;
	(v2sf) =	vpush v16, $0x1  }
0xc5: {  	v34 =	vld [tilespmem:$0x250];
	v25 =	vadd.f32 v2, v17;
	(v2sf) =	vpush v16, $0x2  }
0xc6: {  	v27 =	vld [tilespmem:$0x3E0];
	v24 =	vadd.f32 v24, v23;
	(v2sf) =	vpush v16, $0x3  }
0xc7: {  	v35 =	vld [tilespmem:$0x260];
	v25 =	vadd.f32 v21, v25;
	(v2sf) =	vpush v16, $0x4  }
0xc8: {  	v28 =	vld [tilespmem:$0x3F0];
	v19 =	vadd.f32 v33, v32;
	(v2sf) =	vpush v16, $0x5  }
0xc9: {  	[tilespmem:$0x1FFF0] =	vst v36;
	v36 =	vld [tilespmem:$0x270];
	v25 =	vadd.f32 v24, v25;
	(v2sf) =	vpush v16, $0x6  }
0xca: {  	v26 =	vadd.f32 v26, v34;
	(v2sf) =	vpush v16, $0x7  }
0xcb: {  	v37 =	vadd.f32 v19, v25;
	(v2sf) =	vpush v16, $0x8  }
0xcc: {  	v38 =	vadd.f32 v27, v35;
	(v2sf) =	vpush v16, $0x9  }
0xcd: {  	v22 =	vadd.f32 v26, v37;
	(v2sf) =	vpush v16, $0xA  }
0xce: {  	v39 =	vadd.f32 v28, v36;
	(v2sf) =	vpush v16, $0xB  }
0xcf: {  	v40 =	vadd.f32 v38, v22;
	(v2sf) =	vpush v16, $0xC  }
0xd0: {  	(v2sf) =	vpush v16, $0xD  }
0xd1: {  	v20 =	vadd.f32 v39, v40;
	(v2sf) =	vpush v16, $0xE  }
0xd2: {  	s3 =	spop (v2sf);
	(v2sf) =	vpush v16, $0xF  }
0xd3: {  	s4 =	spop (v2sf);
	(v2sf) =	vpush v20, $0x0  }
0xd4: {  	s5 =	spop (v2sf);
	(v2sf) =	vpush v20, $0x1  }
0xd5: {  	s8 =	spop (v2sf)  }
0xd6: {  	(v2sf) =	vpush v20, $0x2;
	s9 =	spop (v2sf)  }
0xd7: {  	s10 =	spop (v2sf)  }
0xd8: {  	(v2sf) =	vpush v20, $0x3;
	s11 =	spop (v2sf)  }
0xd9: {  	s14 =	spop (v2sf)  }
0xda: {  	(v2sf) =	vpush v20, $0x4;
	s16 =	spop (v2sf)  }
0xdb: {  	s17 =	spop (v2sf)  }
0xdc: {  	(v2sf) =	vpush v20, $0x5;
	s18 =	spop (v2sf)  }
0xdd: {  	s20 =	spop (v2sf)  }
0xde: {  	(v2sf) =	vpush v20, $0x6;
	s21 =	spop (v2sf)  }
0xdf: {  	s23 =	spop (v2sf)  }
0xe0: {  	(v2sf) =	vpush v20, $0x7;
	s28 =	spop (v2sf)  }
0xe1: {  	[smem:$0x7F2] =	sst s3;
	s1 =	spop (v2sf)  }
0xe2: {  	[smem:$0x7F3] =	sst s4;
	(v2sf) =	vpush v20, $0x8;
	s3 =	spop (v2sf)  }
0xe3: {  	[dreg:$0x1a] =	wrdreg s1;
	s4 =	spop (v2sf)  }
0xe4: {  	(v2sf) =	vpush v20, $0x9;
	s1 =	sadd.f32 s4, s3  }
0xe5: {  	[smem:$0x7F4] =	sst s5;
	s5 =	spop (v2sf)  }
0xe6: {  	(v2sf) =	vpush v20, $0xA;
	s1 =	sadd.f32 s1, s5  }
0xe7: {  	[smem:$0x7F5] =	sst s8;
	s8 =	spop (v2sf)  }
0xe8: {  	(v2sf) =	vpush v20, $0xB;
	s1 =	sadd.f32 s1, s8  }
0xe9: {  	[smem:$0x7F6] =	sst s9;
	s9 =	spop (v2sf)  }
0xea: {  	(v2sf) =	vpush v20, $0xC;
	s1 =	sadd.f32 s1, s9  }
0xeb: {  	[smem:$0x7F7] =	sst s10;
	s10 =	spop (v2sf)  }
0xec: {  	(v2sf) =	vpush v20, $0xD;
	s1 =	sadd.f32 s1, s10  }
0xed: {  	[smem:$0x7F8] =	sst s11;
	s11 =	spop (v2sf)  }
0xee: {  	(v2sf) =	vpush v20, $0xE;
	s1 =	sadd.f32 s1, s11  }
0xef: {  	[smem:$0x7F9] =	sst s14;
	s14 =	spop (v2sf)  }
0xf0: {  	(v2sf) =	vpush v20, $0xF;
	s1 =	sadd.f32 s1, s14  }
0xf1: {  	[smem:$0x7FA] =	sst s16;
	s16 =	spop (v2sf)  }
0xf2: {  	s1 =	sadd.f32 s1, s16  }
0xf3: {  	[smem:$0x7FB] =	sst s17;
	s17 =	spop (v2sf)  }
0xf4: {  	s1 =	sadd.f32 s1, s17  }
0xf5: {  	[dreg:$0x1f] =	wrdreg s18;
	s18 =	spop (v2sf)  }
0xf6: {  	s1 =	sadd.f32 s1, s18  }
0xf7: {  	[dreg:$0x1e] =	wrdreg s20;
	s20 =	spop (v2sf)  }
0xf8: {  	s1 =	sadd.f32 s1, s20  }
0xf9: {  	[dreg:$0x1d] =	wrdreg s21;
	s21 =	spop (v2sf)  }
0xfa: {  	s1 =	sadd.f32 s1, s21  }
0xfb: {  	[dreg:$0x1c] =	wrdreg s23;
	s23 =	spop (v2sf)  }
0xfc: {  	s1 =	sadd.f32 s1, s23  }
0xfd: {  	[dreg:$0x1b] =	wrdreg s28;
	s28 =	spop (v2sf)  }
0xfe: {  	s1 =	sadd.f32 s1, s28  }
0xff: {  	s0 =	spop (v2sf)  }
0x100: {  	s1 =	sadd.f32 s1, s0;
	_ =	sdelay $0x1  }
0x101: {  	s1 =	smul.f32 $7.812500000e-03, s1;
	_ =	sdelay $0x1  }
0x102: {  	v41 =	vmov s1  }
0x103: {  	v23 =	vsub.f32 v17, v41;
	v22 =	vsub.f32 v2, v41;
	_ =	sdelay $0x1  }
0x104: {  	v21 =	vsub.f32 v21, v41;
	v17 =	vmul.f32 v23, v23;
	v18 =	vmul.f32 v22, v22;
	_ =	sdelay $0x1  }
0x105: {  	v20 =	vsub.f32 v24, v41;
	v42 =	vmul.f32 v21, v21;
	v17 =	vadd.f32 v18, v17;
	_ =	sdelay $0x1  }
0x106: {  	v19 =	vsub.f32 v19, v41;
	v24 =	vmul.f32 v20, v20;
	v17 =	vadd.f32 v17, v42;
	_ =	sdelay $0x1  }
0x107: {  	v43 =	vmul.f32 v19, v19;
	v18 =	vsub.f32 v26, v41;
	v24 =	vadd.f32 v17, v24  }
0x108: {  	v48 =	vld [tilespmem:$0x400]  }
0x109: {  	v47 =	vld [tilespmem:$0x200];
	v44 =	vmul.f32 v18, v18;
	v17 =	vsub.f32 v38, v41;
	v24 =	vadd.f32 v24, v43  }
0x10a: {  	v29 =	vld [tilespmem:$0x220]  }
0x10b: {  	v49 =	vld [tilespmem:$0x210];
	v16 =	vsub.f32 v39, v41;
	v45 =	vmul.f32 v17, v17;
	v24 =	vadd.f32 v24, v44  }
0x10c: {  	v50 =	vld [tilespmem:$0x410]  }
0x10d: {  	v30 =	vld [tilespmem:$0x420];
	v46 =	vmul.f32 v16, v16;
	v24 =	vadd.f32 v24, v45  }
0x10e: {  	[tilespmem:$0x1FFD0] =	vst v31;
	v31 =	vld [tilespmem:$0x230]  }
0x10f: {  	v32 =	vld [tilespmem:$0x430];
	v24 =	vadd.f32 v24, v46  }
0x110: {  	v52 =	vld [tilespmem:$0x240];
	v25 =	vadd.f32 v48, v47  }
0x111: {  	v53 =	vld [tilespmem:$0x440];
	v51 =	vadd.f32 v50, v49;
	(v2sf) =	vpush v24, $0x0  }
0x112: {  	v29 =	vadd.f32 v30, v29;
	v34 =	vld [tilespmem:$0x450];
	(v2sf) =	vpush v24, $0x1  }
0x113: {  	v54 =	vld [tilespmem:$0x250];
	v33 =	vadd.f32 v51, v25;
	(v2sf) =	vpush v24, $0x2  }
0x114: {  	v35 =	vld [tilespmem:$0x460];
	v32 =	vadd.f32 v32, v31;
	(v2sf) =	vpush v24, $0x3  }
0x115: {  	v55 =	vld [tilespmem:$0x260];
	v33 =	vadd.f32 v29, v33;
	(v2sf) =	vpush v24, $0x4  }
0x116: {  	v36 =	vld [tilespmem:$0x470];
	v27 =	vadd.f32 v53, v52;
	(v2sf) =	vpush v24, $0x5  }
0x117: {  	v56 =	vld [tilespmem:$0x270];
	v33 =	vadd.f32 v32, v33;
	(v2sf) =	vpush v24, $0x6  }
0x118: {  	v34 =	vadd.f32 v34, v54;
	(v2sf) =	vpush v24, $0x7  }
0x119: {  	v57 =	vadd.f32 v27, v33;
	(v2sf) =	vpush v24, $0x8  }
0x11a: {  	v58 =	vadd.f32 v35, v55;
	(v2sf) =	vpush v24, $0x9  }
0x11b: {  	v30 =	vadd.f32 v34, v57;
	(v2sf) =	vpush v24, $0xA  }
0x11c: {  	v59 =	vadd.f32 v36, v56;
	(v2sf) =	vpush v24, $0xB  }
0x11d: {  	v60 =	vadd.f32 v58, v30;
	(v2sf) =	vpush v24, $0xC  }
0x11e: {  	(v2sf) =	vpush v24, $0xD  }
0x11f: {  	v28 =	vadd.f32 v59, v60;
	(v2sf) =	vpush v24, $0xE  }
0x120: {  	(v2sf) =	vpush v24, $0xF;
	s4 =	spop (v2sf)  }
0x121: {  	(v2sf) =	vpush v28, $0x0;
	s3 =	spop (v2sf)  }
0x122: {  	(v2sf) =	vpush v28, $0x1;
	s5 =	spop (v2sf)  }
0x123: {  	s8 =	spop (v2sf)  }
0x124: {  	(v2sf) =	vpush v28, $0x2;
	s9 =	spop (v2sf)  }
0x125: {  	s10 =	spop (v2sf)  }
0x126: {  	(v2sf) =	vpush v28, $0x3;
	s11 =	spop (v2sf)  }
0x127: {  	s14 =	spop (v2sf)  }
0x128: {  	(v2sf) =	vpush v28, $0x4;
	s16 =	spop (v2sf)  }
0x129: {  	s17 =	spop (v2sf)  }
0x12a: {  	(v2sf) =	vpush v28, $0x5;
	s18 =	spop (v2sf)  }
0x12b: {  	s20 =	spop (v2sf)  }
0x12c: {  	(v2sf) =	vpush v28, $0x6;
	s21 =	spop (v2sf)  }
0x12d: {  	s23 =	spop (v2sf)  }
0x12e: {  	(v2sf) =	vpush v28, $0x7;
	s1 =	spop (v2sf)  }
0x12f: {  	s28 =	spop (v2sf)  }
0x130: {  	(v2sf) =	vpush v28, $0x8;
	[smem:$0x7FC] =	sst s1;
	s1 =	spop (v2sf)  }
0x131: {  	[smem:$0x7FD] =	sst s28;
	s28 =	spop (v2sf)  }
0x132: {  	(v2sf) =	vpush v28, $0x9;
	s0 =	sadd.f32 s28, s1  }
0x133: {  	s1 =	spop (v2sf)  }
0x134: {  	(v2sf) =	vpush v28, $0xA;
	s0 =	sadd.f32 s0, s1  }
0x135: {  	s1 =	spop (v2sf)  }
0x136: {  	(v2sf) =	vpush v28, $0xB;
	s0 =	sadd.f32 s0, s1  }
0x137: {  	s1 =	spop (v2sf)  }
0x138: {  	(v2sf) =	vpush v28, $0xC;
	s0 =	sadd.f32 s0, s1  }
0x139: {  	s1 =	spop (v2sf)  }
0x13a: {  	(v2sf) =	vpush v28, $0xD;
	s0 =	sadd.f32 s0, s1  }
0x13b: {  	s1 =	spop (v2sf)  }
0x13c: {  	(v2sf) =	vpush v28, $0xE;
	s0 =	sadd.f32 s0, s1  }
0x13d: {  	s28 =	rddreg [dreg:$0x19];
	s1 =	spop (v2sf)  }
0x13e: {  	(v2sf) =	vpush v28, $0xF;
	s0 =	sadd.f32 s0, s1  }
0x13f: {  	s28 =	sadd.f32 s28, s25;
	s1 =	spop (v2sf)  }
0x140: {  	s0 =	sadd.f32 s0, s1  }
0x141: {  	s25 =	rddreg [dreg:$0x18];
	s1 =	spop (v2sf)  }
0x142: {  	s0 =	sadd.f32 s0, s1  }
0x143: {  	s25 =	sadd.f32 s28, s25;
	s1 =	spop (v2sf)  }
0x144: {  	s0 =	sadd.f32 s0, s1  }
0x145: {  	s28 =	rddreg [dreg:$0x17];
	s1 =	spop (v2sf)  }
0x146: {  	s0 =	sadd.f32 s0, s1  }
0x147: {  	s25 =	sadd.f32 s25, s28;
	s1 =	spop (v2sf)  }
0x148: {  	s0 =	sadd.f32 s0, s1  }
0x149: {  	s28 =	rddreg [dreg:$0x15];
	s1 =	spop (v2sf)  }
0x14a: {  	s0 =	sadd.f32 s0, s1  }
0x14b: {  	s25 =	sadd.f32 s25, s28;
	s1 =	spop (v2sf)  }
0x14c: {  	s0 =	sadd.f32 s0, s1  }
0x14d: {  	s28 =	rddreg [dreg:$0x16];
	s1 =	spop (v2sf)  }
0x14e: {  	s0 =	sadd.f32 s0, s1  }
0x14f: {  	s25 =	sadd.f32 s25, s28  }
0x150: {  	s28 =	rddreg [dreg:$0x13];
	s0 =	smul.f32 $7.812500000e-03, s0  }
0x151: {  	s1 =	rddreg [dreg:$0x14]  }
0x152: {  	v61 =	vmov s0;
	s0 =	sadd.f32 s25, s1  }
0x153: {  	s25 =	sld [smem:$0x7F2]  }
0x154: {  	s0 =	sadd.f32 s0, s28  }
0x155: {  	s28 =	sld [smem:$0x7F3];
	_ =	sdelay $0x2  }
0x156: {  	s25 =	sadd.f32 s28, s25  }
0x157: {  	s28 =	rddreg [dreg:$0x12]  }
0x158: {  	s0 =	sadd.f32 s0, s28  }
0x159: {  	s28 =	sld [smem:$0x7F4];
	_ =	sdelay $0x2  }
0x15a: {  	s25 =	sadd.f32 s25, s28  }
0x15b: {  	s28 =	rddreg [dreg:$0x11]  }
0x15c: {  	s0 =	sadd.f32 s0, s28  }
0x15d: {  	s28 =	sld [smem:$0x7F5];
	_ =	sdelay $0x2  }
0x15e: {  	s25 =	sadd.f32 s25, s28  }
0x15f: {  	s28 =	rddreg [dreg:$0x10]  }
0x160: {  	s0 =	sadd.f32 s0, s28  }
0x161: {  	s28 =	sld [smem:$0x7F6];
	_ =	sdelay $0x2  }
0x162: {  	s25 =	sadd.f32 s25, s28  }
0x163: {  	s28 =	rddreg [dreg:$0xf]  }
0x164: {  	s0 =	sadd.f32 s0, s28  }
0x165: {  	s28 =	sld [smem:$0x7F7];
	_ =	sdelay $0x2  }
0x166: {  	s25 =	sadd.f32 s25, s28  }
0x167: {  	s28 =	rddreg [dreg:$0xe]  }
0x168: {  	s0 =	sadd.f32 s0, s28  }
0x169: {  	s28 =	sld [smem:$0x7F8];
	_ =	sdelay $0x2  }
0x16a: {  	s25 =	sadd.f32 s25, s28  }
0x16b: {  	s28 =	rddreg [dreg:$0xd]  }
0x16c: {  	v31 =	vsub.f32 v25, v61;
	v30 =	vsub.f32 v51, v61;
	s0 =	sadd.f32 s0, s28  }
0x16d: {  	s28 =	sld [smem:$0x7F9]  }
0x16e: {  	v24 =	vsub.f32 v29, v61;
	v62 =	vmul.f32 v31, v31;
	v63 =	vmul.f32 v30, v30;
	_ =	sdelay $0x1  }
0x16f: {  	v25 =	vsub.f32 v32, v61;
	v29 =	vmul.f32 v24, v24;
	v28 =	vadd.f32 v63, v62;
	s25 =	sadd.f32 s25, s28  }
0x170: {  	s28 =	rddreg [dreg:$0xc]  }
0x171: {  	v26 =	vsub.f32 v27, v61;
	v0 =	vmul.f32 v25, v25;
	v28 =	vadd.f32 v28, v29;
	s0 =	sadd.f32 s0, s28  }
0x172: {  	s28 =	sld [smem:$0x7FA]  }
0x173: {  	v27 =	vsub.f32 v34, v61;
	v1 =	vmul.f32 v26, v26;
	v29 =	vadd.f32 v28, v0;
	_ =	sdelay $0x1  }
0x174: {  	v2 =	vmul.f32 v27, v27;
	v28 =	vsub.f32 v58, v61;
	v32 =	vadd.f32 v29, v1;
	s25 =	sadd.f32 s25, s28  }
0x175: {  	s28 =	rddreg [dreg:$0xb]  }
0x176: {  	v29 =	vsub.f32 v59, v61;
	v37 =	vmul.f32 v28, v28;
	v32 =	vadd.f32 v32, v2;
	s0 =	sadd.f32 s0, s28  }
0x177: {  	s28 =	sld [smem:$0x7FB]  }
0x178: {  	v38 =	vmul.f32 v29, v29;
	v32 =	vadd.f32 v32, v37;
	_ =	sdelay $0x1  }
0x179: {  	v32 =	vadd.f32 v32, v38;
	s0 =	smul.f32 $7.812500000e-03, s0;
	s25 =	sadd.f32 s25, s28  }
0x17a: {  	s28 =	rddreg [dreg:$0x1f]  }
0x17b: {  	(v2sf) =	vpush v32, $0x0;
	s0 =	sadd.f32 $9.999999960e-13, s0  }
0x17c: {  	s25 =	sadd.f32 s25, s28  }
0x17d: {  	(v2sf) =	vpush v32, $0x1;
	s28 =	rddreg [dreg:$0x1e]  }
0x17e: {  	s28 =	sadd.f32 s25, s28  }
0x17f: {  	(v2sf) =	vpush v32, $0x2;
	s1 =	sshrl.u32 s0, $0x1;
	s25 =	smul.f32 $5.000000000e-01, s0;
	s0 =	sadd.f32 s3, s4  }
0x180: {  	s4 =	rddreg [dreg:$0x1d]  }
0x181: {  	s3 =	sadd.f32 s28, s4  }
0x182: {  	(v2sf) =	vpush v32, $0x3;
	s0 =	sadd.f32 s0, s5  }
0x183: {  	s1 =	ssub.s32 $0x5F3759DF, s1;
	s28 =	rddreg [dreg:$0x1c]  }
0x184: {  	s4 =	smul.f32 s1, s25;
	s5 =	rddreg [dreg:$0x1a]  }
0x185: {  	(v2sf) =	vpush v32, $0x4;
	s3 =	sadd.f32 s3, s28  }
0x186: {  	s4 =	smul.f32 s1, s4;
	s0 =	sadd.f32 s0, s8  }
0x187: {  	(v2sf) =	vpush v32, $0x5;
	s28 =	rddreg [dreg:$0x1b]  }
0x188: {  	s4 =	ssub.f32 $1.500000000e+00, s4  }
0x189: {  	s3 =	sadd.f32 s3, s28  }
0x18a: {  	(v2sf) =	vpush v32, $0x6;
	s8 =	spop (v2sf);
	s0 =	sadd.f32 s0, s9  }
0x18b: {  	s4 =	smul.f32 s1, s4;
	s1 =	sadd.f32 s3, s5  }
0x18c: {  	s9 =	spop (v2sf);
	s0 =	sadd.f32 s0, s10  }
0x18d: {  	(v2sf) =	vpush v32, $0x7;
	s3 =	sadd.f32 s9, s8  }
0x18e: {  	s0 =	sadd.f32 s0, s11;
	s11 =	spop (v2sf)  }
0x18f: {  	(v2sf) =	vpush v32, $0x8;
	s1 =	smul.f32 $7.812500000e-03, s1;
	s3 =	sadd.f32 s3, s11  }
0x190: {  	s10 =	smul.f32 s4, s25;
	s0 =	sadd.f32 s0, s14  }
0x191: {  	s14 =	spop (v2sf);
	s1 =	sadd.f32 $9.999999960e-13, s1  }
0x192: {  	(v2sf) =	vpush v32, $0x9;
	s5 =	smul.f32 s10, s4;
	s3 =	sadd.f32 s3, s14  }
0x193: {  	s0 =	sadd.f32 s0, s16  }
0x194: {  	s28 =	spop (v2sf);
	s5 =	ssub.f32 $1.500000000e+00, s5  }
0x195: {  	v47 =	vld [tilespmem:$0x570];
	(v2sf) =	vpush v32, $0xA;
	s9 =	sshrl.u32 s1, $0x1;
	s1 =	smul.f32 $5.000000000e-01, s1;
	s3 =	sadd.f32 s3, s28  }
0x196: {  	v48 =	vld [tilespmem:$0x480];
	s10 =	spop (v2sf);
	s0 =	sadd.f32 s0, s17  }
0x197: {  	v40 =	vld [tilespmem:$0x530];
	s8 =	ssub.s32 $0x5F3759DF, s9;
	s3 =	sadd.f32 s3, s10  }
0x198: {  	v54 =	vld [tilespmem:$0x4B0];
	(v2sf) =	vpush v32, $0xB;
	s11 =	smul.f32 s8, s1;
	s10 =	sld [smem:$0x7FC]  }
0x199: {  	v35 =	vld [tilespmem:$0x490];
	s14 =	spop (v2sf);
	s0 =	sadd.f32 s0, s18  }
0x19a: {  	v55 =	vld [tilespmem:$0x530];
	(v2sf) =	vpush v32, $0xC;
	s9 =	smul.f32 s8, s11;
	s3 =	sadd.f32 s3, s14  }
0x19b: {  	v36 =	vld [tilespmem:$0x510];
	(v2sf) =	vpush v32, $0xD;
	s0 =	sadd.f32 s0, s20  }
0x19c: {  	v56 =	vld [tilespmem:$0x4C0];
	s28 =	spop (v2sf);
	s11 =	ssub.f32 $1.500000000e+00, s9  }
0x19d: {  	v49 =	vld [tilespmem:$0x500];
	s4 =	smul.f32 s5, s4;
	s3 =	sadd.f32 s3, s28  }
0x19e: {  	v50 =	vld [tilespmem:$0x490];
	s14 =	spop (v2sf);
	s0 =	sadd.f32 s0, s21  }
0x19f: {  	v52 =	vld [tilespmem:$0x4A0];
	(v2sf) =	vpush v32, $0xE;
	s5 =	smul.f32 s8, s11;
	s3 =	sadd.f32 s3, s14  }
0x1a0: {  	v53 =	vld [tilespmem:$0x520];
	s0 =	sadd.f32 s0, s23  }
0x1a1: {  	v33 =	vld [tilespmem:$0x480];
	(v2sf) =	vpush v32, $0xF;
	s11 =	smul.f32 s5, s1;
	s23 =	spop (v2sf)  }
0x1a2: {  	v57 =	vld [tilespmem:$0x540];
	s3 =	sadd.f32 s3, s23  }
0x1a3: {  	v60 =	vld [tilespmem:$0x4E0];
	s0 =	sadd.f32 s0, s10;
	s9 =	smul.f32 s11, s5  }
0x1a4: {  	v39 =	vld [tilespmem:$0x4B0];
	s23 =	sld [smem:$0x7FD];
	s28 =	spop (v2sf)  }
0x1a5: {  	v42 =	vld [tilespmem:$0x540];
	s3 =	sadd.f32 s3, s28  }
0x1a6: {  	v41 =	vld [tilespmem:$0x4C0];
	s11 =	ssub.f32 $1.500000000e+00, s9  }
0x1a7: {  	v43 =	vld [tilespmem:$0x550];
	s14 =	spop (v2sf);
	s0 =	sadd.f32 s0, s23  }
0x1a8: {  	v44 =	vld [tilespmem:$0x4E0];
	s3 =	sadd.f32 s3, s14;
	s14 =	smul.f32 s4, s25  }
0x1a9: {  	v45 =	vld [tilespmem:$0x560];
	s28 =	spop (v2sf);
	s0 =	smul.f32 $7.812500000e-03, s0  }
0x1aa: {  	v46 =	vld [tilespmem:$0x4F0];
	s23 =	spop (v2sf);
	s3 =	sadd.f32 s3, s28  }
0x1ab: {  	v34 =	vld [tilespmem:$0x500];
	s9 =	smul.f32 s14, s4;
	s0 =	sadd.f32 $9.999999960e-13, s0  }
0x1ac: {  	v51 =	vld [tilespmem:$0x510];
	s10 =	sadd.f32 s3, s23  }
0x1ad: {  	v62 =	vld [tilespmem:$0x4F0];
	s9 =	ssub.f32 $1.500000000e+00, s9;
	s3 =	smul.f32 $5.000000000e-01, s0  }
0x1ae: {  	v63 =	vld [tilespmem:$0x570];
	s25 =	spop (v2sf);
	s28 =	sshrl.u32 s0, $0x1;
	s0 =	smul.f32 s11, s5  }
0x1af: {  	v58 =	vld [tilespmem:$0x4D0];
	s5 =	ssub.s32 $0x5F3759DF, s28;
	s11 =	sadd.f32 s10, s25;
	s9 =	smul.f32 s9, s4  }
0x1b0: {  	v0 =	vld [tilespmem:$0x480];
	s23 =	spop (v2sf);
	s14 =	smul.f32 s5, s3  }
0x1b1: {  	v59 =	vld [tilespmem:$0x550];
	s1 =	smul.f32 s0, s1;
	s8 =	sadd.f32 s11, s23  }
0x1b2: {  	v61 =	vld [tilespmem:$0x560];
	s10 =	smul.f32 s5, s14  }
0x1b3: {  	v1 =	vld [tilespmem:$0x490];
	s8 =	smul.f32 $7.812500000e-03, s8  }
0x1b4: {  	v2 =	vld [tilespmem:$0x500];
	s25 =	ssub.f32 $1.500000000e+00, s10  }
0x1b5: {  	v37 =	vld [tilespmem:$0x4A0];
	v6 =	vmul.f32 s9, v6;
	s28 =	smul.f32 s1, s0;
	s8 =	sadd.f32 $9.999999960e-13, s8  }
0x1b6: {  	v38 =	vld [tilespmem:$0x520];
	v4 =	vmul.f32 s9, v4;
	s5 =	smul.f32 s5, s25  }
0x1b7: {  	v32 =	vld [tilespmem:$0x4D0];
	v7 =	vmul.f32 s9, v7;
	v6 =	vmul.f32 v6, v35;
	s11 =	sshrl.u32 s8, $0x1;
	s1 =	smul.f32 $5.000000000e-01, s8  }
0x1b8: {  	v4 =	vmul.f32 v4, v39;
	v39 =	vld [tilespmem:$0x1FFE0];
	s14 =	smul.f32 s5, s3;
	s11 =	ssub.s32 $0x5F3759DF, s11  }
0x1b9: {  	v3 =	vmul.f32 s9, v3;
	v7 =	vmul.f32 v7, v33;
	v6 =	vadd.f32 v6, v36;
	v36 =	vld [tilespmem:$0x1FFD0];
	s4 =	smul.f32 s11, s1  }
0x1ba: {  	v33 =	vld [tilespmem:$0x510];
	s8 =	smul.f32 s14, s5  }
0x1bb: {  	v5 =	vmul.f32 s9, v5;
	v3 =	vmul.f32 v3, v41;
	v41 =	vld [tilespmem:$0x1FFF0];
	s10 =	ssub.f32 $1.500000000e+00, s28;
	v7 =	vadd.f32 v7, v34;
	s23 =	smul.f32 s11, s4  }
0x1bc: {  	v35 =	vld [tilespmem:$0x4A0];
	s8 =	ssub.f32 $1.500000000e+00, s8  }
0x1bd: {  	v5 =	vmul.f32 v5, v37;
	v37 =	vld [tilespmem:$0x4B0];
	s25 =	smul.f32 s10, s0;
	[tilespmem:$0x580] =	vst v7;
	v7 =	vmul.f32 s9, v39;
	s28 =	ssub.f32 $1.500000000e+00, s23  }
0x1be: {  	v34 =	vld [tilespmem:$0x520];
	v36 =	vmul.f32 s9, v36;
	s5 =	smul.f32 s8, s5  }
0x1bf: {  	v5 =	vadd.f32 v5, v38;
	v38 =	vld [tilespmem:$0x530];
	v39 =	vmul.f32 s25, v15;
	v44 =	vmul.f32 v7, v44;
	s0 =	smul.f32 s11, s28  }
0x1c0: {  	v4 =	vadd.f32 v4, v40;
	[tilespmem:$0x590] =	vst v6;
	v15 =	vld [tilespmem:$0x540];
	v40 =	vmul.f32 v36, v32;
	v32 =	vmul.f32 s9, v41;
	s3 =	smul.f32 s5, s3  }
0x1c1: {  	v3 =	vadd.f32 v3, v42;
	[tilespmem:$0x5A0] =	vst v5;
	v14 =	vmul.f32 s25, v14;
	v7 =	vld [tilespmem:$0x510];
	s9 =	smul.f32 s0, s1  }
0x1c2: {  	[tilespmem:$0x5B0] =	vst v4;
	v12 =	vmul.f32 s25, v12;
	v36 =	vld [tilespmem:$0x4C0];
	v42 =	vadd.f32 v44, v45;
	v41 =	vmul.f32 v32, v46;
	s3 =	smul.f32 s3, s5  }
0x1c3: {  	[tilespmem:$0x5C0] =	vst v3;
	v44 =	vmul.f32 s25, v13;
	v13 =	vld [tilespmem:$0x550];
	v40 =	vadd.f32 v40, v43;
	v43 =	vmul.f32 v39, v48;
	s8 =	smul.f32 s9, s0  }
0x1c4: {  	v10 =	vmul.f32 s25, v10;
	v32 =	vld [tilespmem:$0x4D0];
	v46 =	vmul.f32 v14, v50;
	[tilespmem:$0x5E0] =	vst v42;
	v45 =	vadd.f32 v41, v47;
	s3 =	ssub.f32 $1.500000000e+00, s3  }
0x1c5: {  	v9 =	vmul.f32 s25, v9;
	v14 =	vld [tilespmem:$0x4E0];
	v48 =	vmul.f32 v44, v52;
	[tilespmem:$0x5D0] =	vst v40;
	v47 =	vadd.f32 v43, v49;
	s8 =	ssub.f32 $1.500000000e+00, s8  }
0x1c6: {  	v49 =	vmul.f32 s25, v11;
	v11 =	vld [tilespmem:$0x560];
	v50 =	vadd.f32 v46, v51;
	v51 =	vmul.f32 v12, v54;
	[tilespmem:$0x5F0] =	vst v45;
	s3 =	smul.f32 s3, s5  }
0x1c7: {  	v12 =	vld [tilespmem:$0x4F0];
	v52 =	vadd.f32 v48, v53;
	v54 =	vmul.f32 s25, v8;
	v41 =	vmul.f32 v9, v62;
	[tilespmem:$0x600] =	vst v47;
	s0 =	smul.f32 s8, s0  }
0x1c8: {  	v8 =	vld [tilespmem:$0x570];
	v53 =	vmul.f32 v49, v56;
	[tilespmem:$0x610] =	vst v50;
	v55 =	vadd.f32 v51, v55;
	v56 =	vmul.f32 v10, v58  }
0x1c9: {  	v43 =	vld [tilespmem:$0x490];
	[tilespmem:$0x620] =	vst v52;
	v60 =	vmul.f32 v54, v60;
	v46 =	vadd.f32 v41, v63;
	v39 =	vmul.f32 s3, v23;
	s1 =	smul.f32 s0, s1  }
0x1ca: {  	v48 =	vld [tilespmem:$0x4A0];
	v58 =	vadd.f32 v53, v57;
	[tilespmem:$0x630] =	vst v55;
	v42 =	vmul.f32 s3, v22;
	v45 =	vmul.f32 s3, v21  }
0x1cb: {  	v62 =	vld [tilespmem:$0x4C0];
	v40 =	vadd.f32 v56, v59;
	[tilespmem:$0x670] =	vst v46;
	v47 =	vmul.f32 s3, v20;
	v0 =	vmul.f32 v39, v0;
	s1 =	smul.f32 s1, s0  }
0x1cc: {  	v10 =	vld [tilespmem:$0x480];
	v44 =	vadd.f32 v60, v61;
	[tilespmem:$0x640] =	vst v58;
	v50 =	vmul.f32 s3, v19;
	v1 =	vmul.f32 v42, v1  }
0x1cd: {  	v51 =	vld [tilespmem:$0x520];
	[tilespmem:$0x650] =	vst v40;
	v53 =	vmul.f32 s3, v18;
	v49 =	vmul.f32 v45, v35;
	v0 =	vadd.f32 v0, v2;
	s1 =	ssub.f32 $1.500000000e+00, s1  }
0x1ce: {  	v54 =	vld [tilespmem:$0x4B0];
	[tilespmem:$0x660] =	vst v44;
	v57 =	vmul.f32 s3, v17;
	v52 =	vmul.f32 v47, v37;
	v1 =	vadd.f32 v1, v33  }
0x1cf: {  	v46 =	vld [tilespmem:$0x4F0];
	v61 =	vmul.f32 s3, v16;
	v56 =	vmul.f32 v50, v36;
	v55 =	vadd.f32 v49, v34;
	[tilespmem:$0x680] =	vst v0;
	s0 =	smul.f32 s1, s0  }
0x1d0: {  	v23 =	vld [tilespmem:$0x500];
	v60 =	vmul.f32 v53, v32;
	v19 =	vmul.f32 v57, v14;
	v59 =	vadd.f32 v52, v38;
	[tilespmem:$0x690] =	vst v1  }
0x1d1: {  	v58 =	vld [tilespmem:$0x530];
	v32 =	vmul.f32 v61, v12;
	v63 =	vadd.f32 v56, v15;
	[tilespmem:$0x6A0] =	vst v55;
	v20 =	vmul.f32 s0, v31  }
0x1d2: {  	v21 =	vld [tilespmem:$0x540];
	v35 =	vadd.f32 v19, v11;
	[tilespmem:$0x6B0] =	vst v59;
	v33 =	vmul.f32 s0, v30  }
0x1d3: {  	v34 =	vld [tilespmem:$0x4D0];
	v39 =	vadd.f32 v32, v8;
	[tilespmem:$0x6C0] =	vst v63;
	v37 =	vmul.f32 s0, v24;
	v36 =	vmul.f32 v20, v10  }
0x1d4: {  	v42 =	vld [tilespmem:$0x4E0];
	[tilespmem:$0x6E0] =	vst v35;
	v31 =	vadd.f32 v60, v13;
	v41 =	vmul.f32 s0, v25;
	v40 =	vmul.f32 v33, v43  }
0x1d5: {  	v38 =	vld [tilespmem:$0x550];
	[tilespmem:$0x6F0] =	vst v39;
	v45 =	vmul.f32 s0, v26;
	v44 =	vmul.f32 v37, v48;
	v43 =	vadd.f32 v36, v23  }
0x1d6: {  	v50 =	vld [tilespmem:$0x560];
	v49 =	vmul.f32 s0, v27;
	[tilespmem:$0x6D0] =	vst v31;
	v48 =	vmul.f32 v41, v54;
	v47 =	vadd.f32 v40, v7  }
0x1d7: {  	v53 =	vmul.f32 s0, v28;
	v52 =	vmul.f32 v45, v62;
	v54 =	vld [tilespmem:$0x570];
	v51 =	vadd.f32 v44, v51;
	[tilespmem:$0x700] =	vst v43  }
0x1d8: {  	v57 =	vmul.f32 s0, v29;
	v56 =	vmul.f32 v49, v34;
	v55 =	vadd.f32 v48, v58;
	[tilespmem:$0x710] =	vst v47  }
0x1d9: {  	v59 =	vmul.f32 v53, v42;
	v58 =	vadd.f32 v52, v21;
	[tilespmem:$0x720] =	vst v51  }
0x1da: {  	v61 =	vmul.f32 v57, v46;
	v60 =	vadd.f32 v56, v38;
	[tilespmem:$0x730] =	vst v55  }
0x1db: {  	v62 =	vadd.f32 v59, v50;
	[tilespmem:$0x740] =	vst v58  }
0x1dc: {  	[tilespmem:$0x750] =	vst v60;
	v63 =	vadd.f32 v61, v54  }
0x1dd: {  	s16 =	simm.s32 $0x80;
	s14 =	rddreg [dreg:$0x8];
	[tilespmem:$0x760] =	vst v62  }
0x1de: {  	s23 =	rddreg [dreg:$0xa];
	s28 =	simm.s32 $0x3;
	s25 =	simm.s32 $0x580;
	[tilespmem:$0x770] =	vst v63  }
0x1df: {  	[spmem:s23] =	stream.linear.scatter [tilespmem:s25], [sflag:$0x3], $0x200, $0x38;
	[tilespmem:$0x16F80] =	vst v63  }
0x1e0: {  	s17 =	simm.s32 $0x800;
	s11 =	rddreg [dreg:$0x5];
	_ =	swait.ge [sflag:s28], $0x200  }
0x1e1: {  	s18 =	simm.s32 $0x880;
	s20 =	simm.s32 $0x900;
	[sflag:s28] =	ssyncset.done $0x0  }
0x1e2: {  	s21 =	simm.s32 $0x980;
	s10 =	simm.s32 $0x780;
	[sflag:s28] =	ssyncadd.s32 $0xFFFFFE00  }
.LBB2_3:
0x1e3: {  	_ =	swait.ge [sflag:s22], $0x2800  }
0x1e4: {  	[sflag:s22] =	ssyncset.done $0x0  }
0x1e5: {  	[sflag:s22] =	ssyncadd.s32 $0xFFFFD800  }
0x1e6: {  	[bflag:$0x0] =	sbarrier.arrive $0xFFFF  }
0x1e7: {  	[tilespmem:s24], [sflag:$0x1] =	stream.indirect.gather [spmem:s6], $0x80, s10, s16, $0xb8;
	[tilespmem:$0x16F80] =	vst v63  }
0x1e8: {  	_ = 	snop  }
0x1e9: {  	[tilespmem:s26], [sflag:$0x1] =	stream.indirect.gather [spmem:s6], $0x80, s17, s16, $0xb8;
	[tilespmem:$0x16F80] =	vst v63  }
0x1ea: {  	_ = 	snop  }
0x1eb: {  	[tilespmem:s29], [sflag:$0x1] =	stream.indirect.gather [spmem:s6], $0x80, s18, s16, $0xb8;
	[tilespmem:$0x16F80] =	vst v63  }
0x1ec: {  	_ = 	snop  }
0x1ed: {  	[tilespmem:s31], [sflag:$0x1] =	stream.indirect.gather [spmem:s6], $0x80, s20, s16, $0xb8;
	[tilespmem:$0x16F80] =	vst v63  }
0x1ee: {  	s1 =	simm.s32 $0x0;
	s3 =	smov.u32 s11  }
0x1ef: {  	[tilespmem:s2], [sflag:$0x1] =	stream.indirect.gather [spmem:s6], $0x80, s21, s16, $0xb8;
	[tilespmem:$0x16F80] =	vst v63  }
.LBB2_4:
0x1f0: {  	_ =	swait.ge [sflag:s19], $0x4000  }
0x1f1: {  	[sflag:s19] =	ssyncset.done $0x0  }
0x1f2: {  	s0 =	sadd.s32 s3, s13;
	[sflag:s19] =	ssyncadd.s32 $0xFFFFC000  }
0x1f3: {  	[hbm4b:s0+s7] =	stream.linear.scatter [tilespmem:s24], [sflag:$0x2], $0x4000, $0x38;
	[tilespmem:$0x16F80] =	vst v63  }
0x1f4: {  	_ =	swait.ge [sflag:s19], $0x4000  }
0x1f5: {  	s23 =	sadd.s32 s3, s12;
	[sflag:s19] =	ssyncset.done $0x0  }
0x1f6: {  	s4 =	sadd.s32 $0x800, s23;
	[sflag:s19] =	ssyncadd.s32 $0xFFFFC000  }
0x1f7: {  	[hbm4b:s4+s7] =	stream.linear.scatter [tilespmem:s26], [sflag:$0x2], $0x4000, $0x38;
	[tilespmem:$0x16F80] =	vst v63  }
0x1f8: {  	_ =	swait.ge [sflag:s19], $0x4000  }
0x1f9: {  	[sflag:s19] =	ssyncset.done $0x0  }
0x1fa: {  	s25 =	sadd.s32 $0x1000, s23;
	[sflag:s19] =	ssyncadd.s32 $0xFFFFC000  }
0x1fb: {  	[hbm4b:s25+s7] =	stream.linear.scatter [tilespmem:s29], [sflag:$0x2], $0x4000, $0x38;
	[tilespmem:$0x16F80] =	vst v63  }
0x1fc: {  	_ =	swait.ge [sflag:s19], $0x4000  }
0x1fd: {  	[sflag:s19] =	ssyncset.done $0x0  }
0x1fe: {  	s28 =	sadd.s32 $0x1800, s23;
	[sflag:s19] =	ssyncadd.s32 $0xFFFFC000  }
0x1ff: {  	[hbm4b:s28+s7] =	stream.linear.scatter [tilespmem:s31], [sflag:$0x2], $0x4000, $0x38;
	[tilespmem:$0x16F80] =	vst v63  }
0x200: {  	_ =	swait.ge [sflag:s19], $0x4000  }
0x201: {  	[sflag:s19] =	ssyncset.done $0x0  }
0x202: {  	p1 =	seq.s32 s1, $0x9600;
	s0 =	sadd.s32 $0x2000, s23;
	[sflag:s19] =	ssyncadd.s32 $0xFFFFC000  }
0x203: {  	[hbm4b:s0+s7] =	stream.linear.scatter [tilespmem:s2], [sflag:$0x2], $0x4000, $0x38;
	[tilespmem:$0x16F80] =	vst v63  }
0x204: {  	s0 =	simm.s32 @!p1 $0x2  }
0x205: {  	_ =	swait.ge @!p1 [sflag:s0], $0x4000  }
0x206: {  	s8 =	simm.s32 @!p1 $0x80;
	s4 =	sshra.s32 @!p1 s1, $0x2;
	[sflag:s0] =	ssyncset.done @!p1 $0x0  }
0x207: {  	s9 =	simm.s32 @!p1 $0x2F80;
	s5 =	sadd.s32 @!p1 $0xA00, s4;
	[sflag:s0] =	ssyncadd.s32 @!p1 $0xFFFFC000  }
0x208: {  	[tilespmem:s9], [sflag:$0x1] =	stream.indirect.gather @!p1 [spmem:s6], $0x80, s5, s8, $0xb8;
	[tilespmem:$0x16F80] =	vst v63  }
0x209: {  	_ =	swait.ge @!p1 [sflag:s0], $0x4000  }
0x20a: {  	[sflag:s0] =	ssyncset.done @!p1 $0x0  }
0x20b: {  	s5 =	sadd.s32 @!p1 $0xA80, s4;
	s9 =	simm.s32 @!p1 $0x6F80;
	[sflag:s0] =	ssyncadd.s32 @!p1 $0xFFFFC000  }
0x20c: {  	[tilespmem:s9], [sflag:$0x1] =	stream.indirect.gather @!p1 [spmem:s6], $0x80, s5, s8, $0xb8;
	[tilespmem:$0x16F80] =	vst v63  }
0x20d: {  	_ =	swait.ge @!p1 [sflag:s0], $0x4000  }
0x20e: {  	s1 =	sadd.s32 @!p1 $0xA00, s1;
	[sflag:s0] =	ssyncset.done @!p1 $0x0  }
0x20f: {  	s5 =	sadd.s32 @!p1 $0xB00, s4;
	s9 =	simm.s32 @!p1 $0xAF80;
	[sflag:s0] =	ssyncadd.s32 @!p1 $0xFFFFC000  }
0x210: {  	[tilespmem:s9], [sflag:$0x1] =	stream.indirect.gather @!p1 [spmem:s6], $0x80, s5, s8, $0xb8;
	[tilespmem:$0x16F80] =	vst v63  }
0x211: {  	p2 =	sne.s32 @!p1 s1, $0xA000;
	_ =	swait.ge @!p1 [sflag:s0], $0x4000  }
0x212: {  	p2 =	por p1, !p2;
	[sflag:s0] =	ssyncset.done @!p1 $0x0  }
0x213: {  	s5 =	sadd.s32 @!p1 $0xB80, s4;
	s9 =	simm.s32 @!p1 $0xEF80;
	[sflag:s0] =	ssyncadd.s32 @!p1 $0xFFFFC000  }
0x214: {  	[tilespmem:s9], [sflag:$0x1] =	stream.indirect.gather @!p1 [spmem:s6], $0x80, s5, s8, $0xb8;
	[tilespmem:$0x16F80] =	vst v63  }
.Ltmp1:
0x215: {  	_ = 	snop;
	(pc) =	sbr.rel @!p2 .LBB2_4-.Ltmp1, $4  }
0x216: {  	_ =	swait.ge @!p1 [sflag:s0], $0x4000  }
0x217: {  	s3 =	sadd.s32 @!p1 $0x2800, s3;
	[sflag:s0] =	ssyncset.done @!p1 $0x0  }
0x218: {  	[sflag:s0] =	ssyncadd.s32 @!p1 $0xFFFFC000;
	s0 =	sadd.s32 @!p1 $0xC00, s4;
	s4 =	simm.s32 @!p1 $0x12F80  }
0x219: {  	[tilespmem:s4], [sflag:$0x1] =	stream.indirect.gather @!p1 [spmem:s6], $0x80, s0, s8, $0xb8;
	[tilespmem:$0x16F80] =	vst v63  }
0x21a: {  	_ =	swait.ge [sflag:s22], $0x4000  }
0x21b: {  	[sflag:s22] =	ssyncset.done $0x0  }
0x21c: {  	[sflag:s22] =	ssyncadd.s32 $0xFFFFC000  }
0x21d: {  	_ =	swait.ge [sflag:s22], $0x4000  }
0x21e: {  	[sflag:s22] =	ssyncset.done $0x0  }
0x21f: {  	[sflag:s22] =	ssyncadd.s32 $0xFFFFC000  }
0x220: {  	_ =	swait.ge [sflag:s22], $0x4000  }
0x221: {  	[sflag:s22] =	ssyncset.done $0x0  }
0x222: {  	s30 =	sadd.s32 $0x1, s30;
	[sflag:s22] =	ssyncadd.s32 $0xFFFFC000  }
0x223: {  	p1 =	sne.s32 s30, s15;
	_ =	swait.ge [sflag:s22], $0x4000  }
.Ltmp2:
0x224: {  	[sflag:s22] =	ssyncset.done $0x0;
	(pc) =	sbr.rel @p1 .LBB2_1-.Ltmp2, $4  }
0x225: {  	[sflag:s22] =	ssyncadd.s32 $0xFFFFC000  }
0x226: {  	_ =	swait.ge [sflag:s22], $0x4000  }
0x227: {  	[sflag:s22] =	ssyncset.done $0x0  }
0x228: {  	[sflag:s22] =	ssyncadd.s32 $0xFFFFC000  }
0x229: {  	_ =	sfence.sel $0x180000  }
0x22a: {  	[bflag:$0x0] =	sbarrier.arrive $0xFFFF  }
0x22b: {  	_ =	strace $0x90000047  }
0x22c: {  	s0 =	stileid.u32;
	[bflag:$0x2] =	sbarrier.arrive $0xFFFF  }
0x22d: {  	p0 =	sne.s32 s0, $0x0;
	s0 =	rddreg [dreg:$0x7]  }
0x22e: {  	s0 =	sadd.s32 @!p0 $0x100000, s0  }
0x22f: {  	[sflag:s0] =	ssyncadd.tile.s32 @!p0 $0x1;
	_ =	shalt  }
.Lfunc_end2:
_tile_overlayer_lowered:
.L_overlay_start_2:
0x230: {  	(tag) =	ssettag $0x2  }
0x231: {  	s0 =	rddreg [dreg:$0x0];
	s2 =	stileid.u32  }
0x232: {  	s1 =	rddreg [dreg:$0x1];
	p0 =	sne.s32 s2, $0x0  }
0x233: {  	s3 =	rddreg [dreg:$0x2];
	[bflag:$0x3] =	sbarrier.arrive $0xFFFF;
	s2 =	simm.s32 @!p0 $0x1C03  }
0x234: {  	[timem:s3], [sflag:s2] =	dma.local @!p0 [hbm:s0], s1  }
0x235: {  	s0 =	simm.s32 @!p0 $0x3  }
0x236: {  	_ =	swait.ge @!p0 [sflag:s0], s1  }
0x237: {  	s1 =	ssub.s32 @!p0 $0x0, s1;
	[sflag:s0] =	ssyncset.done @!p0 $0x0  }
0x238: {  	[sflag:s0] =	ssyncadd.s32 @!p0 s1  }
0x239: {  	[bflag:$0x3] =	sbarrier.arrive $0xFFFF  }
0x23a: {  	_ =	shalt  }

</sc_bundles>
